<compile_context>
chip_gen: v7x
topology: tpu7x:2x2x1
jax: 0.10.2.dev20260603
libtpu: 0.0.44.dev20260713+nightly
codegen_flags: <defaults>
</compile_context>

<pallas_src>
import jax
import jax.numpy as jnp
from jax import lax
from jax.experimental import pallas as pl
from jax.experimental.pallas import tpu as pltpu
from jax.experimental.pallas import tpu_sc as plsc

_N = 100000
_K = 256
_QMIN = 0.1
_SB = 1.0

_NP = 100352
_TILES = 16
_HPT = _NP // _TILES
_LAST = _N - 15 * _HPT
_G = _HPT // 16
_HG = _G // 2
_SETO = 16 * 256
_BN = 7168
_GRID = _NP // _BN
_NBIG = 1 << 30


def _sc_body(tid_hbm, beta_hbm, xs_hbm, ys_hbm,
             bmax_o, cnt_o, ax_o, ay_o, axn_o, ayn_o, bmn_o, cnn_o,
             tidv, betav, tbl_b, tbl_c, tbl_a,
             g_b, g_c, g_a, aclip, g_ax, g_ay,
             stage, stagei, axnv, aynv, bmnv, cnnv,
             sh_b, sh_c, sh_a, sem):
    wid = lax.axis_index("s")
    base = wid * _HPT
    lane = lax.iota(jnp.int32, 16)
    lane_off = lane * _K

    @pl.when(wid < _TILES - 1)
    def _full_load():
        pltpu.sync_copy(tid_hbm.at[pl.ds(base, _HPT)], tidv)
        pltpu.sync_copy(beta_hbm.at[pl.ds(base, _HPT)], betav)

    @pl.when(wid == _TILES - 1)
    def _tail_load():
        pltpu.sync_copy(tid_hbm.at[pl.ds(base, _LAST)],
                        tidv.at[pl.ds(0, _LAST)])
        pltpu.sync_copy(beta_hbm.at[pl.ds(base, _LAST)],
                        betav.at[pl.ds(0, _LAST)])

        def fill(j, c):
            s = _LAST + j * 16
            tidv[pl.ds(s, 16)] = jnp.zeros((16,), jnp.int32)
            betav[pl.ds(s, 16)] = jnp.zeros((16,), jnp.float32)
            return c
        lax.fori_loop(0, (_HPT - _LAST) // 16, fill, 0)

    def init_body(j, c):
        s = j * 16
        z16 = jnp.zeros((16,), jnp.float32)
        m16 = jnp.full((16,), -1.0, jnp.float32)
        b16 = jnp.full((16,), _NBIG, jnp.int32)
        tbl_b[pl.ds(s, 16)] = m16
        tbl_b[pl.ds(_SETO + s, 16)] = m16
        tbl_c[pl.ds(s, 16)] = z16
        tbl_c[pl.ds(_SETO + s, 16)] = z16
        tbl_a[pl.ds(s, 16)] = b16
        tbl_a[pl.ds(_SETO + s, 16)] = b16
        return c
    lax.fori_loop(0, _K, init_body, 0)

    def pass_a(i, c):
        off = i * 16
        off2 = _HG * 16 + off
        tv = tidv[pl.ds(off, 16)]
        bv = betav[pl.ds(off, 16)]
        tv2 = tidv[pl.ds(off2, 16)]
        bv2 = betav[pl.ds(off2, 16)]
        idx = lane_off + tv
        idx2 = _SETO + lane_off + tv2
        cb = plsc.load_gather(tbl_b, [idx])
        cb2 = plsc.load_gather(tbl_b, [idx2])
        plsc.store_scatter(tbl_b, [idx], jnp.maximum(cb, bv))
        plsc.store_scatter(tbl_b, [idx2], jnp.maximum(cb2, bv2))
        cc = plsc.load_gather(tbl_c, [idx])
        cc2 = plsc.load_gather(tbl_c, [idx2])
        plsc.store_scatter(tbl_c, [idx], cc + 1.0)
        plsc.store_scatter(tbl_c, [idx2], cc2 + 1.0)
        return c
    lax.fori_loop(0, _HG, pass_a, 0)

    def lmerge_bc(j, c):
        s = j * 16
        accb = tbl_b[pl.ds(s, 16)]
        accc = tbl_c[pl.ds(s, 16)]
        for t in range(1, 32):
            accb = jnp.maximum(accb, tbl_b[pl.ds(t * _K + s, 16)])
            accc = accc + tbl_c[pl.ds(t * _K + s, 16)]
        g_b[pl.ds(s, 16)] = accb
        g_c[pl.ds(s, 16)] = accc
        return c
    lax.fori_loop(0, 16, lmerge_bc, 0)

    pltpu.sync_copy(g_b, sh_b.at[pl.ds(wid * _K, _K)])
    pltpu.sync_copy(g_c, sh_c.at[pl.ds(wid * _K, _K)])
    plsc.subcore_barrier()

    pltpu.sync_copy(sh_b, stage)

    def gmerge_b(j, c):
        s = j * 16
        acc = stage[pl.ds(s, 16)]
        for t in range(1, _TILES):
            acc = jnp.maximum(acc, stage[pl.ds(t * _K + s, 16)])
        g_b[pl.ds(s, 16)] = acc
        return c
    lax.fori_loop(0, 16, gmerge_b, 0)

    pltpu.sync_copy(sh_c, stage)

    def gmerge_c(j, c):
        s = j * 16
        acc = stage[pl.ds(s, 16)]
        for t in range(1, _TILES):
            acc = acc + stage[pl.ds(t * _K + s, 16)]
        g_c[pl.ds(s, 16)] = acc
        return c
    lax.fori_loop(0, 16, gmerge_c, 0)

    def pass_b1(i, c):
        off = i * 16
        off2 = _HG * 16 + off
        tv = tidv[pl.ds(off, 16)]
        bv = betav[pl.ds(off, 16)]
        tv2 = tidv[pl.ds(off2, 16)]
        bv2 = betav[pl.ds(off2, 16)]
        gb = plsc.load_gather(g_b, [tv])
        gb2 = plsc.load_gather(g_b, [tv2])
        gidx = base + off + lane
        gidx2 = base + off2 + lane
        idx = lane_off + tv
        idx2 = _SETO + lane_off + tv2
        cur = plsc.load_gather(tbl_a, [idx])
        cur2 = plsc.load_gather(tbl_a, [idx2])
        new = jnp.where(bv == gb, jnp.minimum(cur, gidx), cur)
        new2 = jnp.where(bv2 == gb2, jnp.minimum(cur2, gidx2), cur2)
        plsc.store_scatter(tbl_a, [idx], new)
        plsc.store_scatter(tbl_a, [idx2], new2)
        return c
    lax.fori_loop(0, _HG, pass_b1, 0)

    def lmerge_a(j, c):
        s = j * 16
        acc = tbl_a[pl.ds(s, 16)]
        for t in range(1, 32):
            acc = jnp.minimum(acc, tbl_a[pl.ds(t * _K + s, 16)])
        g_a[pl.ds(s, 16)] = acc
        return c
    lax.fori_loop(0, 16, lmerge_a, 0)

    pltpu.sync_copy(g_a, sh_a.at[pl.ds(wid * _K, _K)])
    plsc.subcore_barrier()
    pltpu.sync_copy(sh_a, stagei)

    def gmerge_a(j, c):
        s = j * 16
        acc = stagei[pl.ds(s, 16)]
        for t in range(1, _TILES):
            acc = jnp.minimum(acc, stagei[pl.ds(t * _K + s, 16)])
        g_a[pl.ds(s, 16)] = acc
        aclip[pl.ds(s, 16)] = jnp.minimum(acc, _N - 1)
        return c
    lax.fori_loop(0, 16, gmerge_a, 0)

    pltpu.async_copy(xs_hbm.at[aclip], g_ax, sem).wait()
    pltpu.async_copy(ys_hbm.at[aclip], g_ay, sem).wait()

    def pass_b2(i, c):
        off = i * 16
        off2 = _HG * 16 + off
        tv = tidv[pl.ds(off, 16)]
        tv2 = tidv[pl.ds(off2, 16)]
        axnv[pl.ds(off, 16)] = plsc.load_gather(g_ax, [tv])
        axnv[pl.ds(off2, 16)] = plsc.load_gather(g_ax, [tv2])
        aynv[pl.ds(off, 16)] = plsc.load_gather(g_ay, [tv])
        aynv[pl.ds(off2, 16)] = plsc.load_gather(g_ay, [tv2])
        bmnv[pl.ds(off, 16)] = plsc.load_gather(g_b, [tv])
        bmnv[pl.ds(off2, 16)] = plsc.load_gather(g_b, [tv2])
        cnnv[pl.ds(off, 16)] = plsc.load_gather(g_c, [tv])
        cnnv[pl.ds(off2, 16)] = plsc.load_gather(g_c, [tv2])
        return c
    lax.fori_loop(0, _HG, pass_b2, 0)

    pltpu.sync_copy(axnv, axn_o.at[pl.ds(base, _HPT)])
    pltpu.sync_copy(aynv, ayn_o.at[pl.ds(base, _HPT)])
    pltpu.sync_copy(bmnv, bmn_o.at[pl.ds(base, _HPT)])
    pltpu.sync_copy(cnnv, cnn_o.at[pl.ds(base, _HPT)])

    @pl.when(wid == 0)
    def _emit_tables():
        pltpu.sync_copy(g_b, bmax_o)
        pltpu.sync_copy(g_c, cnt_o)
        pltpu.sync_copy(g_ax, ax_o)
        pltpu.sync_copy(g_ay, ay_o)


def _sc_call(tid_raw, beta_raw, xs, ys):
    f32 = jnp.float32
    kern = pl.kernel(
        _sc_body,
        out_type=[
            jax.ShapeDtypeStruct((_K,), f32),
            jax.ShapeDtypeStruct((_K,), f32),
            jax.ShapeDtypeStruct((_K,), f32),
            jax.ShapeDtypeStruct((_K,), f32),
            jax.ShapeDtypeStruct((_NP,), f32),
            jax.ShapeDtypeStruct((_NP,), f32),
            jax.ShapeDtypeStruct((_NP,), f32),
            jax.ShapeDtypeStruct((_NP,), f32),
        ],
        mesh=plsc.VectorSubcoreMesh(
            core_axis_name="c", subcore_axis_name="s",
            num_cores=1, num_subcores=_TILES),
        compiler_params=pltpu.CompilerParams(needs_layout_passes=False),
        scratch_types=[
            pltpu.VMEM((_HPT,), jnp.int32),
            pltpu.VMEM((_HPT,), f32),
            pltpu.VMEM((32 * _K,), f32),
            pltpu.VMEM((32 * _K,), f32),
            pltpu.VMEM((32 * _K,), jnp.int32),
            pltpu.VMEM((_K,), f32),
            pltpu.VMEM((_K,), f32),
            pltpu.VMEM((_K,), jnp.int32),
            pltpu.VMEM((_K,), jnp.int32),
            pltpu.VMEM((_K,), f32),
            pltpu.VMEM((_K,), f32),
            pltpu.VMEM((_TILES * _K,), f32),
            pltpu.VMEM((_TILES * _K,), jnp.int32),
            pltpu.VMEM((_HPT,), f32),
            pltpu.VMEM((_HPT,), f32),
            pltpu.VMEM((_HPT,), f32),
            pltpu.VMEM((_HPT,), f32),
            pltpu.VMEM_SHARED((_TILES * _K,), f32),
            pltpu.VMEM_SHARED((_TILES * _K,), f32),
            pltpu.VMEM_SHARED((_TILES * _K,), jnp.int32),
            pltpu.SemaphoreType.DMA,
        ],
    )
    return kern(tid_raw, beta_raw, xs, ys)


def _tc_body(cc_ref, beta_ref, tid_ref, pe_ref, te_ref, xs_ref, ys_ref,
             axn_ref, ayn_ref, bmn_ref, cnn_ref,
             ax_ref, ay_ref, bmax_ref, cntk_ref,
             out_ref, rep_ref, scal_ref):
    i = pl.program_id(0)

    @pl.when(i == 0)
    def _init():
        rep_ref[...] = jnp.zeros_like(rep_ref)
        scal_ref[...] = jnp.zeros_like(scal_ref)

    gidx = i * _BN + lax.broadcasted_iota(jnp.int32, (1, _BN), 1)
    real = gidx < _N
    beta = jnp.clip(beta_ref[...], 0.0, 1.0 - 1e-4)
    ath = 0.5 * jnp.log((1.0 + beta) / (1.0 - beta))
    q = jnp.where(real, ath * ath + _QMIN, 0.0)

    bf16 = jnp.bfloat16
    real_col = (i * _BN + lax.broadcasted_iota(jnp.int32, (_BN, 1), 0)) < _N
    xs_col = jnp.where(real_col, cc_ref[:, 0:1], 0.0).astype(bf16)
    ys_col = jnp.where(real_col, cc_ref[:, 1:2], 0.0).astype(bf16)
    dx = xs_col - ax_ref[...].astype(bf16)
    dy = ys_col - ay_ref[...].astype(bf16)
    dist = jnp.sqrt(dx * dx + dy * dy)
    hinge = jnp.maximum(bf16(0.0), bf16(1.0) - dist)
    rep_ref[...] += jax.lax.dot_general(
        q.astype(bf16), hinge, (((1,), (0,)), ((), ())),
        preferred_element_type=jnp.float32)

    tid = tid_ref[...]
    cnn = cnn_ref[...]
    ownb = real & (tid > 0) & (cnn > 0.0)
    bmn = jnp.clip(bmn_ref[...], 0.0, 1.0 - 1e-4)
    athn = 0.5 * jnp.log((1.0 + bmn) / (1.0 - bmn))
    qan = athn * athn + _QMIN
    dxo = xs_ref[...] - axn_ref[...]
    dyo = ys_ref[...] - ayn_ref[...]
    dsq_own = dxo * dxo + dyo * dyo
    hinge_own = jnp.maximum(0.0, 1.0 - jnp.sqrt(dsq_own + 1e-6))
    qq = q * qan
    att_s = jnp.sum(jnp.where(ownb, qq * dsq_own / (cnn + 1e-3), 0.0))
    rep_own_s = jnp.sum(jnp.where(ownb, qq * hinge_own, 0.0))

    is_noise = (tid == 0) & real
    not_noise = (tid != 0) & real
    pe = pe_ref[...]
    te = te_ref[...]
    eph = (pe - te) ** 2 / (te + 1.0)
    s0 = jnp.sum(jnp.where(is_noise, beta, 0.0))
    s1 = jnp.sum(is_noise.astype(jnp.float32))
    s2 = jnp.sum(jnp.where(not_noise, eph, 0.0))

    lanev = lax.broadcasted_iota(jnp.int32, (1, 128), 1)
    upd = jnp.where(lanev == 0, att_s,
          jnp.where(lanev == 1, rep_own_s,
          jnp.where(lanev == 2, s0,
          jnp.where(lanev == 3, s1,
          jnp.where(lanev == 4, s2, 0.0)))))
    scal_ref[...] += upd

    @pl.when(i == _GRID - 1)
    def _fin():
        kio = lax.broadcasted_iota(jnp.int32, (1, _K), 1)
        cntk = cntk_ref[...]
        validk = ((kio > 0) & (cntk > 0.0)).astype(jnp.float32)
        bmk = jnp.clip(bmax_ref[...], 0.0, 1.0 - 1e-4)
        athk = 0.5 * jnp.log((1.0 + bmk) / (1.0 - bmk))
        w_rep = (athk * athk + _QMIN) * validk
        n_obj = jnp.sum(validk) + 1e-3
        att_t = scal_ref[0, 0]
        rep_own_t = scal_ref[0, 1]
        t0 = scal_ref[0, 2]
        t1 = scal_ref[0, 3]
        t2 = scal_ref[0, 4]
        v_att = att_t / n_obj
        rep_total = jnp.sum(rep_ref[...] * w_rep) - rep_own_t
        v_rep = rep_total / (float(_N) * n_obj)
        beta_pen = jnp.sum((1.0 - bmax_ref[...]) * validk) / n_obj
        noise_pen = _SB * t0 / (t1 + 1e-3)
        eloss = t2 / ((float(_N) - t1) + 1e-3)
        loss = v_att + v_rep + beta_pen + noise_pen + eloss
        lv = lax.broadcasted_iota(jnp.int32, (1, 128), 1)
        out_ref[...] = jnp.where(lv == 0, loss, 0.0)


def _tc_call(cc, beta_r, tid_r, pe_r, te_r, xs_r, ys_r,
             axn_r, ayn_r, bmn_r, cnn_r, ax2, ay2, bmax2, cnt2):
    row_n = pl.BlockSpec((1, _BN), lambda i: (0, i))
    row_p = pl.BlockSpec((1, _BN), lambda i: (0, i))
    kc = pl.BlockSpec((1, _K), lambda i: (0, 0))
    return pl.pallas_call(
        _tc_body,
        grid=(_GRID,),
        in_specs=[pl.BlockSpec((_BN, 2), lambda i: (i, 0)),
                  row_n, row_n, row_n, row_n, row_n, row_n,
                  row_p, row_p, row_p, row_p,
                  kc, kc, kc, kc],
        out_specs=pl.BlockSpec((1, 128), lambda i: (0, 0)),
        out_shape=jax.ShapeDtypeStruct((1, 128), jnp.float32),
        scratch_shapes=[
            pltpu.VMEM((1, _K), jnp.float32),
            pltpu.VMEM((1, 128), jnp.float32),
        ],
    )(cc, beta_r, tid_r, pe_r, te_r, xs_r, ys_r,
      axn_r, ayn_r, bmn_r, cnn_r, ax2, ay2, bmax2, cnt2)


def kernel(pred_beta, pred_ccoords, pred_energy, t_idx, t_energy):
    tid_raw = t_idx[:, 0]
    beta_raw = pred_beta[:, 0]
    beta_clip = jnp.clip(beta_raw, 0.0, 1.0 - 1e-4)
    xs = pred_ccoords[:, 0]
    ys = pred_ccoords[:, 1]

    bmax, counts, ax, ay, axn, ayn, bmn, cnn = _sc_call(
        tid_raw, beta_clip, xs, ys)

    out = _tc_call(
        pred_ccoords,
        beta_raw[None, :], tid_raw[None, :],
        pred_energy[:, 0][None, :], t_energy[:, 0][None, :],
        xs[None, :], ys[None, :],
        axn[None, :], ayn[None, :], bmn[None, :], cnn[None, :],
        ax[None, :], ay[None, :], bmax[None, :], counts[None, :])
    return out[0, 0]

# --- scband reference (transcript-rebuilt; emitter-appended) ---
"""Pipeline reference for scband-llfull-object-condensation-49598282334785 (READ-ONLY COPY).

The authoritative reference and input builder live on the scoring server;
editing this copy changes nothing except your own understanding.
"""

import jax, jax.numpy as jnp
import numpy as np

N = 100000
K = 256
Q_MIN = 0.1
S_B = 1.0
POTENTIAL_SCALING = 1.0
REPULSION_SCALING = 1.0
BETA_LOSS_SCALE = 1.0
ENERGY_LOSS_WEIGHT = 1.0
ENERGY_DEN_OFFSET = 1.0
SCALE = 1.0


def setup_inputs(seed: int = 0) -> dict:
    key = jax.random.key(seed)
    k1, k2, k3, k4, k5 = jax.random.split(key, 5)
    pred_beta = jax.random.uniform(k1, (N, 1), dtype=jnp.float32)
    pred_ccoords = jax.random.normal(k2, (N, 2), dtype=jnp.float32)
    pred_energy = jax.random.uniform(k3, (N, 1), dtype=jnp.float32)
    t_idx = jax.random.randint(k4, (N, 1), 0, K)
    t_energy = jax.random.uniform(k5, (N, 1), dtype=jnp.float32)
    return {
        'pred_beta': pred_beta,
        'pred_ccoords': pred_ccoords,
        'pred_energy': pred_energy,
        't_idx': t_idx,
        't_energy': t_energy,
    }


def _oc_loss(pred_beta, pred_ccoords, pred_energy, t_energy, tid):
    # object condensation loss (Kieseler); t_idx==0 treated as noise,
    # objects labelled 1..K-1
    beta = jnp.clip(pred_beta[:, 0], 0.0, 1.0 - 1e-4)
    q = jnp.arctanh(beta) ** 2 + Q_MIN  # charge per hit

    M = jax.nn.one_hot(tid, K, dtype=jnp.float32)  # [N, K] membership
    counts = jnp.sum(M, axis=0)
    obj_valid = (jnp.arange(K) > 0).astype(jnp.float32) * (counts > 0).astype(jnp.float32)
    counts = counts + 1e-3

    # condensation point alpha_k: highest beta hit of each object
    beta_masked = beta[:, None] * M - 1e9 * (1.0 - M)  # [N, K]
    alpha = jnp.argmax(beta_masked, axis=0)  # [K]
    q_alpha = jnp.take(q, alpha)  # [K]
    beta_alpha = jnp.take(beta, alpha)  # [K]
    x_alpha = jnp.take(pred_ccoords, alpha, axis=0)  # [K, C]

    # pairwise squared distances hit <-> condensation points
    diff = pred_ccoords[:, None, :] - x_alpha[None, :, :]  # [N, K, C]
    dsq = jnp.sum(diff ** 2, axis=-1)  # [N, K]

    qq = q[:, None] * q_alpha[None, :] * obj_valid[None, :]  # [N, K]

    # attractive potential: members pulled to alpha
    att = jnp.sum(M * dsq * qq, axis=0) / counts  # [K]
    # repulsive potential: non-members pushed away (hinge)
    dist = jnp.sqrt(dsq + 1e-6)
    rep = jnp.sum((1.0 - M) * jnp.maximum(0.0, 1.0 - dist) * qq, axis=0) / float(N)

    n_obj = jnp.sum(obj_valid) + 1e-3
    V_att = jnp.sum(att) / n_obj
    V_rep = jnp.sum(rep) / n_obj

    # beta penalty: maximise beta of condensation points
    beta_pen = jnp.sum((1.0 - beta_alpha) * obj_valid) / n_obj

    # noise suppression
    is_noise = (tid == 0).astype(jnp.float32)
    noise_pen = S_B * jnp.sum(is_noise * beta) / (jnp.sum(is_noise) + 1e-3)

    # energy payload loss on non-noise hits, relative to truth energy
    ediff = pred_energy[:, 0] - t_energy[:, 0]
    e_per_hit = ediff ** 2 / (t_energy[:, 0] + ENERGY_DEN_OFFSET)
    not_noise = 1.0 - is_noise
    eloss = jnp.sum(not_noise * e_per_hit) / (jnp.sum(not_noise) + 1e-3)

    lossval = (POTENTIAL_SCALING * V_att
               + REPULSION_SCALING * V_rep
               + BETA_LOSS_SCALE * beta_pen
               + noise_pen
               + ENERGY_LOSS_WEIGHT * eloss)
    return SCALE * lossval


def reference(pred_beta, pred_ccoords, pred_energy, t_idx, t_energy):
    tid = t_idx[:, 0]
    return _oc_loss(pred_beta, pred_ccoords, pred_energy, t_energy, tid)

if __name__ == "__main__":
    import jax
    _d = setup_inputs()
    print(jax.jit(kernel)(*tuple(_d.values())))

</pallas_src>

<mosaic_0001>
#map = affine_map<(d0, d1) -> (0)>
module attributes {stable_mosaic.version = 14 : i64} {
  func.func @_sc_body(%arg0: i32, %arg1: i32, %arg2: memref<100000xi32, #tpu.memory_space<hbm>>, %arg3: memref<100000xf32, #tpu.memory_space<hbm>>, %arg4: memref<100000xf32, #tpu.memory_space<hbm>>, %arg5: memref<100000xf32, #tpu.memory_space<hbm>>, %arg6: memref<256xf32, #tpu.memory_space<hbm>>, %arg7: memref<256xf32, #tpu.memory_space<hbm>>, %arg8: memref<256xf32, #tpu.memory_space<hbm>>, %arg9: memref<256xf32, #tpu.memory_space<hbm>>, %arg10: memref<100352xf32, #tpu.memory_space<hbm>>, %arg11: memref<100352xf32, #tpu.memory_space<hbm>>, %arg12: memref<100352xf32, #tpu.memory_space<hbm>>, %arg13: memref<100352xf32, #tpu.memory_space<hbm>>, %arg14: memref<6272xi32, #tpu.memory_space<vmem>>, %arg15: memref<6272xf32, #tpu.memory_space<vmem>>, %arg16: memref<8192xf32, #tpu.memory_space<vmem>>, %arg17: memref<8192xf32, #tpu.memory_space<vmem>>, %arg18: memref<8192xi32, #tpu.memory_space<vmem>>, %arg19: memref<256xf32, #tpu.memory_space<vmem>>, %arg20: memref<256xf32, #tpu.memory_space<vmem>>, %arg21: memref<256xi32, #tpu.memory_space<vmem>>, %arg22: memref<256xi32, #tpu.memory_space<vmem>>, %arg23: memref<256xf32, #tpu.memory_space<vmem>>, %arg24: memref<256xf32, #tpu.memory_space<vmem>>, %arg25: memref<4096xf32, #tpu.memory_space<vmem>>, %arg26: memref<4096xi32, #tpu.memory_space<vmem>>, %arg27: memref<6272xf32, #tpu.memory_space<vmem>>, %arg28: memref<6272xf32, #tpu.memory_space<vmem>>, %arg29: memref<6272xf32, #tpu.memory_space<vmem>>, %arg30: memref<6272xf32, #tpu.memory_space<vmem>>, %arg31: memref<4096xf32, #tpu.memory_space<vmem_shared>>, %arg32: memref<4096xf32, #tpu.memory_space<vmem_shared>>, %arg33: memref<4096xi32, #tpu.memory_space<vmem_shared>>, %arg34: memref<!tpu.dma_semaphore, #tpu.memory_space<semaphore_mem>>) attributes {dimension_semantics = [#tpu.dimension_semantics<core_parallel>, #tpu.dimension_semantics<subcore_parallel>], iteration_bounds = array<i64: 1, 16>, scalar_prefetch = 0 : i64, scratch_operands = 21 : i64, tpu.core_type = #tpu.core_type<sc_vector_subcore>, window_params = [{transform_indices = #map}, {transform_indices = #map}, {transform_indices = #map}, {transform_indices = #map}, {transform_indices = #map}, {transform_indices = #map}, {transform_indices = #map}, {transform_indices = #map}, {transform_indices = #map}, {transform_indices = #map}, {transform_indices = #map}, {transform_indices = #map}]} {
    %mul3A = arith.constant 6272 : i32
    %mul3A_0 = arith.muli %arg1, %mul3A : i32
    %iota3A = tpu.iota {dimensions = array<i32: 0>} : vector<16xi32>
    %mul3A_1 = arith.constant 256 : i32
    %mul3A_2 = vector.broadcast %mul3A_1 : i32 to vector<16xi32>
    %mul3A_3 = arith.muli %iota3A, %mul3A_2 : vector<16xi32>
    %lt3A = arith.constant 15 : i32
    %lt3A_4 = arith.cmpi slt, %arg1, %lt3A : i32
    %convert_element_type3A = arith.extui %lt3A_4 : i1 to i32
    %cond3A = arith.constant 0 : i32
    %cond3A_5 = arith.cmpi ne, %convert_element_type3A, %cond3A : i32
    scf.if %cond3A_5 {
      "tpu.region"() ({
        %run_scoped3A = tpu.sem_alloc : memref<!tpu.dma_semaphore, #tpu.memory_space<semaphore_mem>>
        %dma_start3A_81 = tpu.memref_slice %arg2[%mul3A_0] : memref<100000xi32, #tpu.memory_space<hbm>> -> memref<6272xi32, #tpu.memory_space<hbm>>
        %dma_start3A_82 = tpu.memref_slice %arg2[%mul3A_0] : memref<100000xi32, #tpu.memory_space<hbm>> -> memref<6272xi32, #tpu.memory_space<hbm>>
        tpu.enqueue_dma source(%dma_start3A_82 : memref<6272xi32, #tpu.memory_space<hbm>>) target(%arg14 : memref<6272xi32, #tpu.memory_space<vmem>>) target_semaphore(%run_scoped3A : memref<!tpu.dma_semaphore, #tpu.memory_space<semaphore_mem>>)
        %dma_wait3A_83 = tpu.memref_slice %arg2[%mul3A_0] : memref<100000xi32, #tpu.memory_space<hbm>> -> memref<6272xi32, #tpu.memory_space<hbm>>
        %dma_wait3A_84 = tpu.memref_slice %arg2[%mul3A_0] : memref<100000xi32, #tpu.memory_space<hbm>> -> memref<6272xi32, #tpu.memory_space<hbm>>
        tpu.wait_dma2 semaphore(%run_scoped3A : memref<!tpu.dma_semaphore, #tpu.memory_space<semaphore_mem>>) src(%dma_wait3A_84 : memref<6272xi32, #tpu.memory_space<hbm>>) dst(%arg14 : memref<6272xi32, #tpu.memory_space<vmem>>)
        tpu.yield
      }) : () -> ()
      "tpu.region"() ({
        %run_scoped3A = tpu.sem_alloc : memref<!tpu.dma_semaphore, #tpu.memory_space<semaphore_mem>>
        %dma_start3A_81 = tpu.memref_slice %arg3[%mul3A_0] : memref<100000xf32, #tpu.memory_space<hbm>> -> memref<6272xf32, #tpu.memory_space<hbm>>
        %dma_start3A_82 = tpu.memref_slice %arg3[%mul3A_0] : memref<100000xf32, #tpu.memory_space<hbm>> -> memref<6272xf32, #tpu.memory_space<hbm>>
        tpu.enqueue_dma source(%dma_start3A_82 : memref<6272xf32, #tpu.memory_space<hbm>>) target(%arg15 : memref<6272xf32, #tpu.memory_space<vmem>>) target_semaphore(%run_scoped3A : memref<!tpu.dma_semaphore, #tpu.memory_space<semaphore_mem>>)
        %dma_wait3A_83 = tpu.memref_slice %arg3[%mul3A_0] : memref<100000xf32, #tpu.memory_space<hbm>> -> memref<6272xf32, #tpu.memory_space<hbm>>
        %dma_wait3A_84 = tpu.memref_slice %arg3[%mul3A_0] : memref<100000xf32, #tpu.memory_space<hbm>> -> memref<6272xf32, #tpu.memory_space<hbm>>
        tpu.wait_dma2 semaphore(%run_scoped3A : memref<!tpu.dma_semaphore, #tpu.memory_space<semaphore_mem>>) src(%dma_wait3A_84 : memref<6272xf32, #tpu.memory_space<hbm>>) dst(%arg15 : memref<6272xf32, #tpu.memory_space<vmem>>)
        tpu.yield
      }) : () -> ()
    } else {
    }
    %eq3A = arith.constant 15 : i32
    %eq3A_6 = arith.cmpi eq, %arg1, %eq3A : i32
    %convert_element_type3A_7 = arith.extui %eq3A_6 : i1 to i32
    %cond3A_8 = arith.constant 0 : i32
    %cond3A_9 = arith.cmpi ne, %convert_element_type3A_7, %cond3A_8 : i32
    scf.if %cond3A_9 {
      "tpu.region"() ({
        %run_scoped3A = tpu.sem_alloc : memref<!tpu.dma_semaphore, #tpu.memory_space<semaphore_mem>>
        %dma_start3A_87 = arith.constant 0 : i32
        %dma_start3A_88 = tpu.memref_slice %arg14[%dma_start3A_87] : memref<6272xi32, #tpu.memory_space<vmem>> -> memref<5920xi32, #tpu.memory_space<vmem>>
        %dma_start3A_89 = tpu.memref_slice %arg2[%mul3A_0] : memref<100000xi32, #tpu.memory_space<hbm>> -> memref<5920xi32, #tpu.memory_space<hbm>>
        %dma_start3A_90 = arith.constant 0 : i32
        %dma_start3A_91 = tpu.memref_slice %arg14[%dma_start3A_90] : memref<6272xi32, #tpu.memory_space<vmem>> -> memref<5920xi32, #tpu.memory_space<vmem>>
        %dma_start3A_92 = tpu.memref_slice %arg2[%mul3A_0] : memref<100000xi32, #tpu.memory_space<hbm>> -> memref<5920xi32, #tpu.memory_space<hbm>>
        tpu.enqueue_dma source(%dma_start3A_92 : memref<5920xi32, #tpu.memory_space<hbm>>) target(%dma_start3A_91 : memref<5920xi32, #tpu.memory_space<vmem>>) target_semaphore(%run_scoped3A : memref<!tpu.dma_semaphore, #tpu.memory_space<semaphore_mem>>)
        %dma_wait3A_93 = arith.constant 0 : i32
        %dma_wait3A_94 = tpu.memref_slice %arg14[%dma_wait3A_93] : memref<6272xi32, #tpu.memory_space<vmem>> -> memref<5920xi32, #tpu.memory_space<vmem>>
        %dma_wait3A_95 = tpu.memref_slice %arg2[%mul3A_0] : memref<100000xi32, #tpu.memory_space<hbm>> -> memref<5920xi32, #tpu.memory_space<hbm>>
        %dma_wait3A_96 = arith.constant 0 : i32
        %dma_wait3A_97 = tpu.memref_slice %arg14[%dma_wait3A_96] : memref<6272xi32, #tpu.memory_space<vmem>> -> memref<5920xi32, #tpu.memory_space<vmem>>
        %dma_wait3A_98 = tpu.memref_slice %arg2[%mul3A_0] : memref<100000xi32, #tpu.memory_space<hbm>> -> memref<5920xi32, #tpu.memory_space<hbm>>
        tpu.wait_dma2 semaphore(%run_scoped3A : memref<!tpu.dma_semaphore, #tpu.memory_space<semaphore_mem>>) src(%dma_wait3A_98 : memref<5920xi32, #tpu.memory_space<hbm>>) dst(%dma_wait3A_97 : memref<5920xi32, #tpu.memory_space<vmem>>)
        tpu.yield
      }) : () -> ()
      "tpu.region"() ({
        %run_scoped3A = tpu.sem_alloc : memref<!tpu.dma_semaphore, #tpu.memory_space<semaphore_mem>>
        %dma_start3A_87 = arith.constant 0 : i32
        %dma_start3A_88 = tpu.memref_slice %arg15[%dma_start3A_87] : memref<6272xf32, #tpu.memory_space<vmem>> -> memref<5920xf32, #tpu.memory_space<vmem>>
        %dma_start3A_89 = tpu.memref_slice %arg3[%mul3A_0] : memref<100000xf32, #tpu.memory_space<hbm>> -> memref<5920xf32, #tpu.memory_space<hbm>>
        %dma_start3A_90 = arith.constant 0 : i32
        %dma_start3A_91 = tpu.memref_slice %arg15[%dma_start3A_90] : memref<6272xf32, #tpu.memory_space<vmem>> -> memref<5920xf32, #tpu.memory_space<vmem>>
        %dma_start3A_92 = tpu.memref_slice %arg3[%mul3A_0] : memref<100000xf32, #tpu.memory_space<hbm>> -> memref<5920xf32, #tpu.memory_space<hbm>>
        tpu.enqueue_dma source(%dma_start3A_92 : memref<5920xf32, #tpu.memory_space<hbm>>) target(%dma_start3A_91 : memref<5920xf32, #tpu.memory_space<vmem>>) target_semaphore(%run_scoped3A : memref<!tpu.dma_semaphore, #tpu.memory_space<semaphore_mem>>)
        %dma_wait3A_93 = arith.constant 0 : i32
        %dma_wait3A_94 = tpu.memref_slice %arg15[%dma_wait3A_93] : memref<6272xf32, #tpu.memory_space<vmem>> -> memref<5920xf32, #tpu.memory_space<vmem>>
        %dma_wait3A_95 = tpu.memref_slice %arg3[%mul3A_0] : memref<100000xf32, #tpu.memory_space<hbm>> -> memref<5920xf32, #tpu.memory_space<hbm>>
        %dma_wait3A_96 = arith.constant 0 : i32
        %dma_wait3A_97 = tpu.memref_slice %arg15[%dma_wait3A_96] : memref<6272xf32, #tpu.memory_space<vmem>> -> memref<5920xf32, #tpu.memory_space<vmem>>
        %dma_wait3A_98 = tpu.memref_slice %arg3[%mul3A_0] : memref<100000xf32, #tpu.memory_space<hbm>> -> memref<5920xf32, #tpu.memory_space<hbm>>
        tpu.wait_dma2 semaphore(%run_scoped3A : memref<!tpu.dma_semaphore, #tpu.memory_space<semaphore_mem>>) src(%dma_wait3A_98 : memref<5920xf32, #tpu.memory_space<hbm>>) dst(%dma_wait3A_97 : memref<5920xf32, #tpu.memory_space<vmem>>)
        tpu.yield
      }) : () -> ()
      %scan3A_81 = arith.constant 0 : i32
      %scan3A_82 = arith.constant 0 : i32
      %scan3A_83 = arith.constant 22 : i32
      %scan3A_84 = arith.addi %scan3A_82, %scan3A_83 : i32
      %scan3A_85 = arith.constant 1 : i32
      scf.for %scan3A_87 = %scan3A_82 to %scan3A_84 step %scan3A_85  : i32 {
        %mul3A_88 = arith.constant 16 : i32
        %mul3A_89 = arith.muli %scan3A_87, %mul3A_88 : i32
        %add3A = arith.constant 5920 : i32
        %add3A_90 = arith.addi %add3A, %mul3A_89 : i32
        %broadcast_in_dim3A = arith.constant 0 : i32
        %broadcast_in_dim3A_91 = vector.broadcast %broadcast_in_dim3A : i32 to vector<16xi32>
        %swap3A = arith.index_cast %add3A_90 : i32 to index
        %swap3A_92 = tpu.vector_load %arg14[%swap3A] {strides = array<i32>} : memref<6272xi32, #tpu.memory_space<vmem>>, vector<16xi32>,
        tpu.vector_store %arg14[%swap3A], %broadcast_in_dim3A_91 {strides = array<i32>} : memref<6272xi32, #tpu.memory_space<vmem>>, vector<16xi32>,
        %broadcast_in_dim3A_93 = arith.constant 0.000000e+00 : f32
        %broadcast_in_dim3A_94 = vector.broadcast %broadcast_in_dim3A_93 : f32 to vector<16xf32>
        %swap3A_95 = arith.index_cast %add3A_90 : i32 to index
        %swap3A_96 = tpu.vector_load %arg15[%swap3A_95] {strides = array<i32>} : memref<6272xf32, #tpu.memory_space<vmem>>, vector<16xf32>,
        tpu.vector_store %arg15[%swap3A_95], %broadcast_in_dim3A_94 {strides = array<i32>} : memref<6272xf32, #tpu.memory_space<vmem>>, vector<16xf32>,
      }
      %scan3A_86 = arith.constant 22 : i32
    } else {
    }
    %scan3A = arith.constant 0 : i32
    %scan3A_10 = arith.constant 0 : i32
    %scan3A_11 = arith.constant 256 : i32
    %scan3A_12 = arith.addi %scan3A_10, %scan3A_11 : i32
    %scan3A_13 = arith.constant 1 : i32
    scf.for %scan3A_81 = %scan3A_10 to %scan3A_12 step %scan3A_13  : i32 {
      %mul3A_82 = arith.constant 16 : i32
      %mul3A_83 = arith.muli %scan3A_81, %mul3A_82 : i32
      %broadcast_in_dim3A = arith.constant 0.000000e+00 : f32
      %broadcast_in_dim3A_84 = vector.broadcast %broadcast_in_dim3A : f32 to vector<16xf32>
      %broadcast_in_dim3A_85 = arith.constant -1.000000e+00 : f32
      %broadcast_in_dim3A_86 = vector.broadcast %broadcast_in_dim3A_85 : f32 to vector<16xf32>
      %broadcast_in_dim3A_87 = arith.constant 1073741824 : i32
      %broadcast_in_dim3A_88 = vector.broadcast %broadcast_in_dim3A_87 : i32 to vector<16xi32>
      %swap3A = arith.index_cast %mul3A_83 : i32 to index
      %swap3A_89 = tpu.vector_load %arg16[%swap3A] {strides = array<i32>} : memref<8192xf32, #tpu.memory_space<vmem>>, vector<16xf32>,
      tpu.vector_store %arg16[%swap3A], %broadcast_in_dim3A_86 {strides = array<i32>} : memref<8192xf32, #tpu.memory_space<vmem>>, vector<16xf32>,
      %add3A = arith.constant 4096 : i32
      %add3A_90 = arith.addi %add3A, %mul3A_83 : i32
      %swap3A_91 = arith.index_cast %add3A_90 : i32 to index
      %swap3A_92 = tpu.vector_load %arg16[%swap3A_91] {strides = array<i32>} : memref<8192xf32, #tpu.memory_space<vmem>>, vector<16xf32>,
      tpu.vector_store %arg16[%swap3A_91], %broadcast_in_dim3A_86 {strides = array<i32>} : memref<8192xf32, #tpu.memory_space<vmem>>, vector<16xf32>,
      %swap3A_93 = arith.index_cast %mul3A_83 : i32 to index
      %swap3A_94 = tpu.vector_load %arg17[%swap3A_93] {strides = array<i32>} : memref<8192xf32, #tpu.memory_space<vmem>>, vector<16xf32>,
      tpu.vector_store %arg17[%swap3A_93], %broadcast_in_dim3A_84 {strides = array<i32>} : memref<8192xf32, #tpu.memory_space<vmem>>, vector<16xf32>,
      %add3A_95 = arith.constant 4096 : i32
      %add3A_96 = arith.addi %add3A_95, %mul3A_83 : i32
      %swap3A_97 = arith.index_cast %add3A_96 : i32 to index
      %swap3A_98 = tpu.vector_load %arg17[%swap3A_97] {strides = array<i32>} : memref<8192xf32, #tpu.memory_space<vmem>>, vector<16xf32>,
      tpu.vector_store %arg17[%swap3A_97], %broadcast_in_dim3A_84 {strides = array<i32>} : memref<8192xf32, #tpu.memory_space<vmem>>, vector<16xf32>,
      %swap3A_99 = arith.index_cast %mul3A_83 : i32 to index
      %swap3A_100 = tpu.vector_load %arg18[%swap3A_99] {strides = array<i32>} : memref<8192xi32, #tpu.memory_space<vmem>>, vector<16xi32>,
      tpu.vector_store %arg18[%swap3A_99], %broadcast_in_dim3A_88 {strides = array<i32>} : memref<8192xi32, #tpu.memory_space<vmem>>, vector<16xi32>,
      %add3A_101 = arith.constant 4096 : i32
      %add3A_102 = arith.addi %add3A_101, %mul3A_83 : i32
      %swap3A_103 = arith.index_cast %add3A_102 : i32 to index
      %swap3A_104 = tpu.vector_load %arg18[%swap3A_103] {strides = array<i32>} : memref<8192xi32, #tpu.memory_space<vmem>>, vector<16xi32>,
      tpu.vector_store %arg18[%swap3A_103], %broadcast_in_dim3A_88 {strides = array<i32>} : memref<8192xi32, #tpu.memory_space<vmem>>, vector<16xi32>,
    }
    %scan3A_14 = arith.constant 256 : i32
    %scan3A_15 = arith.constant 0 : i32
    %scan3A_16 = arith.constant 0 : i32
    %scan3A_17 = arith.constant 196 : i32
    %scan3A_18 = arith.addi %scan3A_16, %scan3A_17 : i32
    %scan3A_19 = arith.constant 1 : i32
    scf.for %scan3A_81 = %scan3A_16 to %scan3A_18 step %scan3A_19  : i32 {
      %mul3A_82 = arith.constant 16 : i32
      %mul3A_83 = arith.muli %scan3A_81, %mul3A_82 : i32
      %add3A = arith.constant 3136 : i32
      %add3A_84 = arith.addi %add3A, %mul3A_83 : i32
      %get3A = arith.index_cast %mul3A_83 : i32 to index
      %get3A_85 = tpu.vector_load %arg14[%get3A] {strides = array<i32>} : memref<6272xi32, #tpu.memory_space<vmem>>, vector<16xi32>,
      %get3A_86 = arith.index_cast %mul3A_83 : i32 to index
      %get3A_87 = tpu.vector_load %arg15[%get3A_86] {strides = array<i32>} : memref<6272xf32, #tpu.memory_space<vmem>>, vector<16xf32>,
      %get3A_88 = arith.index_cast %add3A_84 : i32 to index
      %get3A_89 = tpu.vector_load %arg14[%get3A_88] {strides = array<i32>} : memref<6272xi32, #tpu.memory_space<vmem>>, vector<16xi32>,
      %get3A_90 = arith.index_cast %add3A_84 : i32 to index
      %get3A_91 = tpu.vector_load %arg15[%get3A_90] {strides = array<i32>} : memref<6272xf32, #tpu.memory_space<vmem>>, vector<16xf32>,
      %add3A_92 = arith.addi %mul3A_3, %get3A_85 : vector<16xi32>
      %add3A_93 = arith.constant 4096 : i32
      %add3A_94 = vector.broadcast %add3A_93 : i32 to vector<16xi32>
      %add3A_95 = arith.addi %add3A_94, %mul3A_3 : vector<16xi32>
      %add3A_96 = arith.addi %add3A_95, %get3A_89 : vector<16xi32>
      %gather3A = tpu.vector_load_idx %arg16[%add3A_92] : memref<8192xf32, #tpu.memory_space<vmem>>[vector<16xi32>], vector<16xf32>,
      %gather3A_97 = tpu.vector_load_idx %arg16[%add3A_96] : memref<8192xf32, #tpu.memory_space<vmem>>[vector<16xi32>], vector<16xf32>,
      %max3A = arith.maximumf %gather3A, %get3A_87 : vector<16xf32>
      tpu.vector_store_idx %arg16[%add3A_92], %max3A : memref<8192xf32, #tpu.memory_space<vmem>>[vector<16xi32>], vector<16xf32>,
      %max3A_98 = arith.maximumf %gather3A_97, %get3A_91 : vector<16xf32>
      tpu.vector_store_idx %arg16[%add3A_96], %max3A_98 : memref<8192xf32, #tpu.memory_space<vmem>>[vector<16xi32>], vector<16xf32>,
      %gather3A_99 = tpu.vector_load_idx %arg17[%add3A_92] : memref<8192xf32, #tpu.memory_space<vmem>>[vector<16xi32>], vector<16xf32>,
      %gather3A_100 = tpu.vector_load_idx %arg17[%add3A_96] : memref<8192xf32, #tpu.memory_space<vmem>>[vector<16xi32>], vector<16xf32>,
      %add3A_101 = arith.constant 1.000000e+00 : f32
      %add3A_102 = vector.broadcast %add3A_101 : f32 to vector<16xf32>
      %add3A_103 = arith.addf %gather3A_99, %add3A_102 : vector<16xf32>
      tpu.vector_store_idx %arg17[%add3A_92], %add3A_103 : memref<8192xf32, #tpu.memory_space<vmem>>[vector<16xi32>], vector<16xf32>,
      %add3A_104 = arith.constant 1.000000e+00 : f32
      %add3A_105 = vector.broadcast %add3A_104 : f32 to vector<16xf32>
      %add3A_106 = arith.addf %gather3A_100, %add3A_105 : vector<16xf32>
      tpu.vector_store_idx %arg17[%add3A_96], %add3A_106 : memref<8192xf32, #tpu.memory_space<vmem>>[vector<16xi32>], vector<16xf32>,
    }
    %scan3A_20 = arith.constant 196 : i32
    %scan3A_21 = arith.constant 0 : i32
    %scan3A_22 = arith.constant 0 : i32
    %scan3A_23 = arith.constant 16 : i32
    %scan3A_24 = arith.addi %scan3A_22, %scan3A_23 : i32
    %scan3A_25 = arith.constant 1 : i32
    scf.for %scan3A_81 = %scan3A_22 to %scan3A_24 step %scan3A_25  : i32 {
      %mul3A_82 = arith.constant 16 : i32
      %mul3A_83 = arith.muli %scan3A_81, %mul3A_82 : i32
      %get3A = arith.index_cast %mul3A_83 : i32 to index
      %get3A_84 = tpu.vector_load %arg16[%get3A] {strides = array<i32>} : memref<8192xf32, #tpu.memory_space<vmem>>, vector<16xf32>,
      %get3A_85 = arith.index_cast %mul3A_83 : i32 to index
      %get3A_86 = tpu.vector_load %arg17[%get3A_85] {strides = array<i32>} : memref<8192xf32, #tpu.memory_space<vmem>>, vector<16xf32>,
      %add3A = arith.constant 256 : i32
      %add3A_87 = arith.addi %add3A, %mul3A_83 : i32
      %get3A_88 = arith.index_cast %add3A_87 : i32 to index
      %get3A_89 = tpu.vector_load %arg16[%get3A_88] {strides = array<i32>} : memref<8192xf32, #tpu.memory_space<vmem>>, vector<16xf32>,
      %max3A = arith.maximumf %get3A_84, %get3A_89 : vector<16xf32>
      %add3A_90 = arith.constant 256 : i32
      %add3A_91 = arith.addi %add3A_90, %mul3A_83 : i32
      %get3A_92 = arith.index_cast %add3A_91 : i32 to index
      %get3A_93 = tpu.vector_load %arg17[%get3A_92] {strides = array<i32>} : memref<8192xf32, #tpu.memory_space<vmem>>, vector<16xf32>,
      %add3A_94 = arith.addf %get3A_86, %get3A_93 : vector<16xf32>
      %add3A_95 = arith.constant 512 : i32
      %add3A_96 = arith.addi %add3A_95, %mul3A_83 : i32
      %get3A_97 = arith.index_cast %add3A_96 : i32 to index
      %get3A_98 = tpu.vector_load %arg16[%get3A_97] {strides = array<i32>} : memref<8192xf32, #tpu.memory_space<vmem>>, vector<16xf32>,
      %max3A_99 = arith.maximumf %max3A, %get3A_98 : vector<16xf32>
      %add3A_100 = arith.constant 512 : i32
      %add3A_101 = arith.addi %add3A_100, %mul3A_83 : i32
      %get3A_102 = arith.index_cast %add3A_101 : i32 to index
      %get3A_103 = tpu.vector_load %arg17[%get3A_102] {strides = array<i32>} : memref<8192xf32, #tpu.memory_space<vmem>>, vector<16xf32>,
      %add3A_104 = arith.addf %add3A_94, %get3A_103 : vector<16xf32>
      %add3A_105 = arith.constant 768 : i32
      %add3A_106 = arith.addi %add3A_105, %mul3A_83 : i32
      %get3A_107 = arith.index_cast %add3A_106 : i32 to index
      %get3A_108 = tpu.vector_load %arg16[%get3A_107] {strides = array<i32>} : memref<8192xf32, #tpu.memory_space<vmem>>, vector<16xf32>,
      %max3A_109 = arith.maximumf %max3A_99, %get3A_108 : vector<16xf32>
      %add3A_110 = arith.constant 768 : i32
      %add3A_111 = arith.addi %add3A_110, %mul3A_83 : i32
      %get3A_112 = arith.index_cast %add3A_111 : i32 to index
      %get3A_113 = tpu.vector_load %arg17[%get3A_112] {strides = array<i32>} : memref<8192xf32, #tpu.memory_space<vmem>>, vector<16xf32>,
      %add3A_114 = arith.addf %add3A_104, %get3A_113 : vector<16xf32>
      %add3A_115 = arith.constant 1024 : i32
      %add3A_116 = arith.addi %add3A_115, %mul3A_83 : i32
      %get3A_117 = arith.index_cast %add3A_116 : i32 to index
      %get3A_118 = tpu.vector_load %arg16[%get3A_117] {strides = array<i32>} : memref<8192xf32, #tpu.memory_space<vmem>>, vector<16xf32>,
      %max3A_119 = arith.maximumf %max3A_109, %get3A_118 : vector<16xf32>
      %add3A_120 = arith.constant 1024 : i32
      %add3A_121 = arith.addi %add3A_120, %mul3A_83 : i32
      %get3A_122 = arith.index_cast %add3A_121 : i32 to index
      %get3A_123 = tpu.vector_load %arg17[%get3A_122] {strides = array<i32>} : memref<8192xf32, #tpu.memory_space<vmem>>, vector<16xf32>,
      %add3A_124 = arith.addf %add3A_114, %get3A_123 : vector<16xf32>
      %add3A_125 = arith.constant 1280 : i32
      %add3A_126 = arith.addi %add3A_125, %mul3A_83 : i32
      %get3A_127 = arith.index_cast %add3A_126 : i32 to index
      %get3A_128 = tpu.vector_load %arg16[%get3A_127] {strides = array<i32>} : memref<8192xf32, #tpu.memory_space<vmem>>, vector<16xf32>,
      %max3A_129 = arith.maximumf %max3A_119, %get3A_128 : vector<16xf32>
      %add3A_130 = arith.constant 1280 : i32
      %add3A_131 = arith.addi %add3A_130, %mul3A_83 : i32
      %get3A_132 = arith.index_cast %add3A_131 : i32 to index
      %get3A_133 = tpu.vector_load %arg17[%get3A_132] {strides = array<i32>} : memref<8192xf32, #tpu.memory_space<vmem>>, vector<16xf32>,
      %add3A_134 = arith.addf %add3A_124, %get3A_133 : vector<16xf32>
      %add3A_135 = arith.constant 1536 : i32
      %add3A_136 = arith.addi %add3A_135, %mul3A_83 : i32
      %get3A_137 = arith.index_cast %add3A_136 : i32 to index
      %get3A_138 = tpu.vector_load %arg16[%get3A_137] {strides = array<i32>} : memref<8192xf32, #tpu.memory_space<vmem>>, vector<16xf32>,
      %max3A_139 = arith.maximumf %max3A_129, %get3A_138 : vector<16xf32>
      %add3A_140 = arith.constant 1536 : i32
      %add3A_141 = arith.addi %add3A_140, %mul3A_83 : i32
      %get3A_142 = arith.index_cast %add3A_141 : i32 to index
      %get3A_143 = tpu.vector_load %arg17[%get3A_142] {strides = array<i32>} : memref<8192xf32, #tpu.memory_space<vmem>>, vector<16xf32>,
      %add3A_144 = arith.addf %add3A_134, %get3A_143 : vector<16xf32>
      %add3A_145 = arith.constant 1792 : i32
      %add3A_146 = arith.addi %add3A_145, %mul3A_83 : i32
      %get3A_147 = arith.index_cast %add3A_146 : i32 to index
      %get3A_148 = tpu.vector_load %arg16[%get3A_147] {strides = array<i32>} : memref<8192xf32, #tpu.memory_space<vmem>>, vector<16xf32>,
      %max3A_149 = arith.maximumf %max3A_139, %get3A_148 : vector<16xf32>
      %add3A_150 = arith.constant 1792 : i32
      %add3A_151 = arith.addi %add3A_150, %mul3A_83 : i32
      %get3A_152 = arith.index_cast %add3A_151 : i32 to index
      %get3A_153 = tpu.vector_load %arg17[%get3A_152] {strides = array<i32>} : memref<8192xf32, #tpu.memory_space<vmem>>, vector<16xf32>,
      %add3A_154 = arith.addf %add3A_144, %get3A_153 : vector<16xf32>
      %add3A_155 = arith.constant 2048 : i32
      %add3A_156 = arith.addi %add3A_155, %mul3A_83 : i32
      %get3A_157 = arith.index_cast %add3A_156 : i32 to index
      %get3A_158 = tpu.vector_load %arg16[%get3A_157] {strides = array<i32>} : memref<8192xf32, #tpu.memory_space<vmem>>, vector<16xf32>,
      %max3A_159 = arith.maximumf %max3A_149, %get3A_158 : vector<16xf32>
      %add3A_160 = arith.constant 2048 : i32
      %add3A_161 = arith.addi %add3A_160, %mul3A_83 : i32
      %get3A_162 = arith.index_cast %add3A_161 : i32 to index
      %get3A_163 = tpu.vector_load %arg17[%get3A_162] {strides = array<i32>} : memref<8192xf32, #tpu.memory_space<vmem>>, vector<16xf32>,
      %add3A_164 = arith.addf %add3A_154, %get3A_163 : vector<16xf32>
      %add3A_165 = arith.constant 2304 : i32
      %add3A_166 = arith.addi %add3A_165, %mul3A_83 : i32
      %get3A_167 = arith.index_cast %add3A_166 : i32 to index
      %get3A_168 = tpu.vector_load %arg16[%get3A_167] {strides = array<i32>} : memref<8192xf32, #tpu.memory_space<vmem>>, vector<16xf32>,
      %max3A_169 = arith.maximumf %max3A_159, %get3A_168 : vector<16xf32>
      %add3A_170 = arith.constant 2304 : i32
      %add3A_171 = arith.addi %add3A_170, %mul3A_83 : i32
      %get3A_172 = arith.index_cast %add3A_171 : i32 to index
      %get3A_173 = tpu.vector_load %arg17[%get3A_172] {strides = array<i32>} : memref<8192xf32, #tpu.memory_space<vmem>>, vector<16xf32>,
      %add3A_174 = arith.addf %add3A_164, %get3A_173 : vector<16xf32>
      %add3A_175 = arith.constant 2560 : i32
      %add3A_176 = arith.addi %add3A_175, %mul3A_83 : i32
      %get3A_177 = arith.index_cast %add3A_176 : i32 to index
      %get3A_178 = tpu.vector_load %arg16[%get3A_177] {strides = array<i32>} : memref<8192xf32, #tpu.memory_space<vmem>>, vector<16xf32>,
      %max3A_179 = arith.maximumf %max3A_169, %get3A_178 : vector<16xf32>
      %add3A_180 = arith.constant 2560 : i32
      %add3A_181 = arith.addi %add3A_180, %mul3A_83 : i32
      %get3A_182 = arith.index_cast %add3A_181 : i32 to index
      %get3A_183 = tpu.vector_load %arg17[%get3A_182] {strides = array<i32>} : memref<8192xf32, #tpu.memory_space<vmem>>, vector<16xf32>,
      %add3A_184 = arith.addf %add3A_174, %get3A_183 : vector<16xf32>
      %add3A_185 = arith.constant 2816 : i32
      %add3A_186 = arith.addi %add3A_185, %mul3A_83 : i32
      %get3A_187 = arith.index_cast %add3A_186 : i32 to index
      %get3A_188 = tpu.vector_load %arg16[%get3A_187] {strides = array<i32>} : memref<8192xf32, #tpu.memory_space<vmem>>, vector<16xf32>,
      %max3A_189 = arith.maximumf %max3A_179, %get3A_188 : vector<16xf32>
      %add3A_190 = arith.constant 2816 : i32
      %add3A_191 = arith.addi %add3A_190, %mul3A_83 : i32
      %get3A_192 = arith.index_cast %add3A_191 : i32 to index
      %get3A_193 = tpu.vector_load %arg17[%get3A_192] {strides = array<i32>} : memref<8192xf32, #tpu.memory_space<vmem>>, vector<16xf32>,
      %add3A_194 = arith.addf %add3A_184, %get3A_193 : vector<16xf32>
      %add3A_195 = arith.constant 3072 : i32
      %add3A_196 = arith.addi %add3A_195, %mul3A_83 : i32
      %get3A_197 = arith.index_cast %add3A_196 : i32 to index
      %get3A_198 = tpu.vector_load %arg16[%get3A_197] {strides = array<i32>} : memref<8192xf32, #tpu.memory_space<vmem>>, vector<16xf32>,
      %max3A_199 = arith.maximumf %max3A_189, %get3A_198 : vector<16xf32>
      %add3A_200 = arith.constant 3072 : i32
      %add3A_201 = arith.addi %add3A_200, %mul3A_83 : i32
      %get3A_202 = arith.index_cast %add3A_201 : i32 to index
      %get3A_203 = tpu.vector_load %arg17[%get3A_202] {strides = array<i32>} : memref<8192xf32, #tpu.memory_space<vmem>>, vector<16xf32>,
      %add3A_204 = arith.addf %add3A_194, %get3A_203 : vector<16xf32>
      %add3A_205 = arith.constant 3328 : i32
      %add3A_206 = arith.addi %add3A_205, %mul3A_83 : i32
      %get3A_207 = arith.index_cast %add3A_206 : i32 to index
      %get3A_208 = tpu.vector_load %arg16[%get3A_207] {strides = array<i32>} : memref<8192xf32, #tpu.memory_space<vmem>>, vector<16xf32>,
      %max3A_209 = arith.maximumf %max3A_199, %get3A_208 : vector<16xf32>
      %add3A_210 = arith.constant 3328 : i32
      %add3A_211 = arith.addi %add3A_210, %mul3A_83 : i32
      %get3A_212 = arith.index_cast %add3A_211 : i32 to index
      %get3A_213 = tpu.vector_load %arg17[%get3A_212] {strides = array<i32>} : memref<8192xf32, #tpu.memory_space<vmem>>, vector<16xf32>,
      %add3A_214 = arith.addf %add3A_204, %get3A_213 : vector<16xf32>
      %add3A_215 = arith.constant 3584 : i32
      %add3A_216 = arith.addi %add3A_215, %mul3A_83 : i32
      %get3A_217 = arith.index_cast %add3A_216 : i32 to index
      %get3A_218 = tpu.vector_load %arg16[%get3A_217] {strides = array<i32>} : memref<8192xf32, #tpu.memory_space<vmem>>, vector<16xf32>,
      %max3A_219 = arith.maximumf %max3A_209, %get3A_218 : vector<16xf32>
      %add3A_220 = arith.constant 3584 : i32
      %add3A_221 = arith.addi %add3A_220, %mul3A_83 : i32
      %get3A_222 = arith.index_cast %add3A_221 : i32 to index
      %get3A_223 = tpu.vector_load %arg17[%get3A_222] {strides = array<i32>} : memref<8192xf32, #tpu.memory_space<vmem>>, vector<16xf32>,
      %add3A_224 = arith.addf %add3A_214, %get3A_223 : vector<16xf32>
      %add3A_225 = arith.constant 3840 : i32
      %add3A_226 = arith.addi %add3A_225, %mul3A_83 : i32
      %get3A_227 = arith.index_cast %add3A_226 : i32 to index
      %get3A_228 = tpu.vector_load %arg16[%get3A_227] {strides = array<i32>} : memref<8192xf32, #tpu.memory_space<vmem>>, vector<16xf32>,
      %max3A_229 = arith.maximumf %max3A_219, %get3A_228 : vector<16xf32>
      %add3A_230 = arith.constant 3840 : i32
      %add3A_231 = arith.addi %add3A_230, %mul3A_83 : i32
      %get3A_232 = arith.index_cast %add3A_231 : i32 to index
      %get3A_233 = tpu.vector_load %arg17[%get3A_232] {strides = array<i32>} : memref<8192xf32, #tpu.memory_space<vmem>>, vector<16xf32>,
      %add3A_234 = arith.addf %add3A_224, %get3A_233 : vector<16xf32>
      %add3A_235 = arith.constant 4096 : i32
      %add3A_236 = arith.addi %add3A_235, %mul3A_83 : i32
      %get3A_237 = arith.index_cast %add3A_236 : i32 to index
      %get3A_238 = tpu.vector_load %arg16[%get3A_237] {strides = array<i32>} : memref<8192xf32, #tpu.memory_space<vmem>>, vector<16xf32>,
      %max3A_239 = arith.maximumf %max3A_229, %get3A_238 : vector<16xf32>
      %add3A_240 = arith.constant 4096 : i32
      %add3A_241 = arith.addi %add3A_240, %mul3A_83 : i32
      %get3A_242 = arith.index_cast %add3A_241 : i32 to index
      %get3A_243 = tpu.vector_load %arg17[%get3A_242] {strides = array<i32>} : memref<8192xf32, #tpu.memory_space<vmem>>, vector<16xf32>,
      %add3A_244 = arith.addf %add3A_234, %get3A_243 : vector<16xf32>
      %add3A_245 = arith.constant 4352 : i32
      %add3A_246 = arith.addi %add3A_245, %mul3A_83 : i32
      %get3A_247 = arith.index_cast %add3A_246 : i32 to index
      %get3A_248 = tpu.vector_load %arg16[%get3A_247] {strides = array<i32>} : memref<8192xf32, #tpu.memory_space<vmem>>, vector<16xf32>,
      %max3A_249 = arith.maximumf %max3A_239, %get3A_248 : vector<16xf32>
      %add3A_250 = arith.constant 4352 : i32
      %add3A_251 = arith.addi %add3A_250, %mul3A_83 : i32
      %get3A_252 = arith.index_cast %add3A_251 : i32 to index
      %get3A_253 = tpu.vector_load %arg17[%get3A_252] {strides = array<i32>} : memref<8192xf32, #tpu.memory_space<vmem>>, vector<16xf32>,
      %add3A_254 = arith.addf %add3A_244, %get3A_253 : vector<16xf32>
      %add3A_255 = arith.constant 4608 : i32
      %add3A_256 = arith.addi %add3A_255, %mul3A_83 : i32
      %get3A_257 = arith.index_cast %add3A_256 : i32 to index
      %get3A_258 = tpu.vector_load %arg16[%get3A_257] {strides = array<i32>} : memref<8192xf32, #tpu.memory_space<vmem>>, vector<16xf32>,
      %max3A_259 = arith.maximumf %max3A_249, %get3A_258 : vector<16xf32>
      %add3A_260 = arith.constant 4608 : i32
      %add3A_261 = arith.addi %add3A_260, %mul3A_83 : i32
      %get3A_262 = arith.index_cast %add3A_261 : i32 to index
      %get3A_263 = tpu.vector_load %arg17[%get3A_262] {strides = array<i32>} : memref<8192xf32, #tpu.memory_space<vmem>>, vector<16xf32>,
      %add3A_264 = arith.addf %add3A_254, %get3A_263 : vector<16xf32>
      %add3A_265 = arith.constant 4864 : i32
      %add3A_266 = arith.addi %add3A_265, %mul3A_83 : i32
      %get3A_267 = arith.index_cast %add3A_266 : i32 to index
      %get3A_268 = tpu.vector_load %arg16[%get3A_267] {strides = array<i32>} : memref<8192xf32, #tpu.memory_space<vmem>>, vector<16xf32>,
      %max3A_269 = arith.maximumf %max3A_259, %get3A_268 : vector<16xf32>
      %add3A_270 = arith.constant 4864 : i32
      %add3A_271 = arith.addi %add3A_270, %mul3A_83 : i32
      %get3A_272 = arith.index_cast %add3A_271 : i32 to index
      %get3A_273 = tpu.vector_load %arg17[%get3A_272] {strides = array<i32>} : memref<8192xf32, #tpu.memory_space<vmem>>, vector<16xf32>,
      %add3A_274 = arith.addf %add3A_264, %get3A_273 : vector<16xf32>
      %add3A_275 = arith.constant 5120 : i32
      %add3A_276 = arith.addi %add3A_275, %mul3A_83 : i32
      %get3A_277 = arith.index_cast %add3A_276 : i32 to index
      %get3A_278 = tpu.vector_load %arg16[%get3A_277] {strides = array<i32>} : memref<8192xf32, #tpu.memory_space<vmem>>, vector<16xf32>,
      %max3A_279 = arith.maximumf %max3A_269, %get3A_278 : vector<16xf32>
      %add3A_280 = arith.constant 5120 : i32
      %add3A_281 = arith.addi %add3A_280, %mul3A_83 : i32
      %get3A_282 = arith.index_cast %add3A_281 : i32 to index
      %get3A_283 = tpu.vector_load %arg17[%get3A_282] {strides = array<i32>} : memref<8192xf32, #tpu.memory_space<vmem>>, vector<16xf32>,
      %add3A_284 = arith.addf %add3A_274, %get3A_283 : vector<16xf32>
      %add3A_285 = arith.constant 5376 : i32
      %add3A_286 = arith.addi %add3A_285, %mul3A_83 : i32
      %get3A_287 = arith.index_cast %add3A_286 : i32 to index
      %get3A_288 = tpu.vector_load %arg16[%get3A_287] {strides = array<i32>} : memref<8192xf32, #tpu.memory_space<vmem>>, vector<16xf32>,
      %max3A_289 = arith.maximumf %max3A_279, %get3A_288 : vector<16xf32>
      %add3A_290 = arith.constant 5376 : i32
      %add3A_291 = arith.addi %add3A_290, %mul3A_83 : i32
      %get3A_292 = arith.index_cast %add3A_291 : i32 to index
      %get3A_293 = tpu.vector_load %arg17[%get3A_292] {strides = array<i32>} : memref<8192xf32, #tpu.memory_space<vmem>>, vector<16xf32>,
      %add3A_294 = arith.addf %add3A_284, %get3A_293 : vector<16xf32>
      %add3A_295 = arith.constant 5632 : i32
      %add3A_296 = arith.addi %add3A_295, %mul3A_83 : i32
      %get3A_297 = arith.index_cast %add3A_296 : i32 to index
      %get3A_298 = tpu.vector_load %arg16[%get3A_297] {strides = array<i32>} : memref<8192xf32, #tpu.memory_space<vmem>>, vector<16xf32>,
      %max3A_299 = arith.maximumf %max3A_289, %get3A_298 : vector<16xf32>
      %add3A_300 = arith.constant 5632 : i32
      %add3A_301 = arith.addi %add3A_300, %mul3A_83 : i32
      %get3A_302 = arith.index_cast %add3A_301 : i32 to index
      %get3A_303 = tpu.vector_load %arg17[%get3A_302] {strides = array<i32>} : memref<8192xf32, #tpu.memory_space<vmem>>, vector<16xf32>,
      %add3A_304 = arith.addf %add3A_294, %get3A_303 : vector<16xf32>
      %add3A_305 = arith.constant 5888 : i32
      %add3A_306 = arith.addi %add3A_305, %mul3A_83 : i32
      %get3A_307 = arith.index_cast %add3A_306 : i32 to index
      %get3A_308 = tpu.vector_load %arg16[%get3A_307] {strides = array<i32>} : memref<8192xf32, #tpu.memory_space<vmem>>, vector<16xf32>,
      %max3A_309 = arith.maximumf %max3A_299, %get3A_308 : vector<16xf32>
      %add3A_310 = arith.constant 5888 : i32
      %add3A_311 = arith.addi %add3A_310, %mul3A_83 : i32
      %get3A_312 = arith.index_cast %add3A_311 : i32 to index
      %get3A_313 = tpu.vector_load %arg17[%get3A_312] {strides = array<i32>} : memref<8192xf32, #tpu.memory_space<vmem>>, vector<16xf32>,
      %add3A_314 = arith.addf %add3A_304, %get3A_313 : vector<16xf32>
      %add3A_315 = arith.constant 6144 : i32
      %add3A_316 = arith.addi %add3A_315, %mul3A_83 : i32
      %get3A_317 = arith.index_cast %add3A_316 : i32 to index
      %get3A_318 = tpu.vector_load %arg16[%get3A_317] {strides = array<i32>} : memref<8192xf32, #tpu.memory_space<vmem>>, vector<16xf32>,
      %max3A_319 = arith.maximumf %max3A_309, %get3A_318 : vector<16xf32>
      %add3A_320 = arith.constant 6144 : i32
      %add3A_321 = arith.addi %add3A_320, %mul3A_83 : i32
      %get3A_322 = arith.index_cast %add3A_321 : i32 to index
      %get3A_323 = tpu.vector_load %arg17[%get3A_322] {strides = array<i32>} : memref<8192xf32, #tpu.memory_space<vmem>>, vector<16xf32>,
      %add3A_324 = arith.addf %add3A_314, %get3A_323 : vector<16xf32>
      %add3A_325 = arith.constant 6400 : i32
      %add3A_326 = arith.addi %add3A_325, %mul3A_83 : i32
      %get3A_327 = arith.index_cast %add3A_326 : i32 to index
      %get3A_328 = tpu.vector_load %arg16[%get3A_327] {strides = array<i32>} : memref<8192xf32, #tpu.memory_space<vmem>>, vector<16xf32>,
      %max3A_329 = arith.maximumf %max3A_319, %get3A_328 : vector<16xf32>
      %add3A_330 = arith.constant 6400 : i32
      %add3A_331 = arith.addi %add3A_330, %mul3A_83 : i32
      %get3A_332 = arith.index_cast %add3A_331 : i32 to index
      %get3A_333 = tpu.vector_load %arg17[%get3A_332] {strides = array<i32>} : memref<8192xf32, #tpu.memory_space<vmem>>, vector<16xf32>,
      %add3A_334 = arith.addf %add3A_324, %get3A_333 : vector<16xf32>
      %add3A_335 = arith.constant 6656 : i32
      %add3A_336 = arith.addi %add3A_335, %mul3A_83 : i32
      %get3A_337 = arith.index_cast %add3A_336 : i32 to index
      %get3A_338 = tpu.vector_load %arg16[%get3A_337] {strides = array<i32>} : memref<8192xf32, #tpu.memory_space<vmem>>, vector<16xf32>,
      %max3A_339 = arith.maximumf %max3A_329, %get3A_338 : vector<16xf32>
      %add3A_340 = arith.constant 6656 : i32
      %add3A_341 = arith.addi %add3A_340, %mul3A_83 : i32
      %get3A_342 = arith.index_cast %add3A_341 : i32 to index
      %get3A_343 = tpu.vector_load %arg17[%get3A_342] {strides = array<i32>} : memref<8192xf32, #tpu.memory_space<vmem>>, vector<16xf32>,
      %add3A_344 = arith.addf %add3A_334, %get3A_343 : vector<16xf32>
      %add3A_345 = arith.constant 6912 : i32
      %add3A_346 = arith.addi %add3A_345, %mul3A_83 : i32
      %get3A_347 = arith.index_cast %add3A_346 : i32 to index
      %get3A_348 = tpu.vector_load %arg16[%get3A_347] {strides = array<i32>} : memref<8192xf32, #tpu.memory_space<vmem>>, vector<16xf32>,
      %max3A_349 = arith.maximumf %max3A_339, %get3A_348 : vector<16xf32>
      %add3A_350 = arith.constant 6912 : i32
      %add3A_351 = arith.addi %add3A_350, %mul3A_83 : i32
      %get3A_352 = arith.index_cast %add3A_351 : i32 to index
      %get3A_353 = tpu.vector_load %arg17[%get3A_352] {strides = array<i32>} : memref<8192xf32, #tpu.memory_space<vmem>>, vector<16xf32>,
      %add3A_354 = arith.addf %add3A_344, %get3A_353 : vector<16xf32>
      %add3A_355 = arith.constant 7168 : i32
      %add3A_356 = arith.addi %add3A_355, %mul3A_83 : i32
      %get3A_357 = arith.index_cast %add3A_356 : i32 to index
      %get3A_358 = tpu.vector_load %arg16[%get3A_357] {strides = array<i32>} : memref<8192xf32, #tpu.memory_space<vmem>>, vector<16xf32>,
      %max3A_359 = arith.maximumf %max3A_349, %get3A_358 : vector<16xf32>
      %add3A_360 = arith.constant 7168 : i32
      %add3A_361 = arith.addi %add3A_360, %mul3A_83 : i32
      %get3A_362 = arith.index_cast %add3A_361 : i32 to index
      %get3A_363 = tpu.vector_load %arg17[%get3A_362] {strides = array<i32>} : memref<8192xf32, #tpu.memory_space<vmem>>, vector<16xf32>,
      %add3A_364 = arith.addf %add3A_354, %get3A_363 : vector<16xf32>
      %add3A_365 = arith.constant 7424 : i32
      %add3A_366 = arith.addi %add3A_365, %mul3A_83 : i32
      %get3A_367 = arith.index_cast %add3A_366 : i32 to index
      %get3A_368 = tpu.vector_load %arg16[%get3A_367] {strides = array<i32>} : memref<8192xf32, #tpu.memory_space<vmem>>, vector<16xf32>,
      %max3A_369 = arith.maximumf %max3A_359, %get3A_368 : vector<16xf32>
      %add3A_370 = arith.constant 7424 : i32
      %add3A_371 = arith.addi %add3A_370, %mul3A_83 : i32
      %get3A_372 = arith.index_cast %add3A_371 : i32 to index
      %get3A_373 = tpu.vector_load %arg17[%get3A_372] {strides = array<i32>} : memref<8192xf32, #tpu.memory_space<vmem>>, vector<16xf32>,
      %add3A_374 = arith.addf %add3A_364, %get3A_373 : vector<16xf32>
      %add3A_375 = arith.constant 7680 : i32
      %add3A_376 = arith.addi %add3A_375, %mul3A_83 : i32
      %get3A_377 = arith.index_cast %add3A_376 : i32 to index
      %get3A_378 = tpu.vector_load %arg16[%get3A_377] {strides = array<i32>} : memref<8192xf32, #tpu.memory_space<vmem>>, vector<16xf32>,
      %max3A_379 = arith.maximumf %max3A_369, %get3A_378 : vector<16xf32>
      %add3A_380 = arith.constant 7680 : i32
      %add3A_381 = arith.addi %add3A_380, %mul3A_83 : i32
      %get3A_382 = arith.index_cast %add3A_381 : i32 to index
      %get3A_383 = tpu.vector_load %arg17[%get3A_382] {strides = array<i32>} : memref<8192xf32, #tpu.memory_space<vmem>>, vector<16xf32>,
      %add3A_384 = arith.addf %add3A_374, %get3A_383 : vector<16xf32>
      %add3A_385 = arith.constant 7936 : i32
      %add3A_386 = arith.addi %add3A_385, %mul3A_83 : i32
      %get3A_387 = arith.index_cast %add3A_386 : i32 to index
      %get3A_388 = tpu.vector_load %arg16[%get3A_387] {strides = array<i32>} : memref<8192xf32, #tpu.memory_space<vmem>>, vector<16xf32>,
      %max3A_389 = arith.maximumf %max3A_379, %get3A_388 : vector<16xf32>
      %add3A_390 = arith.constant 7936 : i32
      %add3A_391 = arith.addi %add3A_390, %mul3A_83 : i32
      %get3A_392 = arith.index_cast %add3A_391 : i32 to index
      %get3A_393 = tpu.vector_load %arg17[%get3A_392] {strides = array<i32>} : memref<8192xf32, #tpu.memory_space<vmem>>, vector<16xf32>,
      %add3A_394 = arith.addf %add3A_384, %get3A_393 : vector<16xf32>
      %swap3A = arith.index_cast %mul3A_83 : i32 to index
      %swap3A_395 = tpu.vector_load %arg19[%swap3A] {strides = array<i32>} : memref<256xf32, #tpu.memory_space<vmem>>, vector<16xf32>,
      tpu.vector_store %arg19[%swap3A], %max3A_389 {strides = array<i32>} : memref<256xf32, #tpu.memory_space<vmem>>, vector<16xf32>,
      %swap3A_396 = arith.index_cast %mul3A_83 : i32 to index
      %swap3A_397 = tpu.vector_load %arg20[%swap3A_396] {strides = array<i32>} : memref<256xf32, #tpu.memory_space<vmem>>, vector<16xf32>,
      tpu.vector_store %arg20[%swap3A_396], %add3A_394 {strides = array<i32>} : memref<256xf32, #tpu.memory_space<vmem>>, vector<16xf32>,
    }
    %scan3A_26 = arith.constant 16 : i32
    %mul3A_27 = arith.constant 256 : i32
    %mul3A_28 = arith.muli %arg1, %mul3A_27 : i32
    "tpu.region"() ({
      %run_scoped3A = tpu.sem_alloc : memref<!tpu.dma_semaphore, #tpu.memory_space<semaphore_mem>>
      %dma_start3A_81 = tpu.memref_slice %arg31[%mul3A_28] : memref<4096xf32, #tpu.memory_space<vmem_shared>> -> memref<256xf32, #tpu.memory_space<vmem_shared>>
      %dma_start3A_82 = tpu.memref_slice %arg31[%mul3A_28] : memref<4096xf32, #tpu.memory_space<vmem_shared>> -> memref<256xf32, #tpu.memory_space<vmem_shared>>
      tpu.enqueue_dma source(%arg19 : memref<256xf32, #tpu.memory_space<vmem>>) target(%dma_start3A_82 : memref<256xf32, #tpu.memory_space<vmem_shared>>) target_semaphore(%run_scoped3A : memref<!tpu.dma_semaphore, #tpu.memory_space<semaphore_mem>>)
      %dma_wait3A_83 = tpu.memref_slice %arg31[%mul3A_28] : memref<4096xf32, #tpu.memory_space<vmem_shared>> -> memref<256xf32, #tpu.memory_space<vmem_shared>>
      %dma_wait3A_84 = tpu.memref_slice %arg31[%mul3A_28] : memref<4096xf32, #tpu.memory_space<vmem_shared>> -> memref<256xf32, #tpu.memory_space<vmem_shared>>
      tpu.wait_dma2 semaphore(%run_scoped3A : memref<!tpu.dma_semaphore, #tpu.memory_space<semaphore_mem>>) src(%arg19 : memref<256xf32, #tpu.memory_space<vmem>>) dst(%dma_wait3A_84 : memref<256xf32, #tpu.memory_space<vmem_shared>>)
      tpu.yield
    }) : () -> ()
    %mul3A_29 = arith.constant 256 : i32
    %mul3A_30 = arith.muli %arg1, %mul3A_29 : i32
    "tpu.region"() ({
      %run_scoped3A = tpu.sem_alloc : memref<!tpu.dma_semaphore, #tpu.memory_space<semaphore_mem>>
      %dma_start3A_81 = tpu.memref_slice %arg32[%mul3A_30] : memref<4096xf32, #tpu.memory_space<vmem_shared>> -> memref<256xf32, #tpu.memory_space<vmem_shared>>
      %dma_start3A_82 = tpu.memref_slice %arg32[%mul3A_30] : memref<4096xf32, #tpu.memory_space<vmem_shared>> -> memref<256xf32, #tpu.memory_space<vmem_shared>>
      tpu.enqueue_dma source(%arg20 : memref<256xf32, #tpu.memory_space<vmem>>) target(%dma_start3A_82 : memref<256xf32, #tpu.memory_space<vmem_shared>>) target_semaphore(%run_scoped3A : memref<!tpu.dma_semaphore, #tpu.memory_space<semaphore_mem>>)
      %dma_wait3A_83 = tpu.memref_slice %arg32[%mul3A_30] : memref<4096xf32, #tpu.memory_space<vmem_shared>> -> memref<256xf32, #tpu.memory_space<vmem_shared>>
      %dma_wait3A_84 = tpu.memref_slice %arg32[%mul3A_30] : memref<4096xf32, #tpu.memory_space<vmem_shared>> -> memref<256xf32, #tpu.memory_space<vmem_shared>>
      tpu.wait_dma2 semaphore(%run_scoped3A : memref<!tpu.dma_semaphore, #tpu.memory_space<semaphore_mem>>) src(%arg20 : memref<256xf32, #tpu.memory_space<vmem>>) dst(%dma_wait3A_84 : memref<256xf32, #tpu.memory_space<vmem_shared>>)
      tpu.yield
    }) : () -> ()
    %barrier3A = arith.constant 0 : index
    tpu.barrier barrier_id(%barrier3A)
    "tpu.region"() ({
      %run_scoped3A = tpu.sem_alloc : memref<!tpu.dma_semaphore, #tpu.memory_space<semaphore_mem>>
      tpu.enqueue_dma source(%arg31 : memref<4096xf32, #tpu.memory_space<vmem_shared>>) target(%arg25 : memref<4096xf32, #tpu.memory_space<vmem>>) target_semaphore(%run_scoped3A : memref<!tpu.dma_semaphore, #tpu.memory_space<semaphore_mem>>)
      tpu.wait_dma2 semaphore(%run_scoped3A : memref<!tpu.dma_semaphore, #tpu.memory_space<semaphore_mem>>) src(%arg31 : memref<4096xf32, #tpu.memory_space<vmem_shared>>) dst(%arg25 : memref<4096xf32, #tpu.memory_space<vmem>>)
      tpu.yield
    }) : () -> ()
    %scan3A_31 = arith.constant 0 : i32
    %scan3A_32 = arith.constant 0 : i32
    %scan3A_33 = arith.constant 16 : i32
    %scan3A_34 = arith.addi %scan3A_32, %scan3A_33 : i32
    %scan3A_35 = arith.constant 1 : i32
    scf.for %scan3A_81 = %scan3A_32 to %scan3A_34 step %scan3A_35  : i32 {
      %mul3A_82 = arith.constant 16 : i32
      %mul3A_83 = arith.muli %scan3A_81, %mul3A_82 : i32
      %get3A = arith.index_cast %mul3A_83 : i32 to index
      %get3A_84 = tpu.vector_load %arg25[%get3A] {strides = array<i32>} : memref<4096xf32, #tpu.memory_space<vmem>>, vector<16xf32>,
      %add3A = arith.constant 256 : i32
      %add3A_85 = arith.addi %add3A, %mul3A_83 : i32
      %get3A_86 = arith.index_cast %add3A_85 : i32 to index
      %get3A_87 = tpu.vector_load %arg25[%get3A_86] {strides = array<i32>} : memref<4096xf32, #tpu.memory_space<vmem>>, vector<16xf32>,
      %max3A = arith.maximumf %get3A_84, %get3A_87 : vector<16xf32>
      %add3A_88 = arith.constant 512 : i32
      %add3A_89 = arith.addi %add3A_88, %mul3A_83 : i32
      %get3A_90 = arith.index_cast %add3A_89 : i32 to index
      %get3A_91 = tpu.vector_load %arg25[%get3A_90] {strides = array<i32>} : memref<4096xf32, #tpu.memory_space<vmem>>, vector<16xf32>,
      %max3A_92 = arith.maximumf %max3A, %get3A_91 : vector<16xf32>
      %add3A_93 = arith.constant 768 : i32
      %add3A_94 = arith.addi %add3A_93, %mul3A_83 : i32
      %get3A_95 = arith.index_cast %add3A_94 : i32 to index
      %get3A_96 = tpu.vector_load %arg25[%get3A_95] {strides = array<i32>} : memref<4096xf32, #tpu.memory_space<vmem>>, vector<16xf32>,
      %max3A_97 = arith.maximumf %max3A_92, %get3A_96 : vector<16xf32>
      %add3A_98 = arith.constant 1024 : i32
      %add3A_99 = arith.addi %add3A_98, %mul3A_83 : i32
      %get3A_100 = arith.index_cast %add3A_99 : i32 to index
      %get3A_101 = tpu.vector_load %arg25[%get3A_100] {strides = array<i32>} : memref<4096xf32, #tpu.memory_space<vmem>>, vector<16xf32>,
      %max3A_102 = arith.maximumf %max3A_97, %get3A_101 : vector<16xf32>
      %add3A_103 = arith.constant 1280 : i32
      %add3A_104 = arith.addi %add3A_103, %mul3A_83 : i32
      %get3A_105 = arith.index_cast %add3A_104 : i32 to index
      %get3A_106 = tpu.vector_load %arg25[%get3A_105] {strides = array<i32>} : memref<4096xf32, #tpu.memory_space<vmem>>, vector<16xf32>,
      %max3A_107 = arith.maximumf %max3A_102, %get3A_106 : vector<16xf32>
      %add3A_108 = arith.constant 1536 : i32
      %add3A_109 = arith.addi %add3A_108, %mul3A_83 : i32
      %get3A_110 = arith.index_cast %add3A_109 : i32 to index
      %get3A_111 = tpu.vector_load %arg25[%get3A_110] {strides = array<i32>} : memref<4096xf32, #tpu.memory_space<vmem>>, vector<16xf32>,
      %max3A_112 = arith.maximumf %max3A_107, %get3A_111 : vector<16xf32>
      %add3A_113 = arith.constant 1792 : i32
      %add3A_114 = arith.addi %add3A_113, %mul3A_83 : i32
      %get3A_115 = arith.index_cast %add3A_114 : i32 to index
      %get3A_116 = tpu.vector_load %arg25[%get3A_115] {strides = array<i32>} : memref<4096xf32, #tpu.memory_space<vmem>>, vector<16xf32>,
      %max3A_117 = arith.maximumf %max3A_112, %get3A_116 : vector<16xf32>
      %add3A_118 = arith.constant 2048 : i32
      %add3A_119 = arith.addi %add3A_118, %mul3A_83 : i32
      %get3A_120 = arith.index_cast %add3A_119 : i32 to index
      %get3A_121 = tpu.vector_load %arg25[%get3A_120] {strides = array<i32>} : memref<4096xf32, #tpu.memory_space<vmem>>, vector<16xf32>,
      %max3A_122 = arith.maximumf %max3A_117, %get3A_121 : vector<16xf32>
      %add3A_123 = arith.constant 2304 : i32
      %add3A_124 = arith.addi %add3A_123, %mul3A_83 : i32
      %get3A_125 = arith.index_cast %add3A_124 : i32 to index
      %get3A_126 = tpu.vector_load %arg25[%get3A_125] {strides = array<i32>} : memref<4096xf32, #tpu.memory_space<vmem>>, vector<16xf32>,
      %max3A_127 = arith.maximumf %max3A_122, %get3A_126 : vector<16xf32>
      %add3A_128 = arith.constant 2560 : i32
      %add3A_129 = arith.addi %add3A_128, %mul3A_83 : i32
      %get3A_130 = arith.index_cast %add3A_129 : i32 to index
      %get3A_131 = tpu.vector_load %arg25[%get3A_130] {strides = array<i32>} : memref<4096xf32, #tpu.memory_space<vmem>>, vector<16xf32>,
      %max3A_132 = arith.maximumf %max3A_127, %get3A_131 : vector<16xf32>
      %add3A_133 = arith.constant 2816 : i32
      %add3A_134 = arith.addi %add3A_133, %mul3A_83 : i32
      %get3A_135 = arith.index_cast %add3A_134 : i32 to index
      %get3A_136 = tpu.vector_load %arg25[%get3A_135] {strides = array<i32>} : memref<4096xf32, #tpu.memory_space<vmem>>, vector<16xf32>,
      %max3A_137 = arith.maximumf %max3A_132, %get3A_136 : vector<16xf32>
      %add3A_138 = arith.constant 3072 : i32
      %add3A_139 = arith.addi %add3A_138, %mul3A_83 : i32
      %get3A_140 = arith.index_cast %add3A_139 : i32 to index
      %get3A_141 = tpu.vector_load %arg25[%get3A_140] {strides = array<i32>} : memref<4096xf32, #tpu.memory_space<vmem>>, vector<16xf32>,
      %max3A_142 = arith.maximumf %max3A_137, %get3A_141 : vector<16xf32>
      %add3A_143 = arith.constant 3328 : i32
      %add3A_144 = arith.addi %add3A_143, %mul3A_83 : i32
      %get3A_145 = arith.index_cast %add3A_144 : i32 to index
      %get3A_146 = tpu.vector_load %arg25[%get3A_145] {strides = array<i32>} : memref<4096xf32, #tpu.memory_space<vmem>>, vector<16xf32>,
      %max3A_147 = arith.maximumf %max3A_142, %get3A_146 : vector<16xf32>
      %add3A_148 = arith.constant 3584 : i32
      %add3A_149 = arith.addi %add3A_148, %mul3A_83 : i32
      %get3A_150 = arith.index_cast %add3A_149 : i32 to index
      %get3A_151 = tpu.vector_load %arg25[%get3A_150] {strides = array<i32>} : memref<4096xf32, #tpu.memory_space<vmem>>, vector<16xf32>,
      %max3A_152 = arith.maximumf %max3A_147, %get3A_151 : vector<16xf32>
      %add3A_153 = arith.constant 3840 : i32
      %add3A_154 = arith.addi %add3A_153, %mul3A_83 : i32
      %get3A_155 = arith.index_cast %add3A_154 : i32 to index
      %get3A_156 = tpu.vector_load %arg25[%get3A_155] {strides = array<i32>} : memref<4096xf32, #tpu.memory_space<vmem>>, vector<16xf32>,
      %max3A_157 = arith.maximumf %max3A_152, %get3A_156 : vector<16xf32>
      %swap3A = arith.index_cast %mul3A_83 : i32 to index
      %swap3A_158 = tpu.vector_load %arg19[%swap3A] {strides = array<i32>} : memref<256xf32, #tpu.memory_space<vmem>>, vector<16xf32>,
      tpu.vector_store %arg19[%swap3A], %max3A_157 {strides = array<i32>} : memref<256xf32, #tpu.memory_space<vmem>>, vector<16xf32>,
    }
    %scan3A_36 = arith.constant 16 : i32
    "tpu.region"() ({
      %run_scoped3A = tpu.sem_alloc : memref<!tpu.dma_semaphore, #tpu.memory_space<semaphore_mem>>
      tpu.enqueue_dma source(%arg32 : memref<4096xf32, #tpu.memory_space<vmem_shared>>) target(%arg25 : memref<4096xf32, #tpu.memory_space<vmem>>) target_semaphore(%run_scoped3A : memref<!tpu.dma_semaphore, #tpu.memory_space<semaphore_mem>>)
      tpu.wait_dma2 semaphore(%run_scoped3A : memref<!tpu.dma_semaphore, #tpu.memory_space<semaphore_mem>>) src(%arg32 : memref<4096xf32, #tpu.memory_space<vmem_shared>>) dst(%arg25 : memref<4096xf32, #tpu.memory_space<vmem>>)
      tpu.yield
    }) : () -> ()
    %scan3A_37 = arith.constant 0 : i32
    %scan3A_38 = arith.constant 0 : i32
    %scan3A_39 = arith.constant 16 : i32
    %scan3A_40 = arith.addi %scan3A_38, %scan3A_39 : i32
    %scan3A_41 = arith.constant 1 : i32
    scf.for %scan3A_81 = %scan3A_38 to %scan3A_40 step %scan3A_41  : i32 {
      %mul3A_82 = arith.constant 16 : i32
      %mul3A_83 = arith.muli %scan3A_81, %mul3A_82 : i32
      %get3A = arith.index_cast %mul3A_83 : i32 to index
      %get3A_84 = tpu.vector_load %arg25[%get3A] {strides = array<i32>} : memref<4096xf32, #tpu.memory_space<vmem>>, vector<16xf32>,
      %add3A = arith.constant 256 : i32
      %add3A_85 = arith.addi %add3A, %mul3A_83 : i32
      %get3A_86 = arith.index_cast %add3A_85 : i32 to index
      %get3A_87 = tpu.vector_load %arg25[%get3A_86] {strides = array<i32>} : memref<4096xf32, #tpu.memory_space<vmem>>, vector<16xf32>,
      %add3A_88 = arith.addf %get3A_84, %get3A_87 : vector<16xf32>
      %add3A_89 = arith.constant 512 : i32
      %add3A_90 = arith.addi %add3A_89, %mul3A_83 : i32
      %get3A_91 = arith.index_cast %add3A_90 : i32 to index
      %get3A_92 = tpu.vector_load %arg25[%get3A_91] {strides = array<i32>} : memref<4096xf32, #tpu.memory_space<vmem>>, vector<16xf32>,
      %add3A_93 = arith.addf %add3A_88, %get3A_92 : vector<16xf32>
      %add3A_94 = arith.constant 768 : i32
      %add3A_95 = arith.addi %add3A_94, %mul3A_83 : i32
      %get3A_96 = arith.index_cast %add3A_95 : i32 to index
      %get3A_97 = tpu.vector_load %arg25[%get3A_96] {strides = array<i32>} : memref<4096xf32, #tpu.memory_space<vmem>>, vector<16xf32>,
      %add3A_98 = arith.addf %add3A_93, %get3A_97 : vector<16xf32>
      %add3A_99 = arith.constant 1024 : i32
      %add3A_100 = arith.addi %add3A_99, %mul3A_83 : i32
      %get3A_101 = arith.index_cast %add3A_100 : i32 to index
      %get3A_102 = tpu.vector_load %arg25[%get3A_101] {strides = array<i32>} : memref<4096xf32, #tpu.memory_space<vmem>>, vector<16xf32>,
      %add3A_103 = arith.addf %add3A_98, %get3A_102 : vector<16xf32>
      %add3A_104 = arith.constant 1280 : i32
      %add3A_105 = arith.addi %add3A_104, %mul3A_83 : i32
      %get3A_106 = arith.index_cast %add3A_105 : i32 to index
      %get3A_107 = tpu.vector_load %arg25[%get3A_106] {strides = array<i32>} : memref<4096xf32, #tpu.memory_space<vmem>>, vector<16xf32>,
      %add3A_108 = arith.addf %add3A_103, %get3A_107 : vector<16xf32>
      %add3A_109 = arith.constant 1536 : i32
      %add3A_110 = arith.addi %add3A_109, %mul3A_83 : i32
      %get3A_111 = arith.index_cast %add3A_110 : i32 to index
      %get3A_112 = tpu.vector_load %arg25[%get3A_111] {strides = array<i32>} : memref<4096xf32, #tpu.memory_space<vmem>>, vector<16xf32>,
      %add3A_113 = arith.addf %add3A_108, %get3A_112 : vector<16xf32>
      %add3A_114 = arith.constant 1792 : i32
      %add3A_115 = arith.addi %add3A_114, %mul3A_83 : i32
      %get3A_116 = arith.index_cast %add3A_115 : i32 to index
      %get3A_117 = tpu.vector_load %arg25[%get3A_116] {strides = array<i32>} : memref<4096xf32, #tpu.memory_space<vmem>>, vector<16xf32>,
      %add3A_118 = arith.addf %add3A_113, %get3A_117 : vector<16xf32>
      %add3A_119 = arith.constant 2048 : i32
      %add3A_120 = arith.addi %add3A_119, %mul3A_83 : i32
      %get3A_121 = arith.index_cast %add3A_120 : i32 to index
      %get3A_122 = tpu.vector_load %arg25[%get3A_121] {strides = array<i32>} : memref<4096xf32, #tpu.memory_space<vmem>>, vector<16xf32>,
      %add3A_123 = arith.addf %add3A_118, %get3A_122 : vector<16xf32>
      %add3A_124 = arith.constant 2304 : i32
      %add3A_125 = arith.addi %add3A_124, %mul3A_83 : i32
      %get3A_126 = arith.index_cast %add3A_125 : i32 to index
      %get3A_127 = tpu.vector_load %arg25[%get3A_126] {strides = array<i32>} : memref<4096xf32, #tpu.memory_space<vmem>>, vector<16xf32>,
      %add3A_128 = arith.addf %add3A_123, %get3A_127 : vector<16xf32>
      %add3A_129 = arith.constant 2560 : i32
      %add3A_130 = arith.addi %add3A_129, %mul3A_83 : i32
      %get3A_131 = arith.index_cast %add3A_130 : i32 to index
      %get3A_132 = tpu.vector_load %arg25[%get3A_131] {strides = array<i32>} : memref<4096xf32, #tpu.memory_space<vmem>>, vector<16xf32>,
      %add3A_133 = arith.addf %add3A_128, %get3A_132 : vector<16xf32>
      %add3A_134 = arith.constant 2816 : i32
      %add3A_135 = arith.addi %add3A_134, %mul3A_83 : i32
      %get3A_136 = arith.index_cast %add3A_135 : i32 to index
      %get3A_137 = tpu.vector_load %arg25[%get3A_136] {strides = array<i32>} : memref<4096xf32, #tpu.memory_space<vmem>>, vector<16xf32>,
      %add3A_138 = arith.addf %add3A_133, %get3A_137 : vector<16xf32>
      %add3A_139 = arith.constant 3072 : i32
      %add3A_140 = arith.addi %add3A_139, %mul3A_83 : i32
      %get3A_141 = arith.index_cast %add3A_140 : i32 to index
      %get3A_142 = tpu.vector_load %arg25[%get3A_141] {strides = array<i32>} : memref<4096xf32, #tpu.memory_space<vmem>>, vector<16xf32>,
      %add3A_143 = arith.addf %add3A_138, %get3A_142 : vector<16xf32>
      %add3A_144 = arith.constant 3328 : i32
      %add3A_145 = arith.addi %add3A_144, %mul3A_83 : i32
      %get3A_146 = arith.index_cast %add3A_145 : i32 to index
      %get3A_147 = tpu.vector_load %arg25[%get3A_146] {strides = array<i32>} : memref<4096xf32, #tpu.memory_space<vmem>>, vector<16xf32>,
      %add3A_148 = arith.addf %add3A_143, %get3A_147 : vector<16xf32>
      %add3A_149 = arith.constant 3584 : i32
      %add3A_150 = arith.addi %add3A_149, %mul3A_83 : i32
      %get3A_151 = arith.index_cast %add3A_150 : i32 to index
      %get3A_152 = tpu.vector_load %arg25[%get3A_151] {strides = array<i32>} : memref<4096xf32, #tpu.memory_space<vmem>>, vector<16xf32>,
      %add3A_153 = arith.addf %add3A_148, %get3A_152 : vector<16xf32>
      %add3A_154 = arith.constant 3840 : i32
      %add3A_155 = arith.addi %add3A_154, %mul3A_83 : i32
      %get3A_156 = arith.index_cast %add3A_155 : i32 to index
      %get3A_157 = tpu.vector_load %arg25[%get3A_156] {strides = array<i32>} : memref<4096xf32, #tpu.memory_space<vmem>>, vector<16xf32>,
      %add3A_158 = arith.addf %add3A_153, %get3A_157 : vector<16xf32>
      %swap3A = arith.index_cast %mul3A_83 : i32 to index
      %swap3A_159 = tpu.vector_load %arg20[%swap3A] {strides = array<i32>} : memref<256xf32, #tpu.memory_space<vmem>>, vector<16xf32>,
      tpu.vector_store %arg20[%swap3A], %add3A_158 {strides = array<i32>} : memref<256xf32, #tpu.memory_space<vmem>>, vector<16xf32>,
    }
    %scan3A_42 = arith.constant 16 : i32
    %scan3A_43 = arith.constant 0 : i32
    %scan3A_44 = arith.constant 0 : i32
    %scan3A_45 = arith.constant 196 : i32
    %scan3A_46 = arith.addi %scan3A_44, %scan3A_45 : i32
    %scan3A_47 = arith.constant 1 : i32
    scf.for %scan3A_81 = %scan3A_44 to %scan3A_46 step %scan3A_47  : i32 {
      %mul3A_82 = arith.constant 16 : i32
      %mul3A_83 = arith.muli %scan3A_81, %mul3A_82 : i32
      %add3A = arith.constant 3136 : i32
      %add3A_84 = arith.addi %add3A, %mul3A_83 : i32
      %get3A = arith.index_cast %mul3A_83 : i32 to index
      %get3A_85 = tpu.vector_load %arg14[%get3A] {strides = array<i32>} : memref<6272xi32, #tpu.memory_space<vmem>>, vector<16xi32>,
      %get3A_86 = arith.index_cast %mul3A_83 : i32 to index
      %get3A_87 = tpu.vector_load %arg15[%get3A_86] {strides = array<i32>} : memref<6272xf32, #tpu.memory_space<vmem>>, vector<16xf32>,
      %get3A_88 = arith.index_cast %add3A_84 : i32 to index
      %get3A_89 = tpu.vector_load %arg14[%get3A_88] {strides = array<i32>} : memref<6272xi32, #tpu.memory_space<vmem>>, vector<16xi32>,
      %get3A_90 = arith.index_cast %add3A_84 : i32 to index
      %get3A_91 = tpu.vector_load %arg15[%get3A_90] {strides = array<i32>} : memref<6272xf32, #tpu.memory_space<vmem>>, vector<16xf32>,
      %gather3A = tpu.vector_load_idx %arg19[%get3A_85] : memref<256xf32, #tpu.memory_space<vmem>>[vector<16xi32>], vector<16xf32>,
      %gather3A_92 = tpu.vector_load_idx %arg19[%get3A_89] : memref<256xf32, #tpu.memory_space<vmem>>[vector<16xi32>], vector<16xf32>,
      %add3A_93 = arith.addi %mul3A_0, %mul3A_83 : i32
      %add3A_94 = vector.broadcast %add3A_93 : i32 to vector<16xi32>
      %add3A_95 = arith.addi %add3A_94, %iota3A : vector<16xi32>
      %add3A_96 = arith.addi %mul3A_0, %add3A_84 : i32
      %add3A_97 = vector.broadcast %add3A_96 : i32 to vector<16xi32>
      %add3A_98 = arith.addi %add3A_97, %iota3A : vector<16xi32>
      %add3A_99 = arith.addi %mul3A_3, %get3A_85 : vector<16xi32>
      %add3A_100 = arith.constant 4096 : i32
      %add3A_101 = vector.broadcast %add3A_100 : i32 to vector<16xi32>
      %add3A_102 = arith.addi %add3A_101, %mul3A_3 : vector<16xi32>
      %add3A_103 = arith.addi %add3A_102, %get3A_89 : vector<16xi32>
      %gather3A_104 = tpu.vector_load_idx %arg18[%add3A_99] : memref<8192xi32, #tpu.memory_space<vmem>>[vector<16xi32>], vector<16xi32>,
      %gather3A_105 = tpu.vector_load_idx %arg18[%add3A_103] : memref<8192xi32, #tpu.memory_space<vmem>>[vector<16xi32>], vector<16xi32>,
      %eq3A_106 = arith.cmpf oeq, %get3A_87, %gather3A : vector<16xf32>
      %min3A = arith.minsi %gather3A_104, %add3A_95 : vector<16xi32>
      %select_n3A = arith.select %eq3A_106, %min3A, %gather3A_104 : vector<16xi1>, vector<16xi32>
      %eq3A_107 = arith.cmpf oeq, %get3A_91, %gather3A_92 : vector<16xf32>
      %min3A_108 = arith.minsi %gather3A_105, %add3A_98 : vector<16xi32>
      %select_n3A_109 = arith.select %eq3A_107, %min3A_108, %gather3A_105 : vector<16xi1>, vector<16xi32>
      tpu.vector_store_idx %arg18[%add3A_99], %select_n3A : memref<8192xi32, #tpu.memory_space<vmem>>[vector<16xi32>], vector<16xi32>,
      tpu.vector_store_idx %arg18[%add3A_103], %select_n3A_109 : memref<8192xi32, #tpu.memory_space<vmem>>[vector<16xi32>], vector<16xi32>,
    }
    %scan3A_48 = arith.constant 196 : i32
    %scan3A_49 = arith.constant 0 : i32
    %scan3A_50 = arith.constant 0 : i32
    %scan3A_51 = arith.constant 16 : i32
    %scan3A_52 = arith.addi %scan3A_50, %scan3A_51 : i32
    %scan3A_53 = arith.constant 1 : i32
    scf.for %scan3A_81 = %scan3A_50 to %scan3A_52 step %scan3A_53  : i32 {
      %mul3A_82 = arith.constant 16 : i32
      %mul3A_83 = arith.muli %scan3A_81, %mul3A_82 : i32
      %get3A = arith.index_cast %mul3A_83 : i32 to index
      %get3A_84 = tpu.vector_load %arg18[%get3A] {strides = array<i32>} : memref<8192xi32, #tpu.memory_space<vmem>>, vector<16xi32>,
      %add3A = arith.constant 256 : i32
      %add3A_85 = arith.addi %add3A, %mul3A_83 : i32
      %get3A_86 = arith.index_cast %add3A_85 : i32 to index
      %get3A_87 = tpu.vector_load %arg18[%get3A_86] {strides = array<i32>} : memref<8192xi32, #tpu.memory_space<vmem>>, vector<16xi32>,
      %min3A = arith.minsi %get3A_84, %get3A_87 : vector<16xi32>
      %add3A_88 = arith.constant 512 : i32
      %add3A_89 = arith.addi %add3A_88, %mul3A_83 : i32
      %get3A_90 = arith.index_cast %add3A_89 : i32 to index
      %get3A_91 = tpu.vector_load %arg18[%get3A_90] {strides = array<i32>} : memref<8192xi32, #tpu.memory_space<vmem>>, vector<16xi32>,
      %min3A_92 = arith.minsi %min3A, %get3A_91 : vector<16xi32>
      %add3A_93 = arith.constant 768 : i32
      %add3A_94 = arith.addi %add3A_93, %mul3A_83 : i32
      %get3A_95 = arith.index_cast %add3A_94 : i32 to index
      %get3A_96 = tpu.vector_load %arg18[%get3A_95] {strides = array<i32>} : memref<8192xi32, #tpu.memory_space<vmem>>, vector<16xi32>,
      %min3A_97 = arith.minsi %min3A_92, %get3A_96 : vector<16xi32>
      %add3A_98 = arith.constant 1024 : i32
      %add3A_99 = arith.addi %add3A_98, %mul3A_83 : i32
      %get3A_100 = arith.index_cast %add3A_99 : i32 to index
      %get3A_101 = tpu.vector_load %arg18[%get3A_100] {strides = array<i32>} : memref<8192xi32, #tpu.memory_space<vmem>>, vector<16xi32>,
      %min3A_102 = arith.minsi %min3A_97, %get3A_101 : vector<16xi32>
      %add3A_103 = arith.constant 1280 : i32
      %add3A_104 = arith.addi %add3A_103, %mul3A_83 : i32
      %get3A_105 = arith.index_cast %add3A_104 : i32 to index
      %get3A_106 = tpu.vector_load %arg18[%get3A_105] {strides = array<i32>} : memref<8192xi32, #tpu.memory_space<vmem>>, vector<16xi32>,
      %min3A_107 = arith.minsi %min3A_102, %get3A_106 : vector<16xi32>
      %add3A_108 = arith.constant 1536 : i32
      %add3A_109 = arith.addi %add3A_108, %mul3A_83 : i32
      %get3A_110 = arith.index_cast %add3A_109 : i32 to index
      %get3A_111 = tpu.vector_load %arg18[%get3A_110] {strides = array<i32>} : memref<8192xi32, #tpu.memory_space<vmem>>, vector<16xi32>,
      %min3A_112 = arith.minsi %min3A_107, %get3A_111 : vector<16xi32>
      %add3A_113 = arith.constant 1792 : i32
      %add3A_114 = arith.addi %add3A_113, %mul3A_83 : i32
      %get3A_115 = arith.index_cast %add3A_114 : i32 to index
      %get3A_116 = tpu.vector_load %arg18[%get3A_115] {strides = array<i32>} : memref<8192xi32, #tpu.memory_space<vmem>>, vector<16xi32>,
      %min3A_117 = arith.minsi %min3A_112, %get3A_116 : vector<16xi32>
      %add3A_118 = arith.constant 2048 : i32
      %add3A_119 = arith.addi %add3A_118, %mul3A_83 : i32
      %get3A_120 = arith.index_cast %add3A_119 : i32 to index
      %get3A_121 = tpu.vector_load %arg18[%get3A_120] {strides = array<i32>} : memref<8192xi32, #tpu.memory_space<vmem>>, vector<16xi32>,
      %min3A_122 = arith.minsi %min3A_117, %get3A_121 : vector<16xi32>
      %add3A_123 = arith.constant 2304 : i32
      %add3A_124 = arith.addi %add3A_123, %mul3A_83 : i32
      %get3A_125 = arith.index_cast %add3A_124 : i32 to index
      %get3A_126 = tpu.vector_load %arg18[%get3A_125] {strides = array<i32>} : memref<8192xi32, #tpu.memory_space<vmem>>, vector<16xi32>,
      %min3A_127 = arith.minsi %min3A_122, %get3A_126 : vector<16xi32>
      %add3A_128 = arith.constant 2560 : i32
      %add3A_129 = arith.addi %add3A_128, %mul3A_83 : i32
      %get3A_130 = arith.index_cast %add3A_129 : i32 to index
      %get3A_131 = tpu.vector_load %arg18[%get3A_130] {strides = array<i32>} : memref<8192xi32, #tpu.memory_space<vmem>>, vector<16xi32>,
      %min3A_132 = arith.minsi %min3A_127, %get3A_131 : vector<16xi32>
      %add3A_133 = arith.constant 2816 : i32
      %add3A_134 = arith.addi %add3A_133, %mul3A_83 : i32
      %get3A_135 = arith.index_cast %add3A_134 : i32 to index
      %get3A_136 = tpu.vector_load %arg18[%get3A_135] {strides = array<i32>} : memref<8192xi32, #tpu.memory_space<vmem>>, vector<16xi32>,
      %min3A_137 = arith.minsi %min3A_132, %get3A_136 : vector<16xi32>
      %add3A_138 = arith.constant 3072 : i32
      %add3A_139 = arith.addi %add3A_138, %mul3A_83 : i32
      %get3A_140 = arith.index_cast %add3A_139 : i32 to index
      %get3A_141 = tpu.vector_load %arg18[%get3A_140] {strides = array<i32>} : memref<8192xi32, #tpu.memory_space<vmem>>, vector<16xi32>,
      %min3A_142 = arith.minsi %min3A_137, %get3A_141 : vector<16xi32>
      %add3A_143 = arith.constant 3328 : i32
      %add3A_144 = arith.addi %add3A_143, %mul3A_83 : i32
      %get3A_145 = arith.index_cast %add3A_144 : i32 to index
      %get3A_146 = tpu.vector_load %arg18[%get3A_145] {strides = array<i32>} : memref<8192xi32, #tpu.memory_space<vmem>>, vector<16xi32>,
      %min3A_147 = arith.minsi %min3A_142, %get3A_146 : vector<16xi32>
      %add3A_148 = arith.constant 3584 : i32
      %add3A_149 = arith.addi %add3A_148, %mul3A_83 : i32
      %get3A_150 = arith.index_cast %add3A_149 : i32 to index
      %get3A_151 = tpu.vector_load %arg18[%get3A_150] {strides = array<i32>} : memref<8192xi32, #tpu.memory_space<vmem>>, vector<16xi32>,
      %min3A_152 = arith.minsi %min3A_147, %get3A_151 : vector<16xi32>
      %add3A_153 = arith.constant 3840 : i32
      %add3A_154 = arith.addi %add3A_153, %mul3A_83 : i32
      %get3A_155 = arith.index_cast %add3A_154 : i32 to index
      %get3A_156 = tpu.vector_load %arg18[%get3A_155] {strides = array<i32>} : memref<8192xi32, #tpu.memory_space<vmem>>, vector<16xi32>,
      %min3A_157 = arith.minsi %min3A_152, %get3A_156 : vector<16xi32>
      %add3A_158 = arith.constant 4096 : i32
      %add3A_159 = arith.addi %add3A_158, %mul3A_83 : i32
      %get3A_160 = arith.index_cast %add3A_159 : i32 to index
      %get3A_161 = tpu.vector_load %arg18[%get3A_160] {strides = array<i32>} : memref<8192xi32, #tpu.memory_space<vmem>>, vector<16xi32>,
      %min3A_162 = arith.minsi %min3A_157, %get3A_161 : vector<16xi32>
      %add3A_163 = arith.constant 4352 : i32
      %add3A_164 = arith.addi %add3A_163, %mul3A_83 : i32
      %get3A_165 = arith.index_cast %add3A_164 : i32 to index
      %get3A_166 = tpu.vector_load %arg18[%get3A_165] {strides = array<i32>} : memref<8192xi32, #tpu.memory_space<vmem>>, vector<16xi32>,
      %min3A_167 = arith.minsi %min3A_162, %get3A_166 : vector<16xi32>
      %add3A_168 = arith.constant 4608 : i32
      %add3A_169 = arith.addi %add3A_168, %mul3A_83 : i32
      %get3A_170 = arith.index_cast %add3A_169 : i32 to index
      %get3A_171 = tpu.vector_load %arg18[%get3A_170] {strides = array<i32>} : memref<8192xi32, #tpu.memory_space<vmem>>, vector<16xi32>,
      %min3A_172 = arith.minsi %min3A_167, %get3A_171 : vector<16xi32>
      %add3A_173 = arith.constant 4864 : i32
      %add3A_174 = arith.addi %add3A_173, %mul3A_83 : i32
      %get3A_175 = arith.index_cast %add3A_174 : i32 to index
      %get3A_176 = tpu.vector_load %arg18[%get3A_175] {strides = array<i32>} : memref<8192xi32, #tpu.memory_space<vmem>>, vector<16xi32>,
      %min3A_177 = arith.minsi %min3A_172, %get3A_176 : vector<16xi32>
      %add3A_178 = arith.constant 5120 : i32
      %add3A_179 = arith.addi %add3A_178, %mul3A_83 : i32
      %get3A_180 = arith.index_cast %add3A_179 : i32 to index
      %get3A_181 = tpu.vector_load %arg18[%get3A_180] {strides = array<i32>} : memref<8192xi32, #tpu.memory_space<vmem>>, vector<16xi32>,
      %min3A_182 = arith.minsi %min3A_177, %get3A_181 : vector<16xi32>
      %add3A_183 = arith.constant 5376 : i32
      %add3A_184 = arith.addi %add3A_183, %mul3A_83 : i32
      %get3A_185 = arith.index_cast %add3A_184 : i32 to index
      %get3A_186 = tpu.vector_load %arg18[%get3A_185] {strides = array<i32>} : memref<8192xi32, #tpu.memory_space<vmem>>, vector<16xi32>,
      %min3A_187 = arith.minsi %min3A_182, %get3A_186 : vector<16xi32>
      %add3A_188 = arith.constant 5632 : i32
      %add3A_189 = arith.addi %add3A_188, %mul3A_83 : i32
      %get3A_190 = arith.index_cast %add3A_189 : i32 to index
      %get3A_191 = tpu.vector_load %arg18[%get3A_190] {strides = array<i32>} : memref<8192xi32, #tpu.memory_space<vmem>>, vector<16xi32>,
      %min3A_192 = arith.minsi %min3A_187, %get3A_191 : vector<16xi32>
      %add3A_193 = arith.constant 5888 : i32
      %add3A_194 = arith.addi %add3A_193, %mul3A_83 : i32
      %get3A_195 = arith.index_cast %add3A_194 : i32 to index
      %get3A_196 = tpu.vector_load %arg18[%get3A_195] {strides = array<i32>} : memref<8192xi32, #tpu.memory_space<vmem>>, vector<16xi32>,
      %min3A_197 = arith.minsi %min3A_192, %get3A_196 : vector<16xi32>
      %add3A_198 = arith.constant 6144 : i32
      %add3A_199 = arith.addi %add3A_198, %mul3A_83 : i32
      %get3A_200 = arith.index_cast %add3A_199 : i32 to index
      %get3A_201 = tpu.vector_load %arg18[%get3A_200] {strides = array<i32>} : memref<8192xi32, #tpu.memory_space<vmem>>, vector<16xi32>,
      %min3A_202 = arith.minsi %min3A_197, %get3A_201 : vector<16xi32>
      %add3A_203 = arith.constant 6400 : i32
      %add3A_204 = arith.addi %add3A_203, %mul3A_83 : i32
      %get3A_205 = arith.index_cast %add3A_204 : i32 to index
      %get3A_206 = tpu.vector_load %arg18[%get3A_205] {strides = array<i32>} : memref<8192xi32, #tpu.memory_space<vmem>>, vector<16xi32>,
      %min3A_207 = arith.minsi %min3A_202, %get3A_206 : vector<16xi32>
      %add3A_208 = arith.constant 6656 : i32
      %add3A_209 = arith.addi %add3A_208, %mul3A_83 : i32
      %get3A_210 = arith.index_cast %add3A_209 : i32 to index
      %get3A_211 = tpu.vector_load %arg18[%get3A_210] {strides = array<i32>} : memref<8192xi32, #tpu.memory_space<vmem>>, vector<16xi32>,
      %min3A_212 = arith.minsi %min3A_207, %get3A_211 : vector<16xi32>
      %add3A_213 = arith.constant 6912 : i32
      %add3A_214 = arith.addi %add3A_213, %mul3A_83 : i32
      %get3A_215 = arith.index_cast %add3A_214 : i32 to index
      %get3A_216 = tpu.vector_load %arg18[%get3A_215] {strides = array<i32>} : memref<8192xi32, #tpu.memory_space<vmem>>, vector<16xi32>,
      %min3A_217 = arith.minsi %min3A_212, %get3A_216 : vector<16xi32>
      %add3A_218 = arith.constant 7168 : i32
      %add3A_219 = arith.addi %add3A_218, %mul3A_83 : i32
      %get3A_220 = arith.index_cast %add3A_219 : i32 to index
      %get3A_221 = tpu.vector_load %arg18[%get3A_220] {strides = array<i32>} : memref<8192xi32, #tpu.memory_space<vmem>>, vector<16xi32>,
      %min3A_222 = arith.minsi %min3A_217, %get3A_221 : vector<16xi32>
      %add3A_223 = arith.constant 7424 : i32
      %add3A_224 = arith.addi %add3A_223, %mul3A_83 : i32
      %get3A_225 = arith.index_cast %add3A_224 : i32 to index
      %get3A_226 = tpu.vector_load %arg18[%get3A_225] {strides = array<i32>} : memref<8192xi32, #tpu.memory_space<vmem>>, vector<16xi32>,
      %min3A_227 = arith.minsi %min3A_222, %get3A_226 : vector<16xi32>
      %add3A_228 = arith.constant 7680 : i32
      %add3A_229 = arith.addi %add3A_228, %mul3A_83 : i32
      %get3A_230 = arith.index_cast %add3A_229 : i32 to index
      %get3A_231 = tpu.vector_load %arg18[%get3A_230] {strides = array<i32>} : memref<8192xi32, #tpu.memory_space<vmem>>, vector<16xi32>,
      %min3A_232 = arith.minsi %min3A_227, %get3A_231 : vector<16xi32>
      %add3A_233 = arith.constant 7936 : i32
      %add3A_234 = arith.addi %add3A_233, %mul3A_83 : i32
      %get3A_235 = arith.index_cast %add3A_234 : i32 to index
      %get3A_236 = tpu.vector_load %arg18[%get3A_235] {strides = array<i32>} : memref<8192xi32, #tpu.memory_space<vmem>>, vector<16xi32>,
      %min3A_237 = arith.minsi %min3A_232, %get3A_236 : vector<16xi32>
      %swap3A = arith.index_cast %mul3A_83 : i32 to index
      %swap3A_238 = tpu.vector_load %arg21[%swap3A] {strides = array<i32>} : memref<256xi32, #tpu.memory_space<vmem>>, vector<16xi32>,
      tpu.vector_store %arg21[%swap3A], %min3A_237 {strides = array<i32>} : memref<256xi32, #tpu.memory_space<vmem>>, vector<16xi32>,
    }
    %scan3A_54 = arith.constant 16 : i32
    %mul3A_55 = arith.constant 256 : i32
    %mul3A_56 = arith.muli %arg1, %mul3A_55 : i32
    "tpu.region"() ({
      %run_scoped3A = tpu.sem_alloc : memref<!tpu.dma_semaphore, #tpu.memory_space<semaphore_mem>>
      %dma_start3A_81 = tpu.memref_slice %arg33[%mul3A_56] : memref<4096xi32, #tpu.memory_space<vmem_shared>> -> memref<256xi32, #tpu.memory_space<vmem_shared>>
      %dma_start3A_82 = tpu.memref_slice %arg33[%mul3A_56] : memref<4096xi32, #tpu.memory_space<vmem_shared>> -> memref<256xi32, #tpu.memory_space<vmem_shared>>
      tpu.enqueue_dma source(%arg21 : memref<256xi32, #tpu.memory_space<vmem>>) target(%dma_start3A_82 : memref<256xi32, #tpu.memory_space<vmem_shared>>) target_semaphore(%run_scoped3A : memref<!tpu.dma_semaphore, #tpu.memory_space<semaphore_mem>>)
      %dma_wait3A_83 = tpu.memref_slice %arg33[%mul3A_56] : memref<4096xi32, #tpu.memory_space<vmem_shared>> -> memref<256xi32, #tpu.memory_space<vmem_shared>>
      %dma_wait3A_84 = tpu.memref_slice %arg33[%mul3A_56] : memref<4096xi32, #tpu.memory_space<vmem_shared>> -> memref<256xi32, #tpu.memory_space<vmem_shared>>
      tpu.wait_dma2 semaphore(%run_scoped3A : memref<!tpu.dma_semaphore, #tpu.memory_space<semaphore_mem>>) src(%arg21 : memref<256xi32, #tpu.memory_space<vmem>>) dst(%dma_wait3A_84 : memref<256xi32, #tpu.memory_space<vmem_shared>>)
      tpu.yield
    }) : () -> ()
    %barrier3A_57 = arith.constant 0 : index
    tpu.barrier barrier_id(%barrier3A_57)
    "tpu.region"() ({
      %run_scoped3A = tpu.sem_alloc : memref<!tpu.dma_semaphore, #tpu.memory_space<semaphore_mem>>
      tpu.enqueue_dma source(%arg33 : memref<4096xi32, #tpu.memory_space<vmem_shared>>) target(%arg26 : memref<4096xi32, #tpu.memory_space<vmem>>) target_semaphore(%run_scoped3A : memref<!tpu.dma_semaphore, #tpu.memory_space<semaphore_mem>>)
      tpu.wait_dma2 semaphore(%run_scoped3A : memref<!tpu.dma_semaphore, #tpu.memory_space<semaphore_mem>>) src(%arg33 : memref<4096xi32, #tpu.memory_space<vmem_shared>>) dst(%arg26 : memref<4096xi32, #tpu.memory_space<vmem>>)
      tpu.yield
    }) : () -> ()
    %scan3A_58 = arith.constant 0 : i32
    %scan3A_59 = arith.constant 0 : i32
    %scan3A_60 = arith.constant 16 : i32
    %scan3A_61 = arith.addi %scan3A_59, %scan3A_60 : i32
    %scan3A_62 = arith.constant 1 : i32
    scf.for %scan3A_81 = %scan3A_59 to %scan3A_61 step %scan3A_62  : i32 {
      %mul3A_82 = arith.constant 16 : i32
      %mul3A_83 = arith.muli %scan3A_81, %mul3A_82 : i32
      %get3A = arith.index_cast %mul3A_83 : i32 to index
      %get3A_84 = tpu.vector_load %arg26[%get3A] {strides = array<i32>} : memref<4096xi32, #tpu.memory_space<vmem>>, vector<16xi32>,
      %add3A = arith.constant 256 : i32
      %add3A_85 = arith.addi %add3A, %mul3A_83 : i32
      %get3A_86 = arith.index_cast %add3A_85 : i32 to index
      %get3A_87 = tpu.vector_load %arg26[%get3A_86] {strides = array<i32>} : memref<4096xi32, #tpu.memory_space<vmem>>, vector<16xi32>,
      %min3A = arith.minsi %get3A_84, %get3A_87 : vector<16xi32>
      %add3A_88 = arith.constant 512 : i32
      %add3A_89 = arith.addi %add3A_88, %mul3A_83 : i32
      %get3A_90 = arith.index_cast %add3A_89 : i32 to index
      %get3A_91 = tpu.vector_load %arg26[%get3A_90] {strides = array<i32>} : memref<4096xi32, #tpu.memory_space<vmem>>, vector<16xi32>,
      %min3A_92 = arith.minsi %min3A, %get3A_91 : vector<16xi32>
      %add3A_93 = arith.constant 768 : i32
      %add3A_94 = arith.addi %add3A_93, %mul3A_83 : i32
      %get3A_95 = arith.index_cast %add3A_94 : i32 to index
      %get3A_96 = tpu.vector_load %arg26[%get3A_95] {strides = array<i32>} : memref<4096xi32, #tpu.memory_space<vmem>>, vector<16xi32>,
      %min3A_97 = arith.minsi %min3A_92, %get3A_96 : vector<16xi32>
      %add3A_98 = arith.constant 1024 : i32
      %add3A_99 = arith.addi %add3A_98, %mul3A_83 : i32
      %get3A_100 = arith.index_cast %add3A_99 : i32 to index
      %get3A_101 = tpu.vector_load %arg26[%get3A_100] {strides = array<i32>} : memref<4096xi32, #tpu.memory_space<vmem>>, vector<16xi32>,
      %min3A_102 = arith.minsi %min3A_97, %get3A_101 : vector<16xi32>
      %add3A_103 = arith.constant 1280 : i32
      %add3A_104 = arith.addi %add3A_103, %mul3A_83 : i32
      %get3A_105 = arith.index_cast %add3A_104 : i32 to index
      %get3A_106 = tpu.vector_load %arg26[%get3A_105] {strides = array<i32>} : memref<4096xi32, #tpu.memory_space<vmem>>, vector<16xi32>,
      %min3A_107 = arith.minsi %min3A_102, %get3A_106 : vector<16xi32>
      %add3A_108 = arith.constant 1536 : i32
      %add3A_109 = arith.addi %add3A_108, %mul3A_83 : i32
      %get3A_110 = arith.index_cast %add3A_109 : i32 to index
      %get3A_111 = tpu.vector_load %arg26[%get3A_110] {strides = array<i32>} : memref<4096xi32, #tpu.memory_space<vmem>>, vector<16xi32>,
      %min3A_112 = arith.minsi %min3A_107, %get3A_111 : vector<16xi32>
      %add3A_113 = arith.constant 1792 : i32
      %add3A_114 = arith.addi %add3A_113, %mul3A_83 : i32
      %get3A_115 = arith.index_cast %add3A_114 : i32 to index
      %get3A_116 = tpu.vector_load %arg26[%get3A_115] {strides = array<i32>} : memref<4096xi32, #tpu.memory_space<vmem>>, vector<16xi32>,
      %min3A_117 = arith.minsi %min3A_112, %get3A_116 : vector<16xi32>
      %add3A_118 = arith.constant 2048 : i32
      %add3A_119 = arith.addi %add3A_118, %mul3A_83 : i32
      %get3A_120 = arith.index_cast %add3A_119 : i32 to index
      %get3A_121 = tpu.vector_load %arg26[%get3A_120] {strides = array<i32>} : memref<4096xi32, #tpu.memory_space<vmem>>, vector<16xi32>,
      %min3A_122 = arith.minsi %min3A_117, %get3A_121 : vector<16xi32>
      %add3A_123 = arith.constant 2304 : i32
      %add3A_124 = arith.addi %add3A_123, %mul3A_83 : i32
      %get3A_125 = arith.index_cast %add3A_124 : i32 to index
      %get3A_126 = tpu.vector_load %arg26[%get3A_125] {strides = array<i32>} : memref<4096xi32, #tpu.memory_space<vmem>>, vector<16xi32>,
      %min3A_127 = arith.minsi %min3A_122, %get3A_126 : vector<16xi32>
      %add3A_128 = arith.constant 2560 : i32
      %add3A_129 = arith.addi %add3A_128, %mul3A_83 : i32
      %get3A_130 = arith.index_cast %add3A_129 : i32 to index
      %get3A_131 = tpu.vector_load %arg26[%get3A_130] {strides = array<i32>} : memref<4096xi32, #tpu.memory_space<vmem>>, vector<16xi32>,
      %min3A_132 = arith.minsi %min3A_127, %get3A_131 : vector<16xi32>
      %add3A_133 = arith.constant 2816 : i32
      %add3A_134 = arith.addi %add3A_133, %mul3A_83 : i32
      %get3A_135 = arith.index_cast %add3A_134 : i32 to index
      %get3A_136 = tpu.vector_load %arg26[%get3A_135] {strides = array<i32>} : memref<4096xi32, #tpu.memory_space<vmem>>, vector<16xi32>,
      %min3A_137 = arith.minsi %min3A_132, %get3A_136 : vector<16xi32>
      %add3A_138 = arith.constant 3072 : i32
      %add3A_139 = arith.addi %add3A_138, %mul3A_83 : i32
      %get3A_140 = arith.index_cast %add3A_139 : i32 to index
      %get3A_141 = tpu.vector_load %arg26[%get3A_140] {strides = array<i32>} : memref<4096xi32, #tpu.memory_space<vmem>>, vector<16xi32>,
      %min3A_142 = arith.minsi %min3A_137, %get3A_141 : vector<16xi32>
      %add3A_143 = arith.constant 3328 : i32
      %add3A_144 = arith.addi %add3A_143, %mul3A_83 : i32
      %get3A_145 = arith.index_cast %add3A_144 : i32 to index
      %get3A_146 = tpu.vector_load %arg26[%get3A_145] {strides = array<i32>} : memref<4096xi32, #tpu.memory_space<vmem>>, vector<16xi32>,
      %min3A_147 = arith.minsi %min3A_142, %get3A_146 : vector<16xi32>
      %add3A_148 = arith.constant 3584 : i32
      %add3A_149 = arith.addi %add3A_148, %mul3A_83 : i32
      %get3A_150 = arith.index_cast %add3A_149 : i32 to index
      %get3A_151 = tpu.vector_load %arg26[%get3A_150] {strides = array<i32>} : memref<4096xi32, #tpu.memory_space<vmem>>, vector<16xi32>,
      %min3A_152 = arith.minsi %min3A_147, %get3A_151 : vector<16xi32>
      %add3A_153 = arith.constant 3840 : i32
      %add3A_154 = arith.addi %add3A_153, %mul3A_83 : i32
      %get3A_155 = arith.index_cast %add3A_154 : i32 to index
      %get3A_156 = tpu.vector_load %arg26[%get3A_155] {strides = array<i32>} : memref<4096xi32, #tpu.memory_space<vmem>>, vector<16xi32>,
      %min3A_157 = arith.minsi %min3A_152, %get3A_156 : vector<16xi32>
      %swap3A = arith.index_cast %mul3A_83 : i32 to index
      %swap3A_158 = tpu.vector_load %arg21[%swap3A] {strides = array<i32>} : memref<256xi32, #tpu.memory_space<vmem>>, vector<16xi32>,
      tpu.vector_store %arg21[%swap3A], %min3A_157 {strides = array<i32>} : memref<256xi32, #tpu.memory_space<vmem>>, vector<16xi32>,
      %min3A_159 = arith.constant 99999 : i32
      %min3A_160 = vector.broadcast %min3A_159 : i32 to vector<16xi32>
      %min3A_161 = arith.minsi %min3A_157, %min3A_160 : vector<16xi32>
      %swap3A_162 = arith.index_cast %mul3A_83 : i32 to index
      %swap3A_163 = tpu.vector_load %arg22[%swap3A_162] {strides = array<i32>} : memref<256xi32, #tpu.memory_space<vmem>>, vector<16xi32>,
      tpu.vector_store %arg22[%swap3A_162], %min3A_161 {strides = array<i32>} : memref<256xi32, #tpu.memory_space<vmem>>, vector<16xi32>,
    }
    %scan3A_63 = arith.constant 16 : i32
    %dma_start3A = arith.constant 0 : i32
    %dma_start3A_64 = tpu.memref_slice %arg4[%dma_start3A] : memref<100000xf32, #tpu.memory_space<hbm>> -> memref<100000xf32, #tpu.memory_space<hbm>>
    tpu.enqueue_indirect_dma source(%dma_start3A_64 : memref<100000xf32, #tpu.memory_space<hbm>>) target(%arg23 : memref<256xf32, #tpu.memory_space<vmem>>) offsets(%arg22 : memref<256xi32, #tpu.memory_space<vmem>>) semaphore(%arg34 : memref<!tpu.dma_semaphore, #tpu.memory_space<semaphore_mem>>)
    %dma_wait3A = arith.constant 0 : i32
    %dma_wait3A_65 = tpu.memref_slice %arg4[%dma_wait3A] : memref<100000xf32, #tpu.memory_space<hbm>> -> memref<100000xf32, #tpu.memory_space<hbm>>
    tpu.wait_indirect_dma semaphore(%arg34 : memref<!tpu.dma_semaphore, #tpu.memory_space<semaphore_mem>>) src(%dma_wait3A_65 : memref<100000xf32, #tpu.memory_space<hbm>>) dst(%arg23 : memref<256xf32, #tpu.memory_space<vmem>>)
    %dma_start3A_66 = arith.constant 0 : i32
    %dma_start3A_67 = tpu.memref_slice %arg5[%dma_start3A_66] : memref<100000xf32, #tpu.memory_space<hbm>> -> memref<100000xf32, #tpu.memory_space<hbm>>
    tpu.enqueue_indirect_dma source(%dma_start3A_67 : memref<100000xf32, #tpu.memory_space<hbm>>) target(%arg24 : memref<256xf32, #tpu.memory_space<vmem>>) offsets(%arg22 : memref<256xi32, #tpu.memory_space<vmem>>) semaphore(%arg34 : memref<!tpu.dma_semaphore, #tpu.memory_space<semaphore_mem>>)
    %dma_wait3A_68 = arith.constant 0 : i32
    %dma_wait3A_69 = tpu.memref_slice %arg5[%dma_wait3A_68] : memref<100000xf32, #tpu.memory_space<hbm>> -> memref<100000xf32, #tpu.memory_space<hbm>>
    tpu.wait_indirect_dma semaphore(%arg34 : memref<!tpu.dma_semaphore, #tpu.memory_space<semaphore_mem>>) src(%dma_wait3A_69 : memref<100000xf32, #tpu.memory_space<hbm>>) dst(%arg24 : memref<256xf32, #tpu.memory_space<vmem>>)
    %scan3A_70 = arith.constant 0 : i32
    %scan3A_71 = arith.constant 0 : i32
    %scan3A_72 = arith.constant 196 : i32
    %scan3A_73 = arith.addi %scan3A_71, %scan3A_72 : i32
    %scan3A_74 = arith.constant 1 : i32
    scf.for %scan3A_81 = %scan3A_71 to %scan3A_73 step %scan3A_74  : i32 {
      %mul3A_82 = arith.constant 16 : i32
      %mul3A_83 = arith.muli %scan3A_81, %mul3A_82 : i32
      %add3A = arith.constant 3136 : i32
      %add3A_84 = arith.addi %add3A, %mul3A_83 : i32
      %get3A = arith.index_cast %mul3A_83 : i32 to index
      %get3A_85 = tpu.vector_load %arg14[%get3A] {strides = array<i32>} : memref<6272xi32, #tpu.memory_space<vmem>>, vector<16xi32>,
      %get3A_86 = arith.index_cast %add3A_84 : i32 to index
      %get3A_87 = tpu.vector_load %arg14[%get3A_86] {strides = array<i32>} : memref<6272xi32, #tpu.memory_space<vmem>>, vector<16xi32>,
      %gather3A = tpu.vector_load_idx %arg23[%get3A_85] : memref<256xf32, #tpu.memory_space<vmem>>[vector<16xi32>], vector<16xf32>,
      %swap3A = arith.index_cast %mul3A_83 : i32 to index
      %swap3A_88 = tpu.vector_load %arg27[%swap3A] {strides = array<i32>} : memref<6272xf32, #tpu.memory_space<vmem>>, vector<16xf32>,
      tpu.vector_store %arg27[%swap3A], %gather3A {strides = array<i32>} : memref<6272xf32, #tpu.memory_space<vmem>>, vector<16xf32>,
      %gather3A_89 = tpu.vector_load_idx %arg23[%get3A_87] : memref<256xf32, #tpu.memory_space<vmem>>[vector<16xi32>], vector<16xf32>,
      %swap3A_90 = arith.index_cast %add3A_84 : i32 to index
      %swap3A_91 = tpu.vector_load %arg27[%swap3A_90] {strides = array<i32>} : memref<6272xf32, #tpu.memory_space<vmem>>, vector<16xf32>,
      tpu.vector_store %arg27[%swap3A_90], %gather3A_89 {strides = array<i32>} : memref<6272xf32, #tpu.memory_space<vmem>>, vector<16xf32>,
      %gather3A_92 = tpu.vector_load_idx %arg24[%get3A_85] : memref<256xf32, #tpu.memory_space<vmem>>[vector<16xi32>], vector<16xf32>,
      %swap3A_93 = arith.index_cast %mul3A_83 : i32 to index
      %swap3A_94 = tpu.vector_load %arg28[%swap3A_93] {strides = array<i32>} : memref<6272xf32, #tpu.memory_space<vmem>>, vector<16xf32>,
      tpu.vector_store %arg28[%swap3A_93], %gather3A_92 {strides = array<i32>} : memref<6272xf32, #tpu.memory_space<vmem>>, vector<16xf32>,
      %gather3A_95 = tpu.vector_load_idx %arg24[%get3A_87] : memref<256xf32, #tpu.memory_space<vmem>>[vector<16xi32>], vector<16xf32>,
      %swap3A_96 = arith.index_cast %add3A_84 : i32 to index
      %swap3A_97 = tpu.vector_load %arg28[%swap3A_96] {strides = array<i32>} : memref<6272xf32, #tpu.memory_space<vmem>>, vector<16xf32>,
      tpu.vector_store %arg28[%swap3A_96], %gather3A_95 {strides = array<i32>} : memref<6272xf32, #tpu.memory_space<vmem>>, vector<16xf32>,
      %gather3A_98 = tpu.vector_load_idx %arg19[%get3A_85] : memref<256xf32, #tpu.memory_space<vmem>>[vector<16xi32>], vector<16xf32>,
      %swap3A_99 = arith.index_cast %mul3A_83 : i32 to index
      %swap3A_100 = tpu.vector_load %arg29[%swap3A_99] {strides = array<i32>} : memref<6272xf32, #tpu.memory_space<vmem>>, vector<16xf32>,
      tpu.vector_store %arg29[%swap3A_99], %gather3A_98 {strides = array<i32>} : memref<6272xf32, #tpu.memory_space<vmem>>, vector<16xf32>,
      %gather3A_101 = tpu.vector_load_idx %arg19[%get3A_87] : memref<256xf32, #tpu.memory_space<vmem>>[vector<16xi32>], vector<16xf32>,
      %swap3A_102 = arith.index_cast %add3A_84 : i32 to index
      %swap3A_103 = tpu.vector_load %arg29[%swap3A_102] {strides = array<i32>} : memref<6272xf32, #tpu.memory_space<vmem>>, vector<16xf32>,
      tpu.vector_store %arg29[%swap3A_102], %gather3A_101 {strides = array<i32>} : memref<6272xf32, #tpu.memory_space<vmem>>, vector<16xf32>,
      %gather3A_104 = tpu.vector_load_idx %arg20[%get3A_85] : memref<256xf32, #tpu.memory_space<vmem>>[vector<16xi32>], vector<16xf32>,
      %swap3A_105 = arith.index_cast %mul3A_83 : i32 to index
      %swap3A_106 = tpu.vector_load %arg30[%swap3A_105] {strides = array<i32>} : memref<6272xf32, #tpu.memory_space<vmem>>, vector<16xf32>,
      tpu.vector_store %arg30[%swap3A_105], %gather3A_104 {strides = array<i32>} : memref<6272xf32, #tpu.memory_space<vmem>>, vector<16xf32>,
      %gather3A_107 = tpu.vector_load_idx %arg20[%get3A_87] : memref<256xf32, #tpu.memory_space<vmem>>[vector<16xi32>], vector<16xf32>,
      %swap3A_108 = arith.index_cast %add3A_84 : i32 to index
      %swap3A_109 = tpu.vector_load %arg30[%swap3A_108] {strides = array<i32>} : memref<6272xf32, #tpu.memory_space<vmem>>, vector<16xf32>,
      tpu.vector_store %arg30[%swap3A_108], %gather3A_107 {strides = array<i32>} : memref<6272xf32, #tpu.memory_space<vmem>>, vector<16xf32>,
    }
    %scan3A_75 = arith.constant 196 : i32
    "tpu.region"() ({
      %run_scoped3A = tpu.sem_alloc : memref<!tpu.dma_semaphore, #tpu.memory_space<semaphore_mem>>
      %dma_start3A_81 = tpu.memref_slice %arg10[%mul3A_0] : memref<100352xf32, #tpu.memory_space<hbm>> -> memref<6272xf32, #tpu.memory_space<hbm>>
      %dma_start3A_82 = tpu.memref_slice %arg10[%mul3A_0] : memref<100352xf32, #tpu.memory_space<hbm>> -> memref<6272xf32, #tpu.memory_space<hbm>>
      tpu.enqueue_dma source(%arg27 : memref<6272xf32, #tpu.memory_space<vmem>>) target(%dma_start3A_82 : memref<6272xf32, #tpu.memory_space<hbm>>) target_semaphore(%run_scoped3A : memref<!tpu.dma_semaphore, #tpu.memory_space<semaphore_mem>>)
      %dma_wait3A_83 = tpu.memref_slice %arg10[%mul3A_0] : memref<100352xf32, #tpu.memory_space<hbm>> -> memref<6272xf32, #tpu.memory_space<hbm>>
      %dma_wait3A_84 = tpu.memref_slice %arg10[%mul3A_0] : memref<100352xf32, #tpu.memory_space<hbm>> -> memref<6272xf32, #tpu.memory_space<hbm>>
      tpu.wait_dma2 semaphore(%run_scoped3A : memref<!tpu.dma_semaphore, #tpu.memory_space<semaphore_mem>>) src(%arg27 : memref<6272xf32, #tpu.memory_space<vmem>>) dst(%dma_wait3A_84 : memref<6272xf32, #tpu.memory_space<hbm>>)
      tpu.yield
    }) : () -> ()
    "tpu.region"() ({
      %run_scoped3A = tpu.sem_alloc : memref<!tpu.dma_semaphore, #tpu.memory_space<semaphore_mem>>
      %dma_start3A_81 = tpu.memref_slice %arg11[%mul3A_0] : memref<100352xf32, #tpu.memory_space<hbm>> -> memref<6272xf32, #tpu.memory_space<hbm>>
      %dma_start3A_82 = tpu.memref_slice %arg11[%mul3A_0] : memref<100352xf32, #tpu.memory_space<hbm>> -> memref<6272xf32, #tpu.memory_space<hbm>>
      tpu.enqueue_dma source(%arg28 : memref<6272xf32, #tpu.memory_space<vmem>>) target(%dma_start3A_82 : memref<6272xf32, #tpu.memory_space<hbm>>) target_semaphore(%run_scoped3A : memref<!tpu.dma_semaphore, #tpu.memory_space<semaphore_mem>>)
      %dma_wait3A_83 = tpu.memref_slice %arg11[%mul3A_0] : memref<100352xf32, #tpu.memory_space<hbm>> -> memref<6272xf32, #tpu.memory_space<hbm>>
      %dma_wait3A_84 = tpu.memref_slice %arg11[%mul3A_0] : memref<100352xf32, #tpu.memory_space<hbm>> -> memref<6272xf32, #tpu.memory_space<hbm>>
      tpu.wait_dma2 semaphore(%run_scoped3A : memref<!tpu.dma_semaphore, #tpu.memory_space<semaphore_mem>>) src(%arg28 : memref<6272xf32, #tpu.memory_space<vmem>>) dst(%dma_wait3A_84 : memref<6272xf32, #tpu.memory_space<hbm>>)
      tpu.yield
    }) : () -> ()
    "tpu.region"() ({
      %run_scoped3A = tpu.sem_alloc : memref<!tpu.dma_semaphore, #tpu.memory_space<semaphore_mem>>
      %dma_start3A_81 = tpu.memref_slice %arg12[%mul3A_0] : memref<100352xf32, #tpu.memory_space<hbm>> -> memref<6272xf32, #tpu.memory_space<hbm>>
      %dma_start3A_82 = tpu.memref_slice %arg12[%mul3A_0] : memref<100352xf32, #tpu.memory_space<hbm>> -> memref<6272xf32, #tpu.memory_space<hbm>>
      tpu.enqueue_dma source(%arg29 : memref<6272xf32, #tpu.memory_space<vmem>>) target(%dma_start3A_82 : memref<6272xf32, #tpu.memory_space<hbm>>) target_semaphore(%run_scoped3A : memref<!tpu.dma_semaphore, #tpu.memory_space<semaphore_mem>>)
      %dma_wait3A_83 = tpu.memref_slice %arg12[%mul3A_0] : memref<100352xf32, #tpu.memory_space<hbm>> -> memref<6272xf32, #tpu.memory_space<hbm>>
      %dma_wait3A_84 = tpu.memref_slice %arg12[%mul3A_0] : memref<100352xf32, #tpu.memory_space<hbm>> -> memref<6272xf32, #tpu.memory_space<hbm>>
      tpu.wait_dma2 semaphore(%run_scoped3A : memref<!tpu.dma_semaphore, #tpu.memory_space<semaphore_mem>>) src(%arg29 : memref<6272xf32, #tpu.memory_space<vmem>>) dst(%dma_wait3A_84 : memref<6272xf32, #tpu.memory_space<hbm>>)
      tpu.yield
    }) : () -> ()
    "tpu.region"() ({
      %run_scoped3A = tpu.sem_alloc : memref<!tpu.dma_semaphore, #tpu.memory_space<semaphore_mem>>
      %dma_start3A_81 = tpu.memref_slice %arg13[%mul3A_0] : memref<100352xf32, #tpu.memory_space<hbm>> -> memref<6272xf32, #tpu.memory_space<hbm>>
      %dma_start3A_82 = tpu.memref_slice %arg13[%mul3A_0] : memref<100352xf32, #tpu.memory_space<hbm>> -> memref<6272xf32, #tpu.memory_space<hbm>>
      tpu.enqueue_dma source(%arg30 : memref<6272xf32, #tpu.memory_space<vmem>>) target(%dma_start3A_82 : memref<6272xf32, #tpu.memory_space<hbm>>) target_semaphore(%run_scoped3A : memref<!tpu.dma_semaphore, #tpu.memory_space<semaphore_mem>>)
      %dma_wait3A_83 = tpu.memref_slice %arg13[%mul3A_0] : memref<100352xf32, #tpu.memory_space<hbm>> -> memref<6272xf32, #tpu.memory_space<hbm>>
      %dma_wait3A_84 = tpu.memref_slice %arg13[%mul3A_0] : memref<100352xf32, #tpu.memory_space<hbm>> -> memref<6272xf32, #tpu.memory_space<hbm>>
      tpu.wait_dma2 semaphore(%run_scoped3A : memref<!tpu.dma_semaphore, #tpu.memory_space<semaphore_mem>>) src(%arg30 : memref<6272xf32, #tpu.memory_space<vmem>>) dst(%dma_wait3A_84 : memref<6272xf32, #tpu.memory_space<hbm>>)
      tpu.yield
    }) : () -> ()
    %eq3A_76 = arith.constant 0 : i32
    %eq3A_77 = arith.cmpi eq, %arg1, %eq3A_76 : i32
    %convert_element_type3A_78 = arith.extui %eq3A_77 : i1 to i32
    %cond3A_79 = arith.constant 0 : i32
    %cond3A_80 = arith.cmpi ne, %convert_element_type3A_78, %cond3A_79 : i32
    scf.if %cond3A_80 {
      "tpu.region"() ({
        %run_scoped3A = tpu.sem_alloc : memref<!tpu.dma_semaphore, #tpu.memory_space<semaphore_mem>>
        tpu.enqueue_dma source(%arg19 : memref<256xf32, #tpu.memory_space<vmem>>) target(%arg6 : memref<256xf32, #tpu.memory_space<hbm>>) target_semaphore(%run_scoped3A : memref<!tpu.dma_semaphore, #tpu.memory_space<semaphore_mem>>)
        tpu.wait_dma2 semaphore(%run_scoped3A : memref<!tpu.dma_semaphore, #tpu.memory_space<semaphore_mem>>) src(%arg19 : memref<256xf32, #tpu.memory_space<vmem>>) dst(%arg6 : memref<256xf32, #tpu.memory_space<hbm>>)
        tpu.yield
      }) : () -> ()
      "tpu.region"() ({
        %run_scoped3A = tpu.sem_alloc : memref<!tpu.dma_semaphore, #tpu.memory_space<semaphore_mem>>
        tpu.enqueue_dma source(%arg20 : memref<256xf32, #tpu.memory_space<vmem>>) target(%arg7 : memref<256xf32, #tpu.memory_space<hbm>>) target_semaphore(%run_scoped3A : memref<!tpu.dma_semaphore, #tpu.memory_space<semaphore_mem>>)
        tpu.wait_dma2 semaphore(%run_scoped3A : memref<!tpu.dma_semaphore, #tpu.memory_space<semaphore_mem>>) src(%arg20 : memref<256xf32, #tpu.memory_space<vmem>>) dst(%arg7 : memref<256xf32, #tpu.memory_space<hbm>>)
        tpu.yield
      }) : () -> ()
      "tpu.region"() ({
        %run_scoped3A = tpu.sem_alloc : memref<!tpu.dma_semaphore, #tpu.memory_space<semaphore_mem>>
        tpu.enqueue_dma source(%arg23 : memref<256xf32, #tpu.memory_space<vmem>>) target(%arg8 : memref<256xf32, #tpu.memory_space<hbm>>) target_semaphore(%run_scoped3A : memref<!tpu.dma_semaphore, #tpu.memory_space<semaphore_mem>>)
        tpu.wait_dma2 semaphore(%run_scoped3A : memref<!tpu.dma_semaphore, #tpu.memory_space<semaphore_mem>>) src(%arg23 : memref<256xf32, #tpu.memory_space<vmem>>) dst(%arg8 : memref<256xf32, #tpu.memory_space<hbm>>)
        tpu.yield
      }) : () -> ()
      "tpu.region"() ({
        %run_scoped3A = tpu.sem_alloc : memref<!tpu.dma_semaphore, #tpu.memory_space<semaphore_mem>>
        tpu.enqueue_dma source(%arg24 : memref<256xf32, #tpu.memory_space<vmem>>) target(%arg9 : memref<256xf32, #tpu.memory_space<hbm>>) target_semaphore(%run_scoped3A : memref<!tpu.dma_semaphore, #tpu.memory_space<semaphore_mem>>)
        tpu.wait_dma2 semaphore(%run_scoped3A : memref<!tpu.dma_semaphore, #tpu.memory_space<semaphore_mem>>) src(%arg24 : memref<256xf32, #tpu.memory_space<vmem>>) dst(%arg9 : memref<256xf32, #tpu.memory_space<hbm>>)
        tpu.yield
      }) : () -> ()
    } else {
    }
    return
  }
}

module attributes {stable_mosaic.version = 14 : i64} {
  func.func @_tc_body(%arg0: i32, %arg1: memref<7168x2xf32, #tpu.memory_space<vmem>>, %arg2: memref<1x7168xf32, #tpu.memory_space<vmem>>, %arg3: memref<1x7168xi32, #tpu.memory_space<vmem>>, %arg4: memref<1x7168xf32, #tpu.memory_space<vmem>>, %arg5: memref<1x7168xf32, #tpu.memory_space<vmem>>, %arg6: memref<1x7168xf32, #tpu.memory_space<vmem>>, %arg7: memref<1x7168xf32, #tpu.memory_space<vmem>>, %arg8: memref<1x7168xf32, #tpu.memory_space<vmem>>, %arg9: memref<1x7168xf32, #tpu.memory_space<vmem>>, %arg10: memref<1x7168xf32, #tpu.memory_space<vmem>>, %arg11: memref<1x7168xf32, #tpu.memory_space<vmem>>, %arg12: memref<1x256xf32, #tpu.memory_space<vmem>>, %arg13: memref<1x256xf32, #tpu.memory_space<vmem>>, %arg14: memref<1x256xf32, #tpu.memory_space<vmem>>, %arg15: memref<1x256xf32, #tpu.memory_space<vmem>>, %arg16: memref<1x128xf32, #tpu.memory_space<vmem>>, %arg17: memref<1x256xf32, #tpu.memory_space<vmem>>, %arg18: memref<1x128xf32, #tpu.memory_space<vmem>>) attributes {dimension_semantics = [#tpu.dimension_semantics<arbitrary>], iteration_bounds = array<i64: 14>, scalar_prefetch = 0 : i64, scratch_operands = 2 : i64, tpu.core_type = #tpu.core_type<tc>, window_params = [{transform_indices = @transform_0, window_bounds = array<i64: 7168, 2>}, {transform_indices = @transform_1, window_bounds = array<i64: 1, 7168>}, {transform_indices = @transform_2, window_bounds = array<i64: 1, 7168>}, {transform_indices = @transform_3, window_bounds = array<i64: 1, 7168>}, {transform_indices = @transform_4, window_bounds = array<i64: 1, 7168>}, {transform_indices = @transform_5, window_bounds = array<i64: 1, 7168>}, {transform_indices = @transform_6, window_bounds = array<i64: 1, 7168>}, {transform_indices = @transform_7, window_bounds = array<i64: 1, 7168>}, {transform_indices = @transform_8, window_bounds = array<i64: 1, 7168>}, {transform_indices = @transform_9, window_bounds = array<i64: 1, 7168>}, {transform_indices = @transform_10, window_bounds = array<i64: 1, 7168>}, {pipeline_mode = #tpu.pipeline_mode<synchronous>, transform_indices = @transform_11, window_bounds = array<i64: 1, 256>}, {pipeline_mode = #tpu.pipeline_mode<synchronous>, transform_indices = @transform_12, window_bounds = array<i64: 1, 256>}, {pipeline_mode = #tpu.pipeline_mode<synchronous>, transform_indices = @transform_13, window_bounds = array<i64: 1, 256>}, {pipeline_mode = #tpu.pipeline_mode<synchronous>, transform_indices = @transform_14, window_bounds = array<i64: 1, 256>}, {pipeline_mode = #tpu.pipeline_mode<synchronous>, transform_indices = @transform_15, window_bounds = array<i64: 1, 128>}]} {
    %eq3A = arith.constant 0 : i32
    %eq3A_0 = arith.cmpi eq, %arg0, %eq3A : i32
    %convert_element_type3A = arith.extui %eq3A_0 : i1 to i32
    %cond3A = arith.constant 0 : i32
    %cond3A_1 = arith.cmpi ne, %convert_element_type3A, %cond3A : i32
    scf.if %cond3A_1 {
      %broadcast_in_dim3A_243 = arith.constant 0.000000e+00 : f32
      %broadcast_in_dim3A_244 = vector.broadcast %broadcast_in_dim3A_243 : f32 to vector<1x256xf32>
      %swap3A_245 = arith.constant 0 : index
      %swap3A_246 = arith.constant 0 : index
      %swap3A_247 = vector.load %arg17[%swap3A_245, %swap3A_246] : memref<1x256xf32, #tpu.memory_space<vmem>>, vector<1x256xf32>
      tpu.vector_store %arg17[%swap3A_245, %swap3A_246], %broadcast_in_dim3A_244 {strides = array<i32>} : memref<1x256xf32, #tpu.memory_space<vmem>>, vector<1x256xf32>,
      %broadcast_in_dim3A_248 = arith.constant 0.000000e+00 : f32
      %broadcast_in_dim3A_249 = vector.broadcast %broadcast_in_dim3A_248 : f32 to vector<1x128xf32>
      %swap3A_250 = arith.constant 0 : index
      %swap3A_251 = arith.constant 0 : index
      %swap3A_252 = vector.load %arg18[%swap3A_250, %swap3A_251] : memref<1x128xf32, #tpu.memory_space<vmem>>, vector<1x128xf32>
      tpu.vector_store %arg18[%swap3A_250, %swap3A_251], %broadcast_in_dim3A_249 {strides = array<i32>} : memref<1x128xf32, #tpu.memory_space<vmem>>, vector<1x128xf32>,
    } else {
    }
    %mul3A = arith.constant 7168 : i32
    %mul3A_2 = arith.muli %arg0, %mul3A : i32
    %iota3A = tpu.iota {dimensions = array<i32: 1>} : vector<1x7168xi32>
    %add3A = vector.broadcast %mul3A_2 : i32 to vector<1x7168xi32>
    %add3A_3 = arith.addi %add3A, %iota3A : vector<1x7168xi32>
    %lt3A = arith.constant 100000 : i32
    %lt3A_4 = vector.broadcast %lt3A : i32 to vector<1x7168xi32>
    %lt3A_5 = arith.cmpi slt, %add3A_3, %lt3A_4 : vector<1x7168xi32>
    %get3A = arith.constant 0 : index
    %get3A_6 = arith.constant 0 : index
    %get3A_7 = vector.load %arg2[%get3A, %get3A_6] : memref<1x7168xf32, #tpu.memory_space<vmem>>, vector<1x7168xf32>
    %jit3A = arith.constant 0.000000e+00 : f32
    %jit3A_8 = arith.constant 0.999899983 : f32
    %max3A = vector.broadcast %jit3A : f32 to vector<1x7168xf32>
    %max3A_9 = arith.maximumf %max3A, %get3A_7 : vector<1x7168xf32>
    %min3A = vector.broadcast %jit3A_8 : f32 to vector<1x7168xf32>
    %min3A_10 = arith.minimumf %min3A, %max3A_9 : vector<1x7168xf32>
    %add3A_11 = arith.constant 1.000000e+00 : f32
    %add3A_12 = vector.broadcast %add3A_11 : f32 to vector<1x7168xf32>
    %add3A_13 = arith.addf %add3A_12, %min3A_10 : vector<1x7168xf32>
    %sub3A = arith.constant 1.000000e+00 : f32
    %sub3A_14 = vector.broadcast %sub3A : f32 to vector<1x7168xf32>
    %sub3A_15 = arith.subf %sub3A_14, %min3A_10 : vector<1x7168xf32>
    %div3A = arith.divf %add3A_13, %sub3A_15 : vector<1x7168xf32>
    %log3A = math.log %div3A : vector<1x7168xf32>
    %mul3A_16 = arith.constant 5.000000e-01 : f32
    %mul3A_17 = vector.broadcast %mul3A_16 : f32 to vector<1x7168xf32>
    %mul3A_18 = arith.mulf %mul3A_17, %log3A : vector<1x7168xf32>
    %mul3A_19 = arith.mulf %mul3A_18, %mul3A_18 : vector<1x7168xf32>
    %add3A_20 = arith.constant 1.000000e-01 : f32
    %add3A_21 = vector.broadcast %add3A_20 : f32 to vector<1x7168xf32>
    %add3A_22 = arith.addf %mul3A_19, %add3A_21 : vector<1x7168xf32>
    %jit3A_23 = arith.constant 0.000000e+00 : f32
    %broadcast_in_dim3A = vector.broadcast %jit3A_23 : f32 to vector<1x7168xf32>
    %select_n3A = arith.select %lt3A_5, %add3A_22, %broadcast_in_dim3A : vector<1x7168xi1>, vector<1x7168xf32>
    %mul3A_24 = arith.constant 7168 : i32
    %mul3A_25 = arith.muli %arg0, %mul3A_24 : i32
    %iota3A_26 = tpu.iota {dimensions = array<i32: 0>} : vector<7168x1xi32>
    %add3A_27 = vector.broadcast %mul3A_25 : i32 to vector<7168x1xi32>
    %add3A_28 = arith.addi %add3A_27, %iota3A_26 : vector<7168x1xi32>
    %lt3A_29 = arith.constant 100000 : i32
    %lt3A_30 = vector.broadcast %lt3A_29 : i32 to vector<7168x1xi32>
    %lt3A_31 = arith.cmpi slt, %add3A_28, %lt3A_30 : vector<7168x1xi32>
    %get3A_32 = arith.constant 0 : index
    %get3A_33 = arith.constant 0 : index
    %get3A_34 = vector.load %arg1[%get3A_32, %get3A_33] : memref<7168x2xf32, #tpu.memory_space<vmem>>, vector<7168x1xf32>
    %jit3A_35 = arith.constant 0.000000e+00 : f32
    %broadcast_in_dim3A_36 = vector.broadcast %jit3A_35 : f32 to vector<7168x1xf32>
    %select_n3A_37 = arith.select %lt3A_31, %get3A_34, %broadcast_in_dim3A_36 : vector<7168x1xi1>, vector<7168x1xf32>
    %convert_element_type3A_38 = arith.truncf %select_n3A_37 : vector<7168x1xf32> to vector<7168x1xbf16>
    %get3A_39 = arith.constant 0 : index
    %get3A_40 = arith.constant 1 : index
    %get3A_41 = vector.load %arg1[%get3A_39, %get3A_40] : memref<7168x2xf32, #tpu.memory_space<vmem>>, vector<7168x1xf32>
    %jit3A_42 = arith.constant 0.000000e+00 : f32
    %broadcast_in_dim3A_43 = vector.broadcast %jit3A_42 : f32 to vector<7168x1xf32>
    %select_n3A_44 = arith.select %lt3A_31, %get3A_41, %broadcast_in_dim3A_43 : vector<7168x1xi1>, vector<7168x1xf32>
    %convert_element_type3A_45 = arith.truncf %select_n3A_44 : vector<7168x1xf32> to vector<7168x1xbf16>
    %get3A_46 = arith.constant 0 : index
    %get3A_47 = arith.constant 0 : index
    %get3A_48 = vector.load %arg12[%get3A_46, %get3A_47] : memref<1x256xf32, #tpu.memory_space<vmem>>, vector<1x256xf32>
    %convert_element_type3A_49 = arith.truncf %get3A_48 : vector<1x256xf32> to vector<1x256xbf16>
    %sub3A_50 = vector.broadcast %convert_element_type3A_38 : vector<7168x1xbf16> to vector<7168x256xbf16>
    %sub3A_51 = vector.broadcast %convert_element_type3A_49 : vector<1x256xbf16> to vector<7168x256xbf16>
    %sub3A_52 = arith.subf %sub3A_50, %sub3A_51 : vector<7168x256xbf16>
    %get3A_53 = arith.constant 0 : index
    %get3A_54 = arith.constant 0 : index
    %get3A_55 = vector.load %arg13[%get3A_53, %get3A_54] : memref<1x256xf32, #tpu.memory_space<vmem>>, vector<1x256xf32>
    %convert_element_type3A_56 = arith.truncf %get3A_55 : vector<1x256xf32> to vector<1x256xbf16>
    %sub3A_57 = vector.broadcast %convert_element_type3A_45 : vector<7168x1xbf16> to vector<7168x256xbf16>
    %sub3A_58 = vector.broadcast %convert_element_type3A_56 : vector<1x256xbf16> to vector<7168x256xbf16>
    %sub3A_59 = arith.subf %sub3A_57, %sub3A_58 : vector<7168x256xbf16>
    %mul3A_60 = arith.mulf %sub3A_52, %sub3A_52 : vector<7168x256xbf16>
    %mul3A_61 = arith.mulf %sub3A_59, %sub3A_59 : vector<7168x256xbf16>
    %add3A_62 = arith.addf %mul3A_60, %mul3A_61 : vector<7168x256xbf16>
    %sqrt3A = math.sqrt %add3A_62 : vector<7168x256xbf16>
    %sub3A_63 = arith.constant 1.000000e+00 : bf16
    %sub3A_64 = vector.broadcast %sub3A_63 : bf16 to vector<7168x256xbf16>
    %sub3A_65 = arith.subf %sub3A_64, %sqrt3A : vector<7168x256xbf16>
    %max3A_66 = arith.constant 0.000000e+00 : bf16
    %max3A_67 = vector.broadcast %max3A_66 : bf16 to vector<7168x256xbf16>
    %max3A_68 = arith.maximumf %max3A_67, %sub3A_65 : vector<7168x256xbf16>
    %get3A_69 = arith.constant 0 : index
    %get3A_70 = arith.constant 0 : index
    %get3A_71 = vector.load %arg17[%get3A_69, %get3A_70] : memref<1x256xf32, #tpu.memory_space<vmem>>, vector<1x256xf32>
    %convert_element_type3A_72 = arith.truncf %select_n3A : vector<1x7168xf32> to vector<1x7168xbf16>
    %dot_general3A = arith.constant dense<0.000000e+00> : vector<1x256xf32>
    %dot_general3A_73 = tpu.matmul %convert_element_type3A_72, %max3A_68, %dot_general3A {dimension_numbers = #tpu.dot_dimension_numbers<[1], [0], [0], [1], [0, 0, 1, 1], [], []>, transpose_lhs_hint = false} : vector<1x7168xbf16>, vector<7168x256xbf16>, vector<1x256xf32> -> vector<1x256xf32>
    %add3A_74 = arith.addf %get3A_71, %dot_general3A_73 : vector<1x256xf32>
    %swap3A = arith.constant 0 : index
    %swap3A_75 = arith.constant 0 : index
    %swap3A_76 = vector.load %arg17[%swap3A, %swap3A_75] : memref<1x256xf32, #tpu.memory_space<vmem>>, vector<1x256xf32>
    tpu.vector_store %arg17[%swap3A, %swap3A_75], %add3A_74 {strides = array<i32>} : memref<1x256xf32, #tpu.memory_space<vmem>>, vector<1x256xf32>,
    %get3A_77 = arith.constant 0 : index
    %get3A_78 = arith.constant 0 : index
    %get3A_79 = vector.load %arg3[%get3A_77, %get3A_78] : memref<1x7168xi32, #tpu.memory_space<vmem>>, vector<1x7168xi32>
    %get3A_80 = arith.constant 0 : index
    %get3A_81 = arith.constant 0 : index
    %get3A_82 = vector.load %arg11[%get3A_80, %get3A_81] : memref<1x7168xf32, #tpu.memory_space<vmem>>, vector<1x7168xf32>
    %gt3A = arith.constant 0 : i32
    %gt3A_83 = vector.broadcast %gt3A : i32 to vector<1x7168xi32>
    %gt3A_84 = arith.cmpi sgt, %get3A_79, %gt3A_83 : vector<1x7168xi32>
    %and3A = arith.andi %lt3A_5, %gt3A_84 : vector<1x7168xi1>
    %gt3A_85 = arith.constant 0.000000e+00 : f32
    %gt3A_86 = vector.broadcast %gt3A_85 : f32 to vector<1x7168xf32>
    %gt3A_87 = arith.cmpf ogt, %get3A_82, %gt3A_86 : vector<1x7168xf32>
    %and3A_88 = arith.andi %and3A, %gt3A_87 : vector<1x7168xi1>
    %get3A_89 = arith.constant 0 : index
    %get3A_90 = arith.constant 0 : index
    %get3A_91 = vector.load %arg10[%get3A_89, %get3A_90] : memref<1x7168xf32, #tpu.memory_space<vmem>>, vector<1x7168xf32>
    %jit3A_92 = arith.constant 0.000000e+00 : f32
    %jit3A_93 = arith.constant 0.999899983 : f32
    %max3A_94 = vector.broadcast %jit3A_92 : f32 to vector<1x7168xf32>
    %max3A_95 = arith.maximumf %max3A_94, %get3A_91 : vector<1x7168xf32>
    %min3A_96 = vector.broadcast %jit3A_93 : f32 to vector<1x7168xf32>
    %min3A_97 = arith.minimumf %min3A_96, %max3A_95 : vector<1x7168xf32>
    %add3A_98 = arith.constant 1.000000e+00 : f32
    %add3A_99 = vector.broadcast %add3A_98 : f32 to vector<1x7168xf32>
    %add3A_100 = arith.addf %add3A_99, %min3A_97 : vector<1x7168xf32>
    %sub3A_101 = arith.constant 1.000000e+00 : f32
    %sub3A_102 = vector.broadcast %sub3A_101 : f32 to vector<1x7168xf32>
    %sub3A_103 = arith.subf %sub3A_102, %min3A_97 : vector<1x7168xf32>
    %div3A_104 = arith.divf %add3A_100, %sub3A_103 : vector<1x7168xf32>
    %log3A_105 = math.log %div3A_104 : vector<1x7168xf32>
    %mul3A_106 = arith.constant 5.000000e-01 : f32
    %mul3A_107 = vector.broadcast %mul3A_106 : f32 to vector<1x7168xf32>
    %mul3A_108 = arith.mulf %mul3A_107, %log3A_105 : vector<1x7168xf32>
    %mul3A_109 = arith.mulf %mul3A_108, %mul3A_108 : vector<1x7168xf32>
    %add3A_110 = arith.constant 1.000000e-01 : f32
    %add3A_111 = vector.broadcast %add3A_110 : f32 to vector<1x7168xf32>
    %add3A_112 = arith.addf %mul3A_109, %add3A_111 : vector<1x7168xf32>
    %get3A_113 = arith.constant 0 : index
    %get3A_114 = arith.constant 0 : index
    %get3A_115 = vector.load %arg6[%get3A_113, %get3A_114] : memref<1x7168xf32, #tpu.memory_space<vmem>>, vector<1x7168xf32>
    %get3A_116 = arith.constant 0 : index
    %get3A_117 = arith.constant 0 : index
    %get3A_118 = vector.load %arg8[%get3A_116, %get3A_117] : memref<1x7168xf32, #tpu.memory_space<vmem>>, vector<1x7168xf32>
    %sub3A_119 = arith.subf %get3A_115, %get3A_118 : vector<1x7168xf32>
    %get3A_120 = arith.constant 0 : index
    %get3A_121 = arith.constant 0 : index
    %get3A_122 = vector.load %arg7[%get3A_120, %get3A_121] : memref<1x7168xf32, #tpu.memory_space<vmem>>, vector<1x7168xf32>
    %get3A_123 = arith.constant 0 : index
    %get3A_124 = arith.constant 0 : index
    %get3A_125 = vector.load %arg9[%get3A_123, %get3A_124] : memref<1x7168xf32, #tpu.memory_space<vmem>>, vector<1x7168xf32>
    %sub3A_126 = arith.subf %get3A_122, %get3A_125 : vector<1x7168xf32>
    %mul3A_127 = arith.mulf %sub3A_119, %sub3A_119 : vector<1x7168xf32>
    %mul3A_128 = arith.mulf %sub3A_126, %sub3A_126 : vector<1x7168xf32>
    %add3A_129 = arith.addf %mul3A_127, %mul3A_128 : vector<1x7168xf32>
    %add3A_130 = arith.constant 9.99999997E-7 : f32
    %add3A_131 = vector.broadcast %add3A_130 : f32 to vector<1x7168xf32>
    %add3A_132 = arith.addf %add3A_129, %add3A_131 : vector<1x7168xf32>
    %sqrt3A_133 = math.sqrt %add3A_132 : vector<1x7168xf32>
    %sub3A_134 = arith.constant 1.000000e+00 : f32
    %sub3A_135 = vector.broadcast %sub3A_134 : f32 to vector<1x7168xf32>
    %sub3A_136 = arith.subf %sub3A_135, %sqrt3A_133 : vector<1x7168xf32>
    %max3A_137 = arith.constant 0.000000e+00 : f32
    %max3A_138 = vector.broadcast %max3A_137 : f32 to vector<1x7168xf32>
    %max3A_139 = arith.maximumf %max3A_138, %sub3A_136 : vector<1x7168xf32>
    %mul3A_140 = arith.mulf %select_n3A, %add3A_112 : vector<1x7168xf32>
    %mul3A_141 = arith.mulf %mul3A_140, %add3A_129 : vector<1x7168xf32>
    %add3A_142 = arith.constant 1.000000e-03 : f32
    %add3A_143 = vector.broadcast %add3A_142 : f32 to vector<1x7168xf32>
    %add3A_144 = arith.addf %get3A_82, %add3A_143 : vector<1x7168xf32>
    %div3A_145 = arith.divf %mul3A_141, %add3A_144 : vector<1x7168xf32>
    %jit3A_146 = arith.constant 0.000000e+00 : f32
    %broadcast_in_dim3A_147 = vector.broadcast %jit3A_146 : f32 to vector<1x7168xf32>
    %select_n3A_148 = arith.select %and3A_88, %div3A_145, %broadcast_in_dim3A_147 : vector<1x7168xi1>, vector<1x7168xf32>
    %reduce_sum3A = vector.shape_cast %select_n3A_148 : vector<1x7168xf32> to vector<1x1x7168xf32>
    %reduce_sum3A_149 = arith.constant dense<0.000000e+00> : vector<1xf32>
    %reduce_sum3A_150 = vector.multi_reduction <add>, %reduce_sum3A, %reduce_sum3A_149 [1, 2] : vector<1x1x7168xf32> to vector<1xf32>
    %reduce_sum3A_151 = vector.shape_cast %reduce_sum3A_150 : vector<1xf32> to vector<1x1x1xf32>
    %reduce_sum3A_152 = vector.extract %reduce_sum3A_151[0, 0, 0] : f32 from vector<1x1x1xf32>
    %mul3A_153 = arith.mulf %mul3A_140, %max3A_139 : vector<1x7168xf32>
    %jit3A_154 = arith.constant 0.000000e+00 : f32
    %broadcast_in_dim3A_155 = vector.broadcast %jit3A_154 : f32 to vector<1x7168xf32>
    %select_n3A_156 = arith.select %and3A_88, %mul3A_153, %broadcast_in_dim3A_155 : vector<1x7168xi1>, vector<1x7168xf32>
    %reduce_sum3A_157 = vector.shape_cast %select_n3A_156 : vector<1x7168xf32> to vector<1x1x7168xf32>
    %reduce_sum3A_158 = arith.constant dense<0.000000e+00> : vector<1xf32>
    %reduce_sum3A_159 = vector.multi_reduction <add>, %reduce_sum3A_157, %reduce_sum3A_158 [1, 2] : vector<1x1x7168xf32> to vector<1xf32>
    %reduce_sum3A_160 = vector.shape_cast %reduce_sum3A_159 : vector<1xf32> to vector<1x1x1xf32>
    %reduce_sum3A_161 = vector.extract %reduce_sum3A_160[0, 0, 0] : f32 from vector<1x1x1xf32>
    %eq3A_162 = arith.constant 0 : i32
    %eq3A_163 = vector.broadcast %eq3A_162 : i32 to vector<1x7168xi32>
    %eq3A_164 = arith.cmpi eq, %get3A_79, %eq3A_163 : vector<1x7168xi32>
    %and3A_165 = arith.andi %eq3A_164, %lt3A_5 : vector<1x7168xi1>
    %ne3A = arith.constant 0 : i32
    %ne3A_166 = vector.broadcast %ne3A : i32 to vector<1x7168xi32>
    %ne3A_167 = arith.cmpi ne, %get3A_79, %ne3A_166 : vector<1x7168xi32>
    %and3A_168 = arith.andi %ne3A_167, %lt3A_5 : vector<1x7168xi1>
    %get3A_169 = arith.constant 0 : index
    %get3A_170 = arith.constant 0 : index
    %get3A_171 = vector.load %arg4[%get3A_169, %get3A_170] : memref<1x7168xf32, #tpu.memory_space<vmem>>, vector<1x7168xf32>
    %get3A_172 = arith.constant 0 : index
    %get3A_173 = arith.constant 0 : index
    %get3A_174 = vector.load %arg5[%get3A_172, %get3A_173] : memref<1x7168xf32, #tpu.memory_space<vmem>>, vector<1x7168xf32>
    %sub3A_175 = arith.subf %get3A_171, %get3A_174 : vector<1x7168xf32>
    %integer_pow3A = arith.mulf %sub3A_175, %sub3A_175 : vector<1x7168xf32>
    %add3A_176 = arith.constant 1.000000e+00 : f32
    %add3A_177 = vector.broadcast %add3A_176 : f32 to vector<1x7168xf32>
    %add3A_178 = arith.addf %get3A_174, %add3A_177 : vector<1x7168xf32>
    %div3A_179 = arith.divf %integer_pow3A, %add3A_178 : vector<1x7168xf32>
    %jit3A_180 = arith.constant 0.000000e+00 : f32
    %broadcast_in_dim3A_181 = vector.broadcast %jit3A_180 : f32 to vector<1x7168xf32>
    %select_n3A_182 = arith.select %and3A_165, %min3A_10, %broadcast_in_dim3A_181 : vector<1x7168xi1>, vector<1x7168xf32>
    %reduce_sum3A_183 = vector.shape_cast %select_n3A_182 : vector<1x7168xf32> to vector<1x1x7168xf32>
    %reduce_sum3A_184 = arith.constant dense<0.000000e+00> : vector<1xf32>
    %reduce_sum3A_185 = vector.multi_reduction <add>, %reduce_sum3A_183, %reduce_sum3A_184 [1, 2] : vector<1x1x7168xf32> to vector<1xf32>
    %reduce_sum3A_186 = vector.shape_cast %reduce_sum3A_185 : vector<1xf32> to vector<1x1x1xf32>
    %reduce_sum3A_187 = vector.extract %reduce_sum3A_186[0, 0, 0] : f32 from vector<1x1x1xf32>
    %convert_element_type3A_188 = arith.extui %and3A_165 : vector<1x7168xi1> to vector<1x7168xi32>
    %convert_element_type3A_189 = arith.sitofp %convert_element_type3A_188 : vector<1x7168xi32> to vector<1x7168xf32>
    %reduce_sum3A_190 = vector.shape_cast %convert_element_type3A_189 : vector<1x7168xf32> to vector<1x1x7168xf32>
    %reduce_sum3A_191 = arith.constant dense<0.000000e+00> : vector<1xf32>
    %reduce_sum3A_192 = vector.multi_reduction <add>, %reduce_sum3A_190, %reduce_sum3A_191 [1, 2] : vector<1x1x7168xf32> to vector<1xf32>
    %reduce_sum3A_193 = vector.shape_cast %reduce_sum3A_192 : vector<1xf32> to vector<1x1x1xf32>
    %reduce_sum3A_194 = vector.extract %reduce_sum3A_193[0, 0, 0] : f32 from vector<1x1x1xf32>
    %jit3A_195 = arith.constant 0.000000e+00 : f32
    %broadcast_in_dim3A_196 = vector.broadcast %jit3A_195 : f32 to vector<1x7168xf32>
    %select_n3A_197 = arith.select %and3A_168, %div3A_179, %broadcast_in_dim3A_196 : vector<1x7168xi1>, vector<1x7168xf32>
    %reduce_sum3A_198 = vector.shape_cast %select_n3A_197 : vector<1x7168xf32> to vector<1x1x7168xf32>
    %reduce_sum3A_199 = arith.constant dense<0.000000e+00> : vector<1xf32>
    %reduce_sum3A_200 = vector.multi_reduction <add>, %reduce_sum3A_198, %reduce_sum3A_199 [1, 2] : vector<1x1x7168xf32> to vector<1xf32>
    %reduce_sum3A_201 = vector.shape_cast %reduce_sum3A_200 : vector<1xf32> to vector<1x1x1xf32>
    %reduce_sum3A_202 = vector.extract %reduce_sum3A_201[0, 0, 0] : f32 from vector<1x1x1xf32>
    %iota3A_203 = tpu.iota {dimensions = array<i32: 1>} : vector<1x128xi32>
    %eq3A_204 = arith.constant 0 : i32
    %eq3A_205 = vector.broadcast %eq3A_204 : i32 to vector<1x128xi32>
    %eq3A_206 = arith.cmpi eq, %iota3A_203, %eq3A_205 : vector<1x128xi32>
    %eq3A_207 = arith.constant 1 : i32
    %eq3A_208 = vector.broadcast %eq3A_207 : i32 to vector<1x128xi32>
    %eq3A_209 = arith.cmpi eq, %iota3A_203, %eq3A_208 : vector<1x128xi32>
    %eq3A_210 = arith.constant 2 : i32
    %eq3A_211 = vector.broadcast %eq3A_210 : i32 to vector<1x128xi32>
    %eq3A_212 = arith.cmpi eq, %iota3A_203, %eq3A_211 : vector<1x128xi32>
    %eq3A_213 = arith.constant 3 : i32
    %eq3A_214 = vector.broadcast %eq3A_213 : i32 to vector<1x128xi32>
    %eq3A_215 = arith.cmpi eq, %iota3A_203, %eq3A_214 : vector<1x128xi32>
    %eq3A_216 = arith.constant 4 : i32
    %eq3A_217 = vector.broadcast %eq3A_216 : i32 to vector<1x128xi32>
    %eq3A_218 = arith.cmpi eq, %iota3A_203, %eq3A_217 : vector<1x128xi32>
    %jit3A_219 = arith.constant 0.000000e+00 : f32
    %broadcast_in_dim3A_220 = vector.broadcast %reduce_sum3A_202 : f32 to vector<1x128xf32>
    %broadcast_in_dim3A_221 = vector.broadcast %jit3A_219 : f32 to vector<1x128xf32>
    %select_n3A_222 = arith.select %eq3A_218, %broadcast_in_dim3A_220, %broadcast_in_dim3A_221 : vector<1x128xi1>, vector<1x128xf32>
    %broadcast_in_dim3A_223 = vector.broadcast %reduce_sum3A_194 : f32 to vector<1x128xf32>
    %select_n3A_224 = arith.select %eq3A_215, %broadcast_in_dim3A_223, %select_n3A_222 : vector<1x128xi1>, vector<1x128xf32>
    %broadcast_in_dim3A_225 = vector.broadcast %reduce_sum3A_187 : f32 to vector<1x128xf32>
    %select_n3A_226 = arith.select %eq3A_212, %broadcast_in_dim3A_225, %select_n3A_224 : vector<1x128xi1>, vector<1x128xf32>
    %broadcast_in_dim3A_227 = vector.broadcast %reduce_sum3A_161 : f32 to vector<1x128xf32>
    %select_n3A_228 = arith.select %eq3A_209, %broadcast_in_dim3A_227, %select_n3A_226 : vector<1x128xi1>, vector<1x128xf32>
    %broadcast_in_dim3A_229 = vector.broadcast %reduce_sum3A_152 : f32 to vector<1x128xf32>
    %select_n3A_230 = arith.select %eq3A_206, %broadcast_in_dim3A_229, %select_n3A_228 : vector<1x128xi1>, vector<1x128xf32>
    %get3A_231 = arith.constant 0 : index
    %get3A_232 = arith.constant 0 : index
    %get3A_233 = vector.load %arg18[%get3A_231, %get3A_232] : memref<1x128xf32, #tpu.memory_space<vmem>>, vector<1x128xf32>
    %add3A_234 = arith.addf %get3A_233, %select_n3A_230 : vector<1x128xf32>
    %swap3A_235 = arith.constant 0 : index
    %swap3A_236 = arith.constant 0 : index
    %swap3A_237 = vector.load %arg18[%swap3A_235, %swap3A_236] : memref<1x128xf32, #tpu.memory_space<vmem>>, vector<1x128xf32>
    tpu.vector_store %arg18[%swap3A_235, %swap3A_236], %add3A_234 {strides = array<i32>} : memref<1x128xf32, #tpu.memory_space<vmem>>, vector<1x128xf32>,
    %eq3A_238 = arith.constant 13 : i32
    %eq3A_239 = arith.cmpi eq, %arg0, %eq3A_238 : i32
    %convert_element_type3A_240 = arith.extui %eq3A_239 : i1 to i32
    %cond3A_241 = arith.constant 0 : i32
    %cond3A_242 = arith.cmpi ne, %convert_element_type3A_240, %cond3A_241 : i32
    scf.if %cond3A_242 {
      %iota3A_243 = tpu.iota {dimensions = array<i32: 1>} : vector<1x256xi32>
      %get3A_244 = arith.constant 0 : index
      %get3A_245 = arith.constant 0 : index
      %get3A_246 = vector.load %arg15[%get3A_244, %get3A_245] : memref<1x256xf32, #tpu.memory_space<vmem>>, vector<1x256xf32>
      %gt3A_247 = arith.constant 0 : i32
      %gt3A_248 = vector.broadcast %gt3A_247 : i32 to vector<1x256xi32>
      %gt3A_249 = arith.cmpi sgt, %iota3A_243, %gt3A_248 : vector<1x256xi32>
      %gt3A_250 = arith.constant 0.000000e+00 : f32
      %gt3A_251 = vector.broadcast %gt3A_250 : f32 to vector<1x256xf32>
      %gt3A_252 = arith.cmpf ogt, %get3A_246, %gt3A_251 : vector<1x256xf32>
      %and3A_253 = arith.andi %gt3A_249, %gt3A_252 : vector<1x256xi1>
      %convert_element_type3A_254 = arith.extui %and3A_253 : vector<1x256xi1> to vector<1x256xi32>
      %convert_element_type3A_255 = arith.sitofp %convert_element_type3A_254 : vector<1x256xi32> to vector<1x256xf32>
      %get3A_256 = arith.constant 0 : index
      %get3A_257 = arith.constant 0 : index
      %get3A_258 = vector.load %arg14[%get3A_256, %get3A_257] : memref<1x256xf32, #tpu.memory_space<vmem>>, vector<1x256xf32>
      %jit3A_259 = arith.constant 0.000000e+00 : f32
      %jit3A_260 = arith.constant 0.999899983 : f32
      %max3A_261 = vector.broadcast %jit3A_259 : f32 to vector<1x256xf32>
      %max3A_262 = arith.maximumf %max3A_261, %get3A_258 : vector<1x256xf32>
      %min3A_263 = vector.broadcast %jit3A_260 : f32 to vector<1x256xf32>
      %min3A_264 = arith.minimumf %min3A_263, %max3A_262 : vector<1x256xf32>
      %add3A_265 = arith.constant 1.000000e+00 : f32
      %add3A_266 = vector.broadcast %add3A_265 : f32 to vector<1x256xf32>
      %add3A_267 = arith.addf %add3A_266, %min3A_264 : vector<1x256xf32>
      %sub3A_268 = arith.constant 1.000000e+00 : f32
      %sub3A_269 = vector.broadcast %sub3A_268 : f32 to vector<1x256xf32>
      %sub3A_270 = arith.subf %sub3A_269, %min3A_264 : vector<1x256xf32>
      %div3A_271 = arith.divf %add3A_267, %sub3A_270 : vector<1x256xf32>
      %log3A_272 = math.log %div3A_271 : vector<1x256xf32>
      %mul3A_273 = arith.constant 5.000000e-01 : f32
      %mul3A_274 = vector.broadcast %mul3A_273 : f32 to vector<1x256xf32>
      %mul3A_275 = arith.mulf %mul3A_274, %log3A_272 : vector<1x256xf32>
      %mul3A_276 = arith.mulf %mul3A_275, %mul3A_275 : vector<1x256xf32>
      %add3A_277 = arith.constant 1.000000e-01 : f32
      %add3A_278 = vector.broadcast %add3A_277 : f32 to vector<1x256xf32>
      %add3A_279 = arith.addf %mul3A_276, %add3A_278 : vector<1x256xf32>
      %mul3A_280 = arith.mulf %add3A_279, %convert_element_type3A_255 : vector<1x256xf32>
      %reduce_sum3A_281 = vector.shape_cast %convert_element_type3A_255 : vector<1x256xf32> to vector<1x1x256xf32>
      %reduce_sum3A_282 = arith.constant dense<0.000000e+00> : vector<1xf32>
      %reduce_sum3A_283 = vector.multi_reduction <add>, %reduce_sum3A_281, %reduce_sum3A_282 [1, 2] : vector<1x1x256xf32> to vector<1xf32>
      %reduce_sum3A_284 = vector.shape_cast %reduce_sum3A_283 : vector<1xf32> to vector<1x1x1xf32>
      %reduce_sum3A_285 = vector.extract %reduce_sum3A_284[0, 0, 0] : f32 from vector<1x1x1xf32>
      %add3A_286 = arith.constant 1.000000e-03 : f32
      %add3A_287 = arith.addf %reduce_sum3A_285, %add3A_286 : f32
      %get3A_288 = arith.constant 0 : index
      %get3A_289 = arith.constant 0 : index
      %get3A_290 = vector.load %arg18[%get3A_288, %get3A_289] : memref<1x128xf32, #tpu.memory_space<vmem>>, vector<1x1xf32>
      %get3A_291 = vector.extract %get3A_290[0, 0] : f32 from vector<1x1xf32>
      %get3A_292 = arith.constant 0 : index
      %get3A_293 = arith.constant 1 : index
      %get3A_294 = vector.load %arg18[%get3A_292, %get3A_293] : memref<1x128xf32, #tpu.memory_space<vmem>>, vector<1x1xf32>
      %get3A_295 = vector.extract %get3A_294[0, 0] : f32 from vector<1x1xf32>
      %get3A_296 = arith.constant 0 : index
      %get3A_297 = arith.constant 2 : index
      %get3A_298 = vector.load %arg18[%get3A_296, %get3A_297] : memref<1x128xf32, #tpu.memory_space<vmem>>, vector<1x1xf32>
      %get3A_299 = vector.extract %get3A_298[0, 0] : f32 from vector<1x1xf32>
      %get3A_300 = arith.constant 0 : index
      %get3A_301 = arith.constant 3 : index
      %get3A_302 = vector.load %arg18[%get3A_300, %get3A_301] : memref<1x128xf32, #tpu.memory_space<vmem>>, vector<1x1xf32>
      %get3A_303 = vector.extract %get3A_302[0, 0] : f32 from vector<1x1xf32>
      %get3A_304 = arith.constant 0 : index
      %get3A_305 = arith.constant 4 : index
      %get3A_306 = vector.load %arg18[%get3A_304, %get3A_305] : memref<1x128xf32, #tpu.memory_space<vmem>>, vector<1x1xf32>
      %get3A_307 = vector.extract %get3A_306[0, 0] : f32 from vector<1x1xf32>
      %div3A_308 = arith.divf %get3A_291, %add3A_287 : f32
      %get3A_309 = arith.constant 0 : index
      %get3A_310 = arith.constant 0 : index
      %get3A_311 = vector.load %arg17[%get3A_309, %get3A_310] : memref<1x256xf32, #tpu.memory_space<vmem>>, vector<1x256xf32>
      %mul3A_312 = arith.mulf %get3A_311, %mul3A_280 : vector<1x256xf32>
      %reduce_sum3A_313 = vector.shape_cast %mul3A_312 : vector<1x256xf32> to vector<1x1x256xf32>
      %reduce_sum3A_314 = arith.constant dense<0.000000e+00> : vector<1xf32>
      %reduce_sum3A_315 = vector.multi_reduction <add>, %reduce_sum3A_313, %reduce_sum3A_314 [1, 2] : vector<1x1x256xf32> to vector<1xf32>
      %reduce_sum3A_316 = vector.shape_cast %reduce_sum3A_315 : vector<1xf32> to vector<1x1x1xf32>
      %reduce_sum3A_317 = vector.extract %reduce_sum3A_316[0, 0, 0] : f32 from vector<1x1x1xf32>
      %sub3A_318 = arith.subf %reduce_sum3A_317, %get3A_295 : f32
      %mul3A_319 = arith.constant 1.000000e+05 : f32
      %mul3A_320 = arith.mulf %mul3A_319, %add3A_287 : f32
      %div3A_321 = arith.divf %sub3A_318, %mul3A_320 : f32
      %get3A_322 = arith.constant 0 : index
      %get3A_323 = arith.constant 0 : index
      %get3A_324 = vector.load %arg14[%get3A_322, %get3A_323] : memref<1x256xf32, #tpu.memory_space<vmem>>, vector<1x256xf32>
      %sub3A_325 = arith.constant 1.000000e+00 : f32
      %sub3A_326 = vector.broadcast %sub3A_325 : f32 to vector<1x256xf32>
      %sub3A_327 = arith.subf %sub3A_326, %get3A_324 : vector<1x256xf32>
      %mul3A_328 = arith.mulf %sub3A_327, %convert_element_type3A_255 : vector<1x256xf32>
      %reduce_sum3A_329 = vector.shape_cast %mul3A_328 : vector<1x256xf32> to vector<1x1x256xf32>
      %reduce_sum3A_330 = arith.constant dense<0.000000e+00> : vector<1xf32>
      %reduce_sum3A_331 = vector.multi_reduction <add>, %reduce_sum3A_329, %reduce_sum3A_330 [1, 2] : vector<1x1x256xf32> to vector<1xf32>
      %reduce_sum3A_332 = vector.shape_cast %reduce_sum3A_331 : vector<1xf32> to vector<1x1x1xf32>
      %reduce_sum3A_333 = vector.extract %reduce_sum3A_332[0, 0, 0] : f32 from vector<1x1x1xf32>
      %div3A_334 = arith.divf %reduce_sum3A_333, %add3A_287 : f32
      %mul3A_335 = arith.constant 1.000000e+00 : f32
      %mul3A_336 = arith.mulf %mul3A_335, %get3A_299 : f32
      %add3A_337 = arith.constant 1.000000e-03 : f32
      %add3A_338 = arith.addf %get3A_303, %add3A_337 : f32
      %div3A_339 = arith.divf %mul3A_336, %add3A_338 : f32
      %sub3A_340 = arith.constant 1.000000e+05 : f32
      %sub3A_341 = arith.subf %sub3A_340, %get3A_303 : f32
      %add3A_342 = arith.constant 1.000000e-03 : f32
      %add3A_343 = arith.addf %sub3A_341, %add3A_342 : f32
      %div3A_344 = arith.divf %get3A_307, %add3A_343 : f32
      %add3A_345 = arith.addf %div3A_308, %div3A_321 : f32
      %add3A_346 = arith.addf %add3A_345, %div3A_334 : f32
      %add3A_347 = arith.addf %add3A_346, %div3A_339 : f32
      %add3A_348 = arith.addf %add3A_347, %div3A_344 : f32
      %iota3A_349 = tpu.iota {dimensions = array<i32: 1>} : vector<1x128xi32>
      %eq3A_350 = arith.constant 0 : i32
      %eq3A_351 = vector.broadcast %eq3A_350 : i32 to vector<1x128xi32>
      %eq3A_352 = arith.cmpi eq, %iota3A_349, %eq3A_351 : vector<1x128xi32>
      %jit3A_353 = arith.constant 0.000000e+00 : f32
      %broadcast_in_dim3A_354 = vector.broadcast %add3A_348 : f32 to vector<1x128xf32>
      %broadcast_in_dim3A_355 = vector.broadcast %jit3A_353 : f32 to vector<1x128xf32>
      %select_n3A_356 = arith.select %eq3A_352, %broadcast_in_dim3A_354, %broadcast_in_dim3A_355 : vector<1x128xi1>, vector<1x128xf32>
      %swap3A_357 = arith.constant 0 : index
      %swap3A_358 = arith.constant 0 : index
      %swap3A_359 = vector.load %arg16[%swap3A_357, %swap3A_358] : memref<1x128xf32, #tpu.memory_space<vmem>>, vector<1x128xf32>
      tpu.vector_store %arg16[%swap3A_357, %swap3A_358], %select_n3A_356 {strides = array<i32>} : memref<1x128xf32, #tpu.memory_space<vmem>>, vector<1x128xf32>,
    } else {
    }
    return
  }
  func.func @transform_0(%arg0: i32) -> (i32, i32) {
    %c0_i32 = arith.constant 0 : i32
    %c0_i32_0 = arith.constant 0 : i32
    return %arg0, %c0_i32 : i32, i32
  }
  func.func @transform_1(%arg0: i32) -> (i32, i32) {
    %c0_i32 = arith.constant 0 : i32
    %c0_i32_0 = arith.constant 0 : i32
    return %c0_i32, %arg0 : i32, i32
  }
  func.func @transform_2(%arg0: i32) -> (i32, i32) {
    %c0_i32 = arith.constant 0 : i32
    %c0_i32_0 = arith.constant 0 : i32
    return %c0_i32, %arg0 : i32, i32
  }
  func.func @transform_3(%arg0: i32) -> (i32, i32) {
    %c0_i32 = arith.constant 0 : i32
    %c0_i32_0 = arith.constant 0 : i32
    return %c0_i32, %arg0 : i32, i32
  }
  func.func @transform_4(%arg0: i32) -> (i32, i32) {
    %c0_i32 = arith.constant 0 : i32
    %c0_i32_0 = arith.constant 0 : i32
    return %c0_i32, %arg0 : i32, i32
  }
  func.func @transform_5(%arg0: i32) -> (i32, i32) {
    %c0_i32 = arith.constant 0 : i32
    %c0_i32_0 = arith.constant 0 : i32
    return %c0_i32, %arg0 : i32, i32
  }
  func.func @transform_6(%arg0: i32) -> (i32, i32) {
    %c0_i32 = arith.constant 0 : i32
    %c0_i32_0 = arith.constant 0 : i32
    return %c0_i32, %arg0 : i32, i32
  }
  func.func @transform_7(%arg0: i32) -> (i32, i32) {
    %c0_i32 = arith.constant 0 : i32
    %c0_i32_0 = arith.constant 0 : i32
    return %c0_i32, %arg0 : i32, i32
  }
  func.func @transform_8(%arg0: i32) -> (i32, i32) {
    %c0_i32 = arith.constant 0 : i32
    %c0_i32_0 = arith.constant 0 : i32
    return %c0_i32, %arg0 : i32, i32
  }
  func.func @transform_9(%arg0: i32) -> (i32, i32) {
    %c0_i32 = arith.constant 0 : i32
    %c0_i32_0 = arith.constant 0 : i32
    return %c0_i32, %arg0 : i32, i32
  }
  func.func @transform_10(%arg0: i32) -> (i32, i32) {
    %c0_i32 = arith.constant 0 : i32
    %c0_i32_0 = arith.constant 0 : i32
    return %c0_i32, %arg0 : i32, i32
  }
  func.func @transform_11(%arg0: i32) -> (i32, i32) {
    %c0_i32 = arith.constant 0 : i32
    %c0_i32_0 = arith.constant 0 : i32
    %c0_i32_1 = arith.constant 0 : i32
    return %c0_i32, %c0_i32_0 : i32, i32
  }
  func.func @transform_12(%arg0: i32) -> (i32, i32) {
    %c0_i32 = arith.constant 0 : i32
    %c0_i32_0 = arith.constant 0 : i32
    %c0_i32_1 = arith.constant 0 : i32
    return %c0_i32, %c0_i32_0 : i32, i32
  }
  func.func @transform_13(%arg0: i32) -> (i32, i32) {
    %c0_i32 = arith.constant 0 : i32
    %c0_i32_0 = arith.constant 0 : i32
    %c0_i32_1 = arith.constant 0 : i32
    return %c0_i32, %c0_i32_0 : i32, i32
  }
  func.func @transform_14(%arg0: i32) -> (i32, i32) {
    %c0_i32 = arith.constant 0 : i32
    %c0_i32_0 = arith.constant 0 : i32
    %c0_i32_1 = arith.constant 0 : i32
    return %c0_i32, %c0_i32_0 : i32, i32
  }
  func.func @transform_15(%arg0: i32) -> (i32, i32) {
    %c0_i32 = arith.constant 0 : i32
    %c0_i32_0 = arith.constant 0 : i32
    %c0_i32_1 = arith.constant 0 : i32
    return %c0_i32, %c0_i32_0 : i32, i32
  }
}

</mosaic_0001>

<sc_bundles>
// kernel: kernel.4.cloned.1.call-start
scs
__scs_entry_jumppad:
0x0: {  	(pc) =	sbr.rel $0x88, $3  }
0x1: {  	(tag) =	ssettag $0x0;
	lr =	simm.s32 $0x1  }
0x2: {  	[smem:$0x3F9C] =	sst lr;
	_ =	strace $0xD0000000  }
0x3: {  	_ = 	snop  }
0x4: {  	_ = 	snop  }
0x5: {  	_ = 	snop  }
0x6: {  	_ = 	snop  }
0x7: {  	_ = 	snop  }
__scs_overlays_trampoline_lowered:
0x8: {  	[smem:$0x3FAB] =	sst s0  }
0x9: {  	[smem:$0x3FAC] =	sst s1  }
0xa: {  	[smem:$0x3FAD] =	sst s2  }
0xb: {  	[smem:$0x3FAE] =	sst s3  }
0xc: {  	[smem:$0x3FAF] =	sst s4  }
0xd: {  	[smem:$0x3FB0] =	sst s5  }
0xe: {  	[smem:$0x3FB1] =	sst s6  }
0xf: {  	[smem:$0x3FB2] =	sst s7  }
0x10: {  	[smem:$0x3FB3] =	sst s8  }
0x11: {  	[smem:$0x3FB4] =	sst s9;
	s0 =	simm.s32 @!p0 $0x0  }
0x12: {  	s1 =	sld [smem:$0x3F9A];
	s0 =	simm.s32 @p0 $0x1  }
0x13: {  	[smem:$0x3FB5] =	sst s0;
	s0 =	simm.s32 @!p1 $0x0  }
0x14: {  	s2 =	sld [smem:$0x3F99];
	s0 =	simm.s32 @p1 $0x1  }
0x15: {  	[smem:$0x3FB6] =	sst s0;
	s0 =	simm.s32 @!p2 $0x0  }
0x16: {  	s3 =	sld [smem:$0x3FDB];
	s0 =	simm.s32 @p2 $0x1  }
0x17: {  	s4 =	simm.s32 $0x1BF5;
	[smem:$0x3FB8] =	sst s0  }
0x18: {  	s0 =	sld [smem:$0x3F9B];
	_ =	swait.ge [sflag:s4], $0x0  }
0x19: {  	s7 =	sld [smem:$0x3F9C]  }
0x1a: {  	s8 =	sadd.s32 $0xFFFFE003, lr  }
0x1b: {  	s9 =	sadd.s32 $0xFFFFFEF7, lr;
	s5 =	simm.s32 $0xFFFFFFFF;
	p2 =	slt.u32 s8, $0xFFFFF086  }
0x1c: {  	p1 =	slt.u32 s9, $0xF7A;
	s5 =	simm.s32 @!p2 $0x0  }
0x1d: {  	s5 =	simm.s32 @p1 $0x1;
	p0 =	seq.s32 s7, s2  }
0x1e: {  	s7 =	smul.u32 @!p0 $0xF7A, s2;
	p2 =	seq.s32 @!p0 s5, $0x0  }
0x1f: {  	s9 =	smul.u32 $0xF7A, s1;
	s8 =	simm.s32 @!p0 $0x1BF5;
	p2 =	por !p2, p0  }
0x20: {  	[sflag:s8] =	ssyncset.s32 @!p0 $0xFFFFF086;
	s6 =	sadd.s32 @!p0 s3, s7;
	s7 =	simm.s32 @!p0 $0x108  }
0x21: {  	s3 =	sadd.s32 s3, s9;
	s6 =	sadd.s32 @!p0 $0x88, s6;
	s7 =	simm.s32 @p2 $0x1082  }
0x22: {  	[simem:s7], [sflag:s8] =	dma.local @!p0 [hbm:s6], $0xF7A  }
0x23: {  	s9 =	sor.u32 $0xD0000000, s2;
	s6 =	simm.s32 $0x108;
	_ =	swait.ge @!p0 [sflag:s8], $0x0  }
0x24: {  	s3 =	sadd.s32 $0x88, s3;
	s6 =	simm.s32 @!p1 $0x1082;
	[sflag:s4] =	ssyncset.s32 $0xFFFFF086  }
0x25: {  	[simem:s6], [sflag:s4] =	dma.local [hbm:s3], $0xF7A  }
0x26: {  	[smem:$0x3F9C] =	sst s1;
	(tag) =	ssettag s2;
	_ =	strace s9  }
0x27: {  	s1 =	sld [smem:$0x3FAC]  }
0x28: {  	s2 =	sld [smem:$0x3FAD]  }
0x29: {  	s4 =	sld [smem:$0x3FAF]  }
0x2a: {  	p0 =	seq.s32 s5, $0x0;
	s5 =	sld [smem:$0x3FB0]  }
0x2b: {  	s6 =	sld [smem:$0x3FB1]  }
0x2c: {  	s7 =	sld [smem:$0x3FB2]  }
0x2d: {  	s3 =	simm.s32 $0x108;
	s8 =	sld [smem:$0x3FB3]  }
0x2e: {  	s3 =	simm.s32 @!p0 $0x1082;
	s9 =	sld [smem:$0x3FB4]  }
0x2f: {  	lr =	sadd.s32 s0, s3;
	s0 =	sld [smem:$0x3FAB]  }
0x30: {  	s3 =	sld [smem:$0x3FAE]  }
0x31: {  	[smem:$0x3FB7] =	sst s10  }
0x32: {  	s10 =	sld [smem:$0x3FB5];
	_ =	sdelay $0x3  }
0x33: {  	p0 =	seq.s32 s10, $0x1;
	s10 =	sld [smem:$0x3FB7];
	_ =	sdelay $0x3  }
0x34: {  	[smem:$0x3FB7] =	sst s10  }
0x35: {  	s10 =	sld [smem:$0x3FB6];
	_ =	sdelay $0x3  }
0x36: {  	p1 =	seq.s32 s10, $0x1;
	s10 =	sld [smem:$0x3FB7];
	_ =	sdelay $0x3  }
0x37: {  	[smem:$0x3FB7] =	sst s10  }
0x38: {  	s10 =	sld [smem:$0x3FB8]  }
0x39: {  	_ = 	snop;
	(pc) =	sbr.ind lr, $3  }
0x3a: {  	_ = 	snop  }
0x3b: {  	_ = 	snop  }
0x3c: {  	p2 =	seq.s32 s10, $0x1;
	s10 =	sld [smem:$0x3FB7]  }
0x3d: {  	_ =	shalt  }
0x3e: {  	_ =	shalt  }
0x3f: {  	_ =	shalt  }
0x40: {  	_ =	shalt  }
0x41: {  	_ =	shalt  }
0x42: {  	_ =	shalt  }
0x43: {  	_ =	shalt  }
0x44: {  	_ =	shalt  }
0x45: {  	_ =	shalt  }
0x46: {  	_ =	shalt  }
0x47: {  	_ =	shalt  }
0x48: {  	_ =	shalt  }
0x49: {  	_ =	shalt  }
0x4a: {  	_ =	shalt  }
0x4b: {  	_ =	shalt  }
0x4c: {  	_ =	shalt  }
0x4d: {  	_ =	shalt  }
0x4e: {  	_ =	shalt  }
0x4f: {  	_ =	shalt  }
0x50: {  	_ =	shalt  }
0x51: {  	_ =	shalt  }
0x52: {  	_ =	shalt  }
0x53: {  	_ =	shalt  }
0x54: {  	_ =	shalt  }
0x55: {  	_ =	shalt  }
0x56: {  	_ =	shalt  }
0x57: {  	_ =	shalt  }
0x58: {  	_ =	shalt  }
0x59: {  	_ =	shalt  }
0x5a: {  	_ =	shalt  }
0x5b: {  	_ =	shalt  }
0x5c: {  	_ =	shalt  }
0x5d: {  	_ =	shalt  }
0x5e: {  	_ =	shalt  }
0x5f: {  	_ =	shalt  }
0x60: {  	_ =	shalt  }
0x61: {  	_ =	shalt  }
0x62: {  	_ =	shalt  }
0x63: {  	_ =	shalt  }
0x64: {  	_ =	shalt  }
0x65: {  	_ =	shalt  }
0x66: {  	_ =	shalt  }
0x67: {  	_ =	shalt  }
0x68: {  	_ =	shalt  }
0x69: {  	_ =	shalt  }
0x6a: {  	_ =	shalt  }
0x6b: {  	_ =	shalt  }
0x6c: {  	_ =	shalt  }
0x6d: {  	_ =	shalt  }
0x6e: {  	_ =	shalt  }
0x6f: {  	_ =	shalt  }
0x70: {  	_ =	shalt  }
0x71: {  	_ =	shalt  }
0x72: {  	_ =	shalt  }
0x73: {  	_ =	shalt  }
0x74: {  	_ =	shalt  }
0x75: {  	_ =	shalt  }
0x76: {  	_ =	shalt  }
0x77: {  	_ =	shalt  }
0x78: {  	_ =	shalt  }
0x79: {  	_ =	shalt  }
0x7a: {  	_ =	shalt  }
0x7b: {  	_ =	shalt  }
0x7c: {  	_ =	shalt  }
0x7d: {  	_ =	shalt  }
0x7e: {  	_ =	shalt  }
0x7f: {  	_ =	shalt  }
0x80: {  	_ =	shalt  }
0x81: {  	_ =	shalt  }
0x82: {  	_ =	shalt  }
0x83: {  	_ =	shalt  }
0x84: {  	_ =	shalt  }
0x85: {  	_ =	shalt  }
0x86: {  	_ =	shalt  }
0x87: {  	_ =	shalt  }
.Lfunc_end0:
.L_simem_size_0:
called_computation_lowered:
.L_overlay_start_0:
0x88: {  	s0 =	sld [smem:$0x3FD9]  }
0x89: {  	s1 =	sld [smem:$0x3FFE];
	_ =	sdelay $0x3  }
0x8a: {  	s0 =	sadd.s32 s1, s0  }
0x8b: {  	[smem:$0x3FC3] =	sst s0  }
0x8c: {  	_ = 	snop  }
0x8d: {  	(tm) =	ssettm $0x1  }
0x8e: {  	s15 =	sld [smem:$0x3FFB];
	_ =	sdelay $0x3  }
0x8f: {  	_ =	strace s15  }
0x90: {  	s0 =	sld [smem:$0x3FFC];
	_ =	sdelay $0x3  }
0x91: {  	_ =	strace s0  }
0x92: {  	s0 =	sld [smem:$0x3FFD];
	_ =	sdelay $0x3  }
0x93: {  	_ =	strace s0  }
0x94: {  	_ =	strace $0x8FFFFFFF  }
0x95: {  	s16 =	sld [smem:$0x3FDB];
	_ =	sdelay $0x1  }
0x96: {  	s17 =	simm.s32 $_scs_section_size  }
0x97: {  	s2 =	simm.s32 $_size__tile_overlayer_lowered;
	s3 =	simm.s32 $_tile_overlayer_lowered  }
0x98: {  	s20 =	simm.s32 $0x1BFF;
	s19 =	sshll.u32 s3, $0x1;
	s0 =	sadd.s32 s17, s16  }
0x99: {  	s4 =	simm.s32 $0x0;
	s18 =	sshll.u32 s2, $0x1;
	s2 =	sadd.s32 s19, s0  }
0x9a: {  	[timem:s4], [sflag:s20] =	dma.local [hbm:s2], s18  }
0x9b: {  	_ =	swait.ge [sflag:s20], s18  }
0x9c: {  	s1 =	ssub.s32 $0x0, s18;
	[sflag:s20] =	ssyncset.done $0x0  }
0x9d: {  	[sflag:s20] =	ssyncadd.s32 s1;
	_ =	sdelay $0x1  }
0x9e: {  	s21 =	simm.s32 $0x1B8B  }
0x9f: {  	_ =	swait.ge [sflag:s21], $0x1  }
0xa0: {  	[sflag:s21] =	ssyncset.done $0x0  }
0xa1: {  	s23 =	simm.s32 $0x1B8E;
	s22 =	sld [smem:$0x3FFE];
	[sflag:s21] =	ssyncadd.s32 $0xFFFFFFFF  }
0xa2: {  	s24 =	simm.s32 $execute0_lowered;
	[smem:$0x3FD2] =	sst s23  }
0xa3: {  	s2 =	sshll.u32 s24, $0x1;
	_ =	strace $0x80000046;
	[dreg:$0x1] =	wrdreg $0xFFFFFFFF  }
0xa4: {  	s25 =	simm.s32 $_size_execute0_lowered;
	s0 =	sadd.s32 s0, s2;
	[dreg:$0x0] =	wrdreg $0x0  }
0xa5: {  	s2 =	sshll.u32 s25, $0x1;
	[dreg:$0x2] =	wrdreg s0  }
0xa6: {  	[dreg:$0x3] =	wrdreg s2  }
0xa7: {  	[dreg:$0x4] =	wrdreg $0xC0  }
0xa8: {  	_ =	task [dreg:s4], $0x5FFFF  }
0xa9: {  	[dreg:$0x1] =	wrdreg $0xFFFFFFFF  }
0xaa: {  	[dreg:$0x0] =	wrdreg $0x60  }
0xab: {  	[dreg:$0x2] =	wrdreg s22  }
0xac: {  	[dreg:$0x3] =	wrdreg $0x119000  }
0xad: {  	[dreg:$0x4] =	wrdreg $0x11A000  }
0xae: {  	[dreg:$0x5] =	wrdreg $0x11B000  }
0xaf: {  	[dreg:$0x6] =	wrdreg $0x9  }
0xb0: {  	_ =	task.clear_ibuf [dreg:s4], $0x7FFFF;
	_ =	strace $0x90000046  }
0xb1: {  	s26 =	simm.s32 $0x9;
	_ =	strace $0x80000048  }
0xb2: {  	_ =	swait.ge [sflag:s26], $0x1  }
0xb3: {  	[sflag:s26] =	ssyncadd.s32 $0xFFFFFFFF  }
0xb4: {  	_ =	strace $0x90000048  }
0xb5: {  	_ =	sfence  }
0xb6: {  	s28 =	sld [smem:$0x0];
	_ =	sdelay $0x1  }
0xb7: {  	s29 =	srdreg.scid  }
0xb8: {  	s30 =	sshll.u32 s29, $0xD;
	s31 =	sshrl.u32 s29, $0x2  }
0xb9: {  	s1 =	sand.u32 $0x1, s29;
	s2 =	sand.u32 $0x4000, s30;
	s0 =	sadd.s32 s31, s28  }
0xba: {  	s1 =	sor.u32 s2, s1;
	s0 =	sshll.u32 s0, $0x11  }
0xbb: {  	s0 =	sor.u32 s0, s1  }
0xbc: {  	s0 =	sadd.s32 $0x8F2B, s0  }
0xbd: {  	[sflag:s0] =	ssyncadd.remote.s32 $0x1  }
0xbe: {  	_ =	sfence.sel $0xFFFF  }
0xbf: {  	[dreg:$0x0] =	wrdreg $0xFFFFFFFF;
	(pc) =	sbr.abs _section_cstart, $3  }
0xc0: {  	[dreg:$0x1] =	wrdreg $0xFFFFFFFF  }
0xc1: {  	_ =	task.clear_ibuf [dreg:s4], $0x2FFFF;
	_ =	strace $0x9FFFFFFF  }
0xc2: {  	(tm) =	ssettm $0x7FFFFFFF  }
0xc3: {  	_ =	shalt  }
tec
execute0_lowered:
.L_overlay_start_1:
0x0: {  	(tag) =	ssettag $0x1  }
0x1: {  	s2 =	rddreg [dreg:$0x0]  }
0x2: {  	s16 =	rddreg [dreg:$0x1];
	s1 =	stileid.u32  }
0x3: {  	s15 =	rddreg [dreg:$0x2];
	p0 =	seq.s32 s1, $0xF  }
.Ltmp0:
0x4: {  	s12 =	rddreg [dreg:$0x3];
	(pc) =	sbr.rel @!p0 .LBB2_1-.Ltmp0, $4  }
0x5: {  	s0 =	rddreg [dreg:$0x4];
	s3 =	simm.s32 $0x0;
	s14 =	smul.u32 $0x1880, s1  }
0x6: {  	[smem:$0x7FF] =	sst s3  }
0x7: {  	s8 =	sadd.s32 $0xA200, s2;
	s4 =	sadd.s32 $0xC00, s2;
	s5 =	sshrl.u32 s14, $0x3  }
0x8: {  	s7 =	sshll.u32 s1, $0x8;
	_ =	strace $0x80000047;
	s6 =	sadd.s32 s5, s2  }
0x9: {  	s5 =	sadd.s32 $0x2DF0, s8;
	s30 =	simm.s32 $0x2  }
0xa: {  	[tilespmem:s3], [sflag:$0x2] =	stream.linear.gather [hbm4b:s5+s3], $0x1720, $0x38;
	[tilespmem:$0x11C00] =	vst v63  }
0xb: {  	_ =	swait.ge [sflag:s30], $0x1720  }
0xc: {  	[sflag:s30] =	ssyncset.done $0x0  }
0xd: {  	s4 =	sadd.s32 $0x2DF0, s4;
	s31 =	simm.s32 $0x1880;
	[sflag:s30] =	ssyncadd.s32 $0xFFFFE8E0  }
0xe: {  	[tilespmem:s31], [sflag:$0x2] =	stream.linear.gather [hbm4b:s4+s3], $0x1720, $0x38;
	[tilespmem:$0x11C00] =	vst v63  }
0xf: {  	_ =	swait.ge [sflag:s30], $0x1720  }
0x10: {  	[sflag:s30] =	ssyncset.done $0x0  }
0x11: {  	v0 =	vimm.s32 $0x0;
	v1 =	vimm.f32 $0.0e+00;
	s3 =	simm.s32 $0x40;
	s4 =	simm.s32 $0x0;
	[sflag:s30] =	ssyncadd.s32 $0xFFFFE8E0  }
.LBB2_3:
0x12: {  	p0 =	sne.s32 s3, $0x540;
	[tilespmem:s4+$0x1720] =	vst v0;
	s5 =	smov.u32 s3;
	s3 =	sadd.s32 $0x40, s3  }
.Ltmp1:
0x13: {  	[tilespmem:s4+$0x2FA0] =	vst v1;
	(pc) =	sbr.rel @p0 .LBB2_3-.Ltmp1, $2  }
0x14: {  	_ =	sdelay $0x2  }
0x15: {  	s4 =	sshra.s32 s5, $0x2  }
.Ltmp2:
0x16: {  	(pc) =	sbr.rel .LBB2_5-.Ltmp2, $3  }
0x17: {  	_ =	sdelay $0x1  }
0x18: {  	[tilespmem:s4+$0x1720] =	vst v0  }
0x19: {  	[tilespmem:s4+$0x2FA0] =	vst v1  }
.LBB2_1:
0x1a: {  	s8 =	sadd.s32 s8, s5;
	s30 =	simm.s32 $0x2  }
0x1b: {  	[tilespmem:s3], [sflag:$0x2] =	stream.linear.gather [hbm4b:s8+s3], $0x1880, $0x38;
	[tilespmem:$0x11C00] =	vst v63  }
0x1c: {  	_ =	swait.ge [sflag:s30], $0x1880  }
0x1d: {  	[sflag:s30] =	ssyncset.done $0x0  }
0x1e: {  	s4 =	sadd.s32 s4, s5;
	s31 =	simm.s32 $0x1880;
	[sflag:s30] =	ssyncadd.s32 $0xFFFFE780  }
0x1f: {  	[tilespmem:s31], [sflag:$0x2] =	stream.linear.gather [hbm4b:s4+s3], $0x1880, $0x38;
	[tilespmem:$0x11C00] =	vst v63  }
0x20: {  	_ =	swait.ge [sflag:s30], $0x1880  }
0x21: {  	[sflag:s30] =	ssyncset.done $0x0  }
0x22: {  	[sflag:s30] =	ssyncadd.s32 $0xFFFFE780  }
.LBB2_5:
0x23: {  	v0 =	vimm.s32 $0x40000000;
	s19 =	simm.s32 $0x0  }
0x24: {  	s11 =	sadd.s32 $0x7000, s2;
	s10 =	sadd.s32 $0x3E00, s2;
	v1 =	vimm.f32 $-1.000000000e+00;
	[tilespmem:s19+$0x8100] =	vst v0  }
0x25: {  	s5 =	sadd.s32 $0x19C00, s2;
	s4 =	sadd.s32 $0x19E00, s2;
	s3 =	sadd.s32 $0x1A000, s2;
	[tilespmem:s19+$0x3100] =	vst v1  }
0x26: {  	s2 =	sadd.s32 $0x1A200, s2;
	s18 =	sadd.s32 s7, s16;
	s17 =	sadd.s32 s7, s15;
	v2 =	vimm.f32 $0.0e+00;
	[tilespmem:s19+$0x4100] =	vst v1  }
0x27: {  	s13 =	sadd.s32 s7, s12;
	s9 =	sadd.s32 $0xD400, s6;
	s8 =	sadd.s32 $0x10600, s6;
	[tilespmem:s19+$0x5100] =	vst v2  }
0x28: {  	s7 =	sadd.s32 $0x13800, s6;
	s6 =	sadd.s32 $0x16A00, s6;
	s20 =	simm.s32 $0x40;
	[tilespmem:s19+$0x6100] =	vst v2  }
.LBB2_6:
0x29: {  	p0 =	sne.s32 s20, $0x3FC0;
	[tilespmem:s19+$0x7100] =	vst v0;
	s19 =	sshra.s32 s20, $0x2;
	s20 =	sadd.s32 $0x40, s20  }
.Ltmp3:
0x2a: {  	[tilespmem:s19+$0x8100] =	vst v0;
	(pc) =	sbr.rel @p0 .LBB2_6-.Ltmp3, $4  }
0x2b: {  	[tilespmem:s19+$0x3100] =	vst v1  }
0x2c: {  	[tilespmem:s19+$0x4100] =	vst v1  }
0x2d: {  	[tilespmem:s19+$0x5100] =	vst v2  }
0x2e: {  	[tilespmem:s19+$0x6100] =	vst v2  }
0x2f: {  	[tilespmem:s19+$0x7100] =	vst v0;
	s20 =	simm.s32 $0x0  }
0x30: {  	v2 =	vld [tilespmem:s20+$0x0]  }
0x31: {  	v3 =	vld [tilespmem:s20+$0xC40]  }
0x32: {  	v0 =	vlaneseq.u32  }
0x33: {  	v0 =	vmul.u32 $0x100, v0;
	_ =	sdelay $0x1  }
0x34: {  	v1 =	vor.u32 $0x1000, v0;
	v4 =	vadd.s32 v0, v2  }
0x35: {  	v2 =	vadd.s32 v1, v3;
	_ =	sdelay $0x1  }
0x36: {  	v7 =	vld [tilespmem:s20+$0x24C0]  }
0x37: {  	s19 =	simm.s32 $0x3100;
	v3 =	vld [tilespmem:s20+$0x1880]  }
0x38: {  	v5 =	vld.idx.msk [tilespmem:v4+s19+$0x0], $0xffff  }
0x39: {  	v6 =	vld.idx.msk [tilespmem:v2+s19+$0x0], $0xffff;
	_ =	sdelay $0x3  }
0x3a: {  	v3 =	vmax.f32 v5, v3  }
0x3b: {  	[tilespmem:v4+s19+$0x0] =	vst.idx.msk $0xffff, v3;
	v3 =	vmax.f32 v6, v7  }
0x3c: {  	s20 =	simm.s32 $0x5100;
	[tilespmem:v2+s19+$0x0] =	vst.idx.msk $0xffff, v3  }
0x3d: {  	v3 =	vld.idx.msk [tilespmem:v4+s20+$0x0], $0xffff;
	_ =	sdelay $0x1  }
0x3e: {  	v5 =	vld.idx.msk [tilespmem:v2+s20+$0x0], $0xffff;
	_ =	sdelay $0x2  }
0x3f: {  	v63 =	vadd.f32 $1.000000000e+00, v3;
	_ =	sdelay $0x1  }
0x40: {  	s21 =	simm.s32 $0x40;
	s22 =	simm.s32 $0x80;
	v3 =	vadd.f32 $1.000000000e+00, v5;
	[tilespmem:v4+s20+$0x0] =	vst.idx.msk $0xffff, v63  }
.LBB2_8:
0x41: {  	p0 =	sne.s32 s22, $0x30C0  }
0x42: {  	s23 =	sshra.s32 s21, $0x2;
	[tilespmem:v2+s20+$0x0] =	vst.idx.msk $0xffff, v3;
	s21 =	smov.u32 s22;
	s22 =	sadd.s32 $0x40, s22  }
0x43: {  	v2 =	vld [tilespmem:s23+$0x0]  }
0x44: {  	v3 =	vld [tilespmem:s23+$0xC40];
	_ =	sdelay $0x3  }
0x45: {  	v4 =	vadd.s32 v0, v2  }
0x46: {  	v2 =	vadd.s32 v1, v3;
	_ =	sdelay $0x2  }
0x47: {  	v3 =	vld [tilespmem:s23+$0x1880]  }
0x48: {  	v5 =	vld.idx.msk [tilespmem:v4+s19+$0x0], $0xffff  }
0x49: {  	v6 =	vld.idx.msk [tilespmem:v2+s19+$0x0], $0xffff  }
0x4a: {  	v7 =	vld [tilespmem:s23+$0x24C0];
	_ =	sdelay $0x3  }
0x4b: {  	v3 =	vmax.f32 v5, v3  }
0x4c: {  	[tilespmem:v4+s19+$0x0] =	vst.idx.msk $0xffff, v3;
	v3 =	vmax.f32 v6, v7  }
0x4d: {  	[tilespmem:v2+s19+$0x0] =	vst.idx.msk $0xffff, v3  }
0x4e: {  	v3 =	vld.idx.msk [tilespmem:v4+s20+$0x0], $0xffff  }
0x4f: {  	v5 =	vld.idx.msk [tilespmem:v2+s20+$0x0], $0xffff;
	_ =	sdelay $0x2  }
.Ltmp4:
0x50: {  	(pc) =	sbr.rel @p0 .LBB2_8-.Ltmp4, $4  }
0x51: {  	_ = 	snop  }
0x52: {  	v6 =	vadd.f32 $1.000000000e+00, v3  }
0x53: {  	v3 =	vadd.f32 $1.000000000e+00, v5  }
0x54: {  	[tilespmem:v4+s20+$0x0] =	vst.idx.msk $0xffff, v6  }
0x55: {  	_ =	sdelay $0x3  }
0x56: {  	s21 =	sshra.s32 s21, $0x2;
	[tilespmem:v2+s20+$0x0] =	vst.idx.msk $0xffff, v3  }
0x57: {  	v2 =	vld [tilespmem:s21+$0x0]  }
0x58: {  	v3 =	vld [tilespmem:s21+$0xC40];
	_ =	sdelay $0x3  }
0x59: {  	v0 =	vadd.s32 v0, v2  }
0x5a: {  	v1 =	vadd.s32 v1, v3;
	_ =	sdelay $0x1  }
0x5b: {  	v5 =	vld [tilespmem:s21+$0x24C0]  }
0x5c: {  	v2 =	vld [tilespmem:s21+$0x1880]  }
0x5d: {  	v3 =	vld.idx.msk [tilespmem:v0+s19+$0x0], $0xffff  }
0x5e: {  	v4 =	vld.idx.msk [tilespmem:v1+s19+$0x0], $0xffff;
	_ =	sdelay $0x3  }
0x5f: {  	v2 =	vmax.f32 v3, v2  }
0x60: {  	[tilespmem:v0+s19+$0x0] =	vst.idx.msk $0xffff, v2;
	v2 =	vmax.f32 v4, v5  }
0x61: {  	[tilespmem:v1+s19+$0x0] =	vst.idx.msk $0xffff, v2  }
0x62: {  	v2 =	vld.idx.msk [tilespmem:v0+s20+$0x0], $0xffff  }
0x63: {  	v3 =	vld.idx.msk [tilespmem:v1+s20+$0x0], $0xffff;
	_ =	sdelay $0x3  }
0x64: {  	v2 =	vadd.f32 $1.000000000e+00, v2  }
0x65: {  	v3 =	vadd.f32 $1.000000000e+00, v3  }
0x66: {  	[tilespmem:v0+s20+$0x0] =	vst.idx.msk $0xffff, v2  }
0x67: {  	s19 =	simm.s32 $0x0;
	[tilespmem:v1+s20+$0x0] =	vst.idx.msk $0xffff, v3  }
0x68: {  	v0 =	vld [tilespmem:s19+$0x5100]  }
0x69: {  	v1 =	vld [tilespmem:s19+$0x5200]  }
0x6a: {  	v2 =	vld [tilespmem:s19+$0x3100]  }
0x6b: {  	v3 =	vld [tilespmem:s19+$0x5300]  }
0x6c: {  	v4 =	vld [tilespmem:s19+$0x3200]  }
0x6d: {  	v5 =	vld [tilespmem:s19+$0x5400]  }
0x6e: {  	v6 =	vld [tilespmem:s19+$0x5500];
	v0 =	vadd.f32 v1, v0  }
0x6f: {  	v7 =	vld [tilespmem:s19+$0x5600]  }
0x70: {  	v8 =	vld [tilespmem:s19+$0x5700];
	v0 =	vadd.f32 v3, v0  }
0x71: {  	v9 =	vld [tilespmem:s19+$0x5800]  }
0x72: {  	v10 =	vld [tilespmem:s19+$0x5900];
	v0 =	vadd.f32 v5, v0  }
0x73: {  	v11 =	vld [tilespmem:s19+$0x5A00]  }
0x74: {  	v48 =	vld [tilespmem:s19+$0x3900];
	v0 =	vadd.f32 v6, v0  }
0x75: {  	v12 =	vld [tilespmem:s19+$0x5B00]  }
0x76: {  	v49 =	vld [tilespmem:s19+$0x3A00];
	v0 =	vadd.f32 v7, v0  }
0x77: {  	v13 =	vld [tilespmem:s19+$0x5C00]  }
0x78: {  	v50 =	vld [tilespmem:s19+$0x3B00];
	v0 =	vadd.f32 v8, v0  }
0x79: {  	v14 =	vld [tilespmem:s19+$0x5D00]  }
0x7a: {  	v51 =	vld [tilespmem:s19+$0x3C00];
	v0 =	vadd.f32 v9, v0  }
0x7b: {  	v15 =	vld [tilespmem:s19+$0x5E00]  }
0x7c: {  	v52 =	vld [tilespmem:s19+$0x3D00];
	v0 =	vadd.f32 v10, v0  }
0x7d: {  	v16 =	vld [tilespmem:s19+$0x5F00]  }
0x7e: {  	v53 =	vld [tilespmem:s19+$0x3E00];
	v0 =	vadd.f32 v11, v0  }
0x7f: {  	v17 =	vld [tilespmem:s19+$0x6000]  }
0x80: {  	v54 =	vld [tilespmem:s19+$0x3F00];
	v0 =	vadd.f32 v12, v0  }
0x81: {  	v18 =	vld [tilespmem:s19+$0x6100]  }
0x82: {  	v55 =	vld [tilespmem:s19+$0x4000];
	v0 =	vadd.f32 v13, v0  }
0x83: {  	v19 =	vld [tilespmem:s19+$0x6200]  }
0x84: {  	v1 =	vld [tilespmem:s19+$0x3300];
	v0 =	vadd.f32 v14, v0  }
0x85: {  	v3 =	vld [tilespmem:s19+$0x3400]  }
0x86: {  	v5 =	vld [tilespmem:s19+$0x3500];
	v0 =	vadd.f32 v15, v0  }
0x87: {  	v6 =	vld [tilespmem:s19+$0x3600]  }
0x88: {  	v2 =	vmax.f32 v2, v4;
	v7 =	vld [tilespmem:s19+$0x3700];
	v0 =	vadd.f32 v16, v0  }
0x89: {  	v1 =	vmax.f32 v2, v1;
	v8 =	vld [tilespmem:s19+$0x3800]  }
0x8a: {  	v56 =	vld [tilespmem:s19+$0x4100];
	v1 =	vmax.f32 v1, v3;
	v0 =	vadd.f32 v17, v0  }
0x8b: {  	v20 =	vld [tilespmem:s19+$0x6300];
	v1 =	vmax.f32 v1, v5  }
0x8c: {  	v57 =	vld [tilespmem:s19+$0x4200];
	v1 =	vmax.f32 v1, v6;
	v0 =	vadd.f32 v18, v0  }
0x8d: {  	v4 =	vld [tilespmem:s19+$0x6400];
	v1 =	vmax.f32 v1, v7  }
0x8e: {  	v58 =	vld [tilespmem:s19+$0x6900];
	v1 =	vmax.f32 v1, v8;
	v0 =	vadd.f32 v19, v0  }
0x8f: {  	v3 =	vld [tilespmem:s19+$0x6500];
	v1 =	vmax.f32 v1, v48  }
0x90: {  	v59 =	vld [tilespmem:s19+$0x6A00];
	v1 =	vmax.f32 v1, v49;
	v0 =	vadd.f32 v20, v0  }
0x91: {  	v6 =	vld [tilespmem:s19+$0x6600];
	v1 =	vmax.f32 v1, v50  }
0x92: {  	v2 =	vld [tilespmem:s19+$0x4300];
	v1 =	vmax.f32 v1, v51;
	v0 =	vadd.f32 v4, v0  }
0x93: {  	v7 =	vld [tilespmem:s19+$0x6700];
	v1 =	vmax.f32 v1, v52  }
0x94: {  	v5 =	vld [tilespmem:s19+$0x4400];
	v1 =	vmax.f32 v1, v53;
	v0 =	vadd.f32 v3, v0  }
0x95: {  	v8 =	vld [tilespmem:s19+$0x6800];
	v1 =	vmax.f32 v1, v54  }
0x96: {  	v60 =	vld [tilespmem:s19+$0x6B00];
	v1 =	vmax.f32 v1, v55;
	v0 =	vadd.f32 v6, v0  }
0x97: {  	v61 =	vld [tilespmem:s19+$0x4A00];
	v1 =	vmax.f32 v1, v56  }
0x98: {  	v62 =	vld [tilespmem:s19+$0x6C00];
	v1 =	vmax.f32 v1, v57;
	v0 =	vadd.f32 v7, v0  }
0x99: {  	v63 =	vld [tilespmem:s19+$0x6E00];
	v1 =	vmax.f32 v1, v2  }
0x9a: {  	v1 =	vmax.f32 v1, v5;
	v5 =	vld [tilespmem:s19+$0x6D00];
	v0 =	vadd.f32 v8, v0  }
0x9b: {  	v4 =	vld [tilespmem:s19+$0x4500]  }
0x9c: {  	v3 =	vld [tilespmem:s19+$0x4600];
	v0 =	vadd.f32 v58, v0  }
0x9d: {  	v6 =	vld [tilespmem:s19+$0x4700]  }
0x9e: {  	v7 =	vld [tilespmem:s19+$0x4800];
	v0 =	vadd.f32 v59, v0  }
0x9f: {  	v8 =	vld [tilespmem:s19+$0x4900]  }
0xa0: {  	v2 =	vld [tilespmem:s19+$0x4B00];
	v1 =	vmax.f32 v1, v4;
	v0 =	vadd.f32 v60, v0  }
0xa1: {  	v4 =	vld [tilespmem:s19+$0x4C00];
	v1 =	vmax.f32 v1, v3  }
0xa2: {  	v1 =	vmax.f32 v1, v6;
	v6 =	vld [tilespmem:s19+$0x4D00];
	v0 =	vadd.f32 v62, v0  }
0xa3: {  	v1 =	vmax.f32 v1, v7;
	v7 =	vld [tilespmem:s19+$0x6F00]  }
0xa4: {  	v3 =	vmax.f32 v1, v8;
	v1 =	vld [tilespmem:s19+$0x4E00];
	v0 =	vadd.f32 v5, v0  }
0xa5: {  	v5 =	vmax.f32 v3, v61;
	v3 =	vld [tilespmem:s19+$0x7000]  }
0xa6: {  	v5 =	vmax.f32 v5, v2;
	v2 =	vld [tilespmem:s19+$0x4F00];
	v8 =	vadd.f32 v63, v0  }
0xa7: {  	s21 =	simm.s32 $0x10;
	v0 =	vmax.f32 v5, v4;
	v4 =	vld [tilespmem:s19+$0x5000]  }
0xa8: {  	s20 =	simm.s32 $0x80;
	v5 =	vmax.f32 v0, v6;
	v0 =	vld [tilespmem:s21+$0x5100];
	v6 =	vadd.f32 v7, v8  }
.LBB2_10:
0xa9: {  	p0 =	sne.s32 s20, $0x3C0;
	v7 =	vld [tilespmem:s21+$0x5200];
	v1 =	vmax.f32 v5, v1  }
0xaa: {  	v5 =	vld [tilespmem:s21+$0x3100];
	v3 =	vadd.f32 v3, v6  }
0xab: {  	v6 =	vld [tilespmem:s21+$0x5300];
	v1 =	vmax.f32 v1, v2  }
0xac: {  	v2 =	vld [tilespmem:s21+$0x3200];
	v1 =	vmax.f32 v1, v4;
	[tilespmem:s19+$0x9200] =	vst v3  }
0xad: {  	v3 =	vld [tilespmem:s21+$0x5400];
	[tilespmem:s19+$0x9100] =	vst v1;
	s19 =	smov.u32 s21  }
0xae: {  	v0 =	vadd.f32 v7, v0;
	v1 =	vld [tilespmem:s19+$0x3300]  }
0xaf: {  	v4 =	vld [tilespmem:s19+$0x5500]  }
0xb0: {  	v0 =	vadd.f32 v6, v0;
	v6 =	vld [tilespmem:s19+$0x3400]  }
0xb1: {  	v2 =	vmax.f32 v5, v2;
	v5 =	vld [tilespmem:s19+$0x5600]  }
0xb2: {  	v0 =	vadd.f32 v3, v0;
	v3 =	vld [tilespmem:s19+$0x3500]  }
0xb3: {  	v1 =	vmax.f32 v2, v1;
	v2 =	vld [tilespmem:s19+$0x5700]  }
0xb4: {  	v0 =	vadd.f32 v4, v0;
	v4 =	vld [tilespmem:s19+$0x3600]  }
0xb5: {  	v1 =	vmax.f32 v1, v6;
	v6 =	vld [tilespmem:s19+$0x5800]  }
0xb6: {  	v0 =	vadd.f32 v5, v0;
	v5 =	vld [tilespmem:s19+$0x3700]  }
0xb7: {  	v1 =	vmax.f32 v1, v3;
	v3 =	vld [tilespmem:s19+$0x5900]  }
0xb8: {  	v0 =	vadd.f32 v2, v0;
	v2 =	vld [tilespmem:s19+$0x3800]  }
0xb9: {  	v1 =	vmax.f32 v1, v4;
	v4 =	vld [tilespmem:s19+$0x5A00]  }
0xba: {  	v0 =	vadd.f32 v6, v0;
	v6 =	vld [tilespmem:s19+$0x3900]  }
0xbb: {  	v1 =	vmax.f32 v1, v5;
	v5 =	vld [tilespmem:s19+$0x5B00]  }
0xbc: {  	v0 =	vadd.f32 v3, v0;
	v3 =	vld [tilespmem:s19+$0x3A00]  }
0xbd: {  	v1 =	vmax.f32 v1, v2;
	v2 =	vld [tilespmem:s19+$0x5C00]  }
0xbe: {  	v0 =	vadd.f32 v4, v0;
	v4 =	vld [tilespmem:s19+$0x3B00]  }
0xbf: {  	v1 =	vmax.f32 v1, v6;
	v6 =	vld [tilespmem:s19+$0x5D00]  }
0xc0: {  	v0 =	vadd.f32 v5, v0;
	v5 =	vld [tilespmem:s19+$0x3C00]  }
0xc1: {  	v1 =	vmax.f32 v1, v3;
	v3 =	vld [tilespmem:s19+$0x5E00]  }
0xc2: {  	v0 =	vadd.f32 v2, v0;
	v2 =	vld [tilespmem:s19+$0x3D00]  }
0xc3: {  	v1 =	vmax.f32 v1, v4;
	v4 =	vld [tilespmem:s19+$0x5F00]  }
0xc4: {  	v0 =	vadd.f32 v6, v0;
	v6 =	vld [tilespmem:s19+$0x3E00]  }
0xc5: {  	v1 =	vmax.f32 v1, v5;
	v5 =	vld [tilespmem:s19+$0x6000]  }
0xc6: {  	v0 =	vadd.f32 v3, v0;
	v3 =	vld [tilespmem:s19+$0x3F00]  }
0xc7: {  	v1 =	vmax.f32 v1, v2;
	v2 =	vld [tilespmem:s19+$0x6100]  }
0xc8: {  	v0 =	vadd.f32 v4, v0;
	v4 =	vld [tilespmem:s19+$0x4000]  }
0xc9: {  	v1 =	vmax.f32 v1, v6;
	v6 =	vld [tilespmem:s19+$0x6200]  }
0xca: {  	v0 =	vadd.f32 v5, v0;
	v5 =	vld [tilespmem:s19+$0x4100]  }
0xcb: {  	v1 =	vmax.f32 v1, v3;
	v3 =	vld [tilespmem:s19+$0x6300]  }
0xcc: {  	v0 =	vadd.f32 v2, v0;
	v2 =	vld [tilespmem:s19+$0x4200]  }
0xcd: {  	v1 =	vmax.f32 v1, v4;
	v4 =	vld [tilespmem:s19+$0x6400]  }
0xce: {  	v0 =	vadd.f32 v6, v0;
	v6 =	vld [tilespmem:s19+$0x4300]  }
0xcf: {  	v1 =	vmax.f32 v1, v5;
	v5 =	vld [tilespmem:s19+$0x6500]  }
0xd0: {  	v0 =	vadd.f32 v3, v0;
	v3 =	vld [tilespmem:s19+$0x4400]  }
0xd1: {  	v1 =	vmax.f32 v1, v2;
	v2 =	vld [tilespmem:s19+$0x6600]  }
0xd2: {  	v0 =	vadd.f32 v4, v0;
	v4 =	vld [tilespmem:s19+$0x4500]  }
0xd3: {  	v1 =	vmax.f32 v1, v6;
	v6 =	vld [tilespmem:s19+$0x6700]  }
0xd4: {  	v0 =	vadd.f32 v5, v0;
	v5 =	vld [tilespmem:s19+$0x4600]  }
0xd5: {  	v1 =	vmax.f32 v1, v3;
	v3 =	vld [tilespmem:s19+$0x6800]  }
0xd6: {  	v0 =	vadd.f32 v2, v0;
	v2 =	vld [tilespmem:s19+$0x4700]  }
0xd7: {  	v1 =	vmax.f32 v1, v4;
	v4 =	vld [tilespmem:s19+$0x6900]  }
0xd8: {  	v0 =	vadd.f32 v6, v0;
	v6 =	vld [tilespmem:s19+$0x4800]  }
0xd9: {  	v1 =	vmax.f32 v1, v5;
	v5 =	vld [tilespmem:s19+$0x6A00]  }
0xda: {  	v0 =	vadd.f32 v3, v0;
	v3 =	vld [tilespmem:s19+$0x4900]  }
0xdb: {  	v1 =	vmax.f32 v1, v2;
	v2 =	vld [tilespmem:s19+$0x6B00]  }
0xdc: {  	v0 =	vadd.f32 v4, v0;
	v4 =	vld [tilespmem:s19+$0x4A00]  }
0xdd: {  	v1 =	vmax.f32 v1, v6;
	v6 =	vld [tilespmem:s19+$0x6C00]  }
0xde: {  	v0 =	vadd.f32 v5, v0;
	v5 =	vld [tilespmem:s19+$0x4B00]  }
0xdf: {  	v1 =	vmax.f32 v1, v3;
	v3 =	vld [tilespmem:s19+$0x6D00]  }
0xe0: {  	v0 =	vadd.f32 v2, v0;
	v2 =	vld [tilespmem:s19+$0x4C00]  }
0xe1: {  	v1 =	vmax.f32 v1, v4;
	v4 =	vld [tilespmem:s19+$0x6E00]  }
0xe2: {  	v0 =	vadd.f32 v6, v0;
	v6 =	vld [tilespmem:s19+$0x4D00]  }
0xe3: {  	v5 =	vmax.f32 v1, v5;
	v7 =	vld [tilespmem:s19+$0x6F00]  }
.Ltmp5:
0xe4: {  	v0 =	vadd.f32 v3, v0;
	v1 =	vld [tilespmem:s19+$0x4E00];
	(pc) =	sbr.rel @p0 .LBB2_10-.Ltmp5, $4  }
0xe5: {  	v5 =	vmax.f32 v5, v2;
	v3 =	vld [tilespmem:s19+$0x7000]  }
0xe6: {  	v8 =	vadd.f32 v4, v0;
	v2 =	vld [tilespmem:s19+$0x4F00]  }
0xe7: {  	s21 =	sshra.s32 s20, $0x2;
	v5 =	vmax.f32 v5, v6;
	v4 =	vld [tilespmem:s19+$0x5000]  }
0xe8: {  	s20 =	sadd.s32 $0x40, s20;
	v0 =	vld [tilespmem:s21+$0x5100];
	v6 =	vadd.f32 v7, v8  }
0xe9: {  	v7 =	vld [tilespmem:s21+$0x5200]  }
0xea: {  	v8 =	vld [tilespmem:s21+$0x3100];
	v1 =	vmax.f32 v5, v1;
	v3 =	vadd.f32 v3, v6  }
0xeb: {  	v61 =	vld [tilespmem:s21+$0x5300];
	v1 =	vmax.f32 v1, v2  }
0xec: {  	v62 =	vld [tilespmem:s21+$0x3200];
	[tilespmem:s19+$0x9200] =	vst v3;
	v1 =	vmax.f32 v1, v4  }
0xed: {  	v2 =	vld [tilespmem:s21+$0x5400];
	[tilespmem:s19+$0x9100] =	vst v1  }
0xee: {  	v0 =	vadd.f32 v7, v0;
	v1 =	vld [tilespmem:s21+$0x3300]  }
0xef: {  	v3 =	vld [tilespmem:s21+$0x5500]  }
0xf0: {  	v63 =	vld [tilespmem:s21+$0x3400];
	v0 =	vadd.f32 v61, v0  }
0xf1: {  	v24 =	vld [tilespmem:s21+$0x5600]  }
0xf2: {  	v25 =	vld [tilespmem:s21+$0x5700];
	v0 =	vadd.f32 v2, v0  }
0xf3: {  	v9 =	vld [tilespmem:s21+$0x5800]  }
0xf4: {  	v26 =	vld [tilespmem:s21+$0x3700];
	v0 =	vadd.f32 v3, v0  }
0xf5: {  	v10 =	vld [tilespmem:s21+$0x5900]  }
0xf6: {  	v27 =	vld [tilespmem:s21+$0x3800];
	v0 =	vadd.f32 v24, v0  }
0xf7: {  	v11 =	vld [tilespmem:s21+$0x5A00]  }
0xf8: {  	v28 =	vld [tilespmem:s21+$0x3900];
	v0 =	vadd.f32 v25, v0  }
0xf9: {  	v12 =	vld [tilespmem:s21+$0x5B00]  }
0xfa: {  	v29 =	vld [tilespmem:s21+$0x3A00];
	v0 =	vadd.f32 v9, v0  }
0xfb: {  	v13 =	vld [tilespmem:s21+$0x5C00]  }
0xfc: {  	v30 =	vld [tilespmem:s21+$0x3B00];
	v0 =	vadd.f32 v10, v0  }
0xfd: {  	v14 =	vld [tilespmem:s21+$0x5D00]  }
0xfe: {  	v31 =	vld [tilespmem:s21+$0x3C00];
	v0 =	vadd.f32 v11, v0  }
0xff: {  	v15 =	vld [tilespmem:s21+$0x5E00]  }
0x100: {  	v32 =	vld [tilespmem:s21+$0x3D00];
	v0 =	vadd.f32 v12, v0  }
0x101: {  	v16 =	vld [tilespmem:s21+$0x5F00]  }
0x102: {  	v33 =	vld [tilespmem:s21+$0x3E00];
	v0 =	vadd.f32 v13, v0  }
0x103: {  	v17 =	vld [tilespmem:s21+$0x6000]  }
0x104: {  	v34 =	vld [tilespmem:s21+$0x3F00];
	v0 =	vadd.f32 v14, v0  }
0x105: {  	v18 =	vld [tilespmem:s21+$0x6100]  }
0x106: {  	v35 =	vld [tilespmem:s21+$0x4000];
	v0 =	vadd.f32 v15, v0  }
0x107: {  	v19 =	vld [tilespmem:s21+$0x6200]  }
0x108: {  	v36 =	vld [tilespmem:s21+$0x4100];
	v0 =	vadd.f32 v16, v0  }
0x109: {  	v20 =	vld [tilespmem:s21+$0x6300]  }
0x10a: {  	v37 =	vld [tilespmem:s21+$0x4200];
	v0 =	vadd.f32 v17, v0  }
0x10b: {  	v21 =	vld [tilespmem:s21+$0x6400]  }
0x10c: {  	v2 =	vld [tilespmem:s21+$0x3500];
	v0 =	vadd.f32 v18, v0  }
0x10d: {  	v3 =	vld [tilespmem:s21+$0x3600]  }
0x10e: {  	v5 =	vmax.f32 v8, v62;
	v38 =	vld [tilespmem:s21+$0x4300];
	v0 =	vadd.f32 v19, v0  }
0x10f: {  	v39 =	vld [tilespmem:s21+$0x6500];
	v1 =	vmax.f32 v5, v1  }
0x110: {  	v40 =	vld [tilespmem:s21+$0x4400];
	v1 =	vmax.f32 v1, v63;
	v0 =	vadd.f32 v20, v0  }
0x111: {  	v1 =	vmax.f32 v1, v2;
	v2 =	vld [tilespmem:s21+$0x6600]  }
0x112: {  	v41 =	vld [tilespmem:s21+$0x6700];
	v1 =	vmax.f32 v1, v3;
	v0 =	vadd.f32 v21, v0  }
0x113: {  	v42 =	vld [tilespmem:s21+$0x4600];
	v1 =	vmax.f32 v1, v26  }
0x114: {  	v43 =	vld [tilespmem:s21+$0x6800];
	v1 =	vmax.f32 v1, v27;
	v0 =	vadd.f32 v39, v0  }
0x115: {  	v44 =	vld [tilespmem:s21+$0x6900];
	v1 =	vmax.f32 v1, v28  }
0x116: {  	v45 =	vld [tilespmem:s21+$0x4800];
	v1 =	vmax.f32 v1, v29;
	v0 =	vadd.f32 v2, v0  }
0x117: {  	v46 =	vld [tilespmem:s21+$0x6A00];
	v1 =	vmax.f32 v1, v30  }
0x118: {  	v47 =	vld [tilespmem:s21+$0x4900];
	v1 =	vmax.f32 v1, v31;
	v0 =	vadd.f32 v41, v0  }
0x119: {  	v48 =	vld [tilespmem:s21+$0x6B00];
	v1 =	vmax.f32 v1, v32  }
0x11a: {  	v49 =	vld [tilespmem:s21+$0x4A00];
	v1 =	vmax.f32 v1, v33;
	v0 =	vadd.f32 v43, v0  }
0x11b: {  	v50 =	vld [tilespmem:s21+$0x6C00];
	v1 =	vmax.f32 v1, v34  }
0x11c: {  	v3 =	vld [tilespmem:s21+$0x4500];
	v1 =	vmax.f32 v1, v35;
	v0 =	vadd.f32 v44, v0  }
0x11d: {  	v51 =	vld [tilespmem:s21+$0x4B00];
	v1 =	vmax.f32 v1, v36  }
0x11e: {  	v1 =	vmax.f32 v1, v37;
	v2 =	vld [tilespmem:s21+$0x4700];
	v0 =	vadd.f32 v46, v0  }
0x11f: {  	v52 =	vld [tilespmem:s21+$0x6D00];
	v1 =	vmax.f32 v1, v38  }
0x120: {  	v53 =	vld [tilespmem:s21+$0x4C00];
	v1 =	vmax.f32 v1, v40;
	v0 =	vadd.f32 v48, v0  }
0x121: {  	v1 =	vmax.f32 v1, v3;
	v3 =	vld [tilespmem:s21+$0x6E00]  }
0x122: {  	v54 =	vld [tilespmem:s21+$0x4D00];
	v1 =	vmax.f32 v1, v42;
	v0 =	vadd.f32 v50, v0  }
0x123: {  	v1 =	vmax.f32 v1, v2;
	v2 =	vld [tilespmem:s21+$0x6F00]  }
0x124: {  	v55 =	vld [tilespmem:s21+$0x4E00];
	v1 =	vmax.f32 v1, v45;
	v0 =	vadd.f32 v52, v0  }
0x125: {  	v56 =	vld [tilespmem:s21+$0x7000];
	v1 =	vmax.f32 v1, v47  }
0x126: {  	v1 =	vmax.f32 v1, v49;
	v0 =	vadd.f32 v3, v0;
	v3 =	vld [tilespmem:s21+$0x4F00]  }
0x127: {  	v57 =	vld [tilespmem:s21+$0x5000];
	v1 =	vmax.f32 v1, v51  }
0x128: {  	v1 =	vmax.f32 v1, v53;
	v0 =	vadd.f32 v2, v0  }
0x129: {  	v1 =	vmax.f32 v1, v54  }
0x12a: {  	v1 =	vmax.f32 v1, v55;
	v0 =	vadd.f32 v56, v0  }
0x12b: {  	v1 =	vmax.f32 v1, v3  }
0x12c: {  	v1 =	vmax.f32 v1, v57;
	[tilespmem:s21+$0x9200] =	vst v0  }
0x12d: {  	s28 =	simm.s32 $0x2;
	s19 =	simm.s32 $0x9100;
	[tilespmem:s21+$0x9100] =	vst v1  }
0x12e: {  	[spmem:s18] =	stream.linear.scatter [tilespmem:s19], [sflag:$0x2], $0x100, $0x38;
	[tilespmem:$0x11C00] =	vst v63  }
0x12f: {  	_ =	swait.ge [sflag:s28], $0x100  }
0x130: {  	[sflag:s28] =	ssyncset.done $0x0  }
0x131: {  	s20 =	simm.s32 $0x9200;
	[sflag:s28] =	ssyncadd.s32 $0xFFFFFF00  }
0x132: {  	[spmem:s17] =	stream.linear.scatter [tilespmem:s20], [sflag:$0x2], $0x100, $0x38;
	[tilespmem:$0x11C00] =	vst v63  }
0x133: {  	_ =	swait.ge [sflag:s28], $0x100  }
0x134: {  	[sflag:s28] =	ssyncset.done $0x0  }
0x135: {  	[sflag:s28] =	ssyncadd.s32 $0xFFFFFF00  }
0x136: {  	s29 =	simm.s32 $0x9700;
	[bflag:$0x0] =	sbarrier.arrive $0xFFFF  }
0x137: {  	[tilespmem:s29], [sflag:$0x2] =	stream.linear.gather [spmem:s16], $0x1000, $0x38;
	[tilespmem:$0x11C00] =	vst v63  }
0x138: {  	_ =	swait.ge [sflag:s28], $0x1000  }
0x139: {  	s30 =	simm.s32 $0x0;
	[sflag:s28] =	ssyncset.done $0x0  }
0x13a: {  	s16 =	sand.u32 $0xF0, s30;
	[sflag:s28] =	ssyncadd.s32 $0xFFFFF000  }
0x13b: {  	v0 =	vld [tilespmem:s16+$0x9800]  }
0x13c: {  	v1 =	vld [tilespmem:s29+$0x0]  }
0x13d: {  	v2 =	vld [tilespmem:s16+$0x9900]  }
0x13e: {  	v3 =	vld [tilespmem:s16+$0x9A00]  }
0x13f: {  	v58 =	vld [tilespmem:s16+$0x9B00]  }
0x140: {  	v59 =	vld [tilespmem:s16+$0x9C00]  }
0x141: {  	v0 =	vmax.f32 v1, v0;
	v1 =	vld [tilespmem:s16+$0x9D00]  }
0x142: {  	v0 =	vmax.f32 v0, v2;
	v2 =	vld [tilespmem:s16+$0x9E00]  }
0x143: {  	v0 =	vmax.f32 v0, v3;
	v3 =	vld [tilespmem:s16+$0x9F00]  }
0x144: {  	v60 =	vld [tilespmem:s16+$0xA000];
	v0 =	vmax.f32 v0, v58  }
0x145: {  	v61 =	vld [tilespmem:s16+$0xA100];
	v0 =	vmax.f32 v0, v59  }
0x146: {  	v0 =	vmax.f32 v0, v1;
	v1 =	vld [tilespmem:s16+$0xA200]  }
0x147: {  	v0 =	vmax.f32 v0, v2;
	v2 =	vld [tilespmem:s16+$0xA300]  }
0x148: {  	v0 =	vmax.f32 v0, v3;
	v3 =	vld [tilespmem:s16+$0xA400]  }
0x149: {  	v62 =	vld [tilespmem:s16+$0xA500];
	v0 =	vmax.f32 v0, v60  }
0x14a: {  	v63 =	vld [tilespmem:s16+$0xA600];
	v0 =	vmax.f32 v0, v61  }
0x14b: {  	v0 =	vmax.f32 v0, v1  }
0x14c: {  	v0 =	vmax.f32 v0, v2  }
0x14d: {  	v0 =	vmax.f32 v0, v3  }
0x14e: {  	v0 =	vmax.f32 v0, v62  }
0x14f: {  	s31 =	simm.s32 $0x10;
	v0 =	vmax.f32 v0, v63  }
0x150: {  	s16 =	sand.u32 $0xF0, s31;
	[tilespmem:s19+$0x0] =	vst v0  }
0x151: {  	s18 =	simm.s32 $0x20;
	s17 =	simm.s32 $0x9710;
	v0 =	vld [tilespmem:s16+$0x9800]  }
.LBB2_12:
0x152: {  	p0 =	sne.s32 s18, $0xF0;
	v1 =	vld [tilespmem:s17+$0x0]  }
0x153: {  	v2 =	vld [tilespmem:s16+$0x9900]  }
0x154: {  	v3 =	vld [tilespmem:s16+$0x9A00]  }
0x155: {  	v4 =	vld [tilespmem:s16+$0x9B00]  }
0x156: {  	v5 =	vld [tilespmem:s16+$0x9C00]  }
0x157: {  	v0 =	vmax.f32 v1, v0;
	v1 =	vld [tilespmem:s16+$0x9D00]  }
0x158: {  	v0 =	vmax.f32 v0, v2;
	v2 =	vld [tilespmem:s16+$0x9E00]  }
0x159: {  	v0 =	vmax.f32 v0, v3;
	v3 =	vld [tilespmem:s16+$0x9F00]  }
0x15a: {  	v0 =	vmax.f32 v0, v4;
	v4 =	vld [tilespmem:s16+$0xA000]  }
0x15b: {  	v0 =	vmax.f32 v0, v5;
	v5 =	vld [tilespmem:s16+$0xA100]  }
0x15c: {  	v0 =	vmax.f32 v0, v1;
	v1 =	vld [tilespmem:s16+$0xA200]  }
0x15d: {  	v0 =	vmax.f32 v0, v2;
	v2 =	vld [tilespmem:s16+$0xA300]  }
0x15e: {  	v0 =	vmax.f32 v0, v3;
	v3 =	vld [tilespmem:s16+$0xA400]  }
0x15f: {  	v0 =	vmax.f32 v0, v4;
	v4 =	vld [tilespmem:s16+$0xA500]  }
0x160: {  	v0 =	vmax.f32 v0, v5;
	v5 =	vld [tilespmem:s16+$0xA600]  }
0x161: {  	v0 =	vmax.f32 v0, v1  }
0x162: {  	v0 =	vmax.f32 v0, v2  }
.Ltmp6:
0x163: {  	v0 =	vmax.f32 v0, v3;
	(pc) =	sbr.rel @p0 .LBB2_12-.Ltmp6, $4  }
0x164: {  	v0 =	vmax.f32 v0, v4  }
0x165: {  	s19 =	sadd.s32 $0x10, s19;
	v0 =	vmax.f32 v0, v5  }
0x166: {  	s16 =	sand.u32 $0xF0, s18;
	[tilespmem:s19+$0x0] =	vst v0  }
0x167: {  	s17 =	sadd.s32 $0x10, s17;
	s18 =	sadd.s32 $0x10, s18;
	v0 =	vld [tilespmem:s16+$0x9800]  }
0x168: {  	v1 =	vld [tilespmem:s17+$0x0]  }
0x169: {  	v2 =	vld [tilespmem:s16+$0x9900]  }
0x16a: {  	v3 =	vld [tilespmem:s16+$0x9A00]  }
0x16b: {  	v4 =	vld [tilespmem:s16+$0x9B00]  }
0x16c: {  	v5 =	vld [tilespmem:s16+$0x9C00]  }
0x16d: {  	v0 =	vmax.f32 v1, v0;
	v1 =	vld [tilespmem:s16+$0x9D00]  }
0x16e: {  	v0 =	vmax.f32 v0, v2;
	v2 =	vld [tilespmem:s16+$0x9E00]  }
0x16f: {  	v0 =	vmax.f32 v0, v3;
	v3 =	vld [tilespmem:s16+$0x9F00]  }
0x170: {  	v60 =	vld [tilespmem:s16+$0xA000];
	v0 =	vmax.f32 v0, v4  }
0x171: {  	v61 =	vld [tilespmem:s16+$0xA100];
	v0 =	vmax.f32 v0, v5  }
0x172: {  	v0 =	vmax.f32 v0, v1;
	v1 =	vld [tilespmem:s16+$0xA200]  }
0x173: {  	v0 =	vmax.f32 v0, v2;
	v2 =	vld [tilespmem:s16+$0xA300]  }
0x174: {  	v0 =	vmax.f32 v0, v3;
	v3 =	vld [tilespmem:s16+$0xA400]  }
0x175: {  	v62 =	vld [tilespmem:s16+$0xA500];
	v0 =	vmax.f32 v0, v60  }
0x176: {  	v63 =	vld [tilespmem:s16+$0xA600];
	v0 =	vmax.f32 v0, v61  }
0x177: {  	v0 =	vmax.f32 v0, v1  }
0x178: {  	v0 =	vmax.f32 v0, v2  }
0x179: {  	v0 =	vmax.f32 v0, v3  }
0x17a: {  	v0 =	vmax.f32 v0, v62  }
0x17b: {  	s25 =	sadd.s32 $0x10, s19;
	v0 =	vmax.f32 v0, v63  }
0x17c: {  	s26 =	simm.s32 $0x9700;
	s28 =	simm.s32 $0x2;
	[tilespmem:s25+$0x0] =	vst v0  }
0x17d: {  	[tilespmem:s26], [sflag:$0x2] =	stream.linear.gather [spmem:s15], $0x1000, $0x38;
	[tilespmem:$0x11C00] =	vst v63  }
0x17e: {  	_ =	swait.ge [sflag:s28], $0x1000  }
0x17f: {  	s29 =	simm.s32 $0x0;
	[sflag:s28] =	ssyncset.done $0x0  }
0x180: {  	s30 =	sand.u32 $0xF0, s29;
	[sflag:s28] =	ssyncadd.s32 $0xFFFFF000  }
0x181: {  	v0 =	vld [tilespmem:s30+$0x9800]  }
0x182: {  	v1 =	vld [tilespmem:s26+$0x0];
	_ =	sdelay $0x1  }
0x183: {  	v2 =	vld [tilespmem:s30+$0x9900];
	_ =	sdelay $0x1  }
0x184: {  	v3 =	vld [tilespmem:s30+$0x9A00]  }
0x185: {  	v0 =	vadd.f32 v0, v1  }
0x186: {  	v1 =	vld [tilespmem:s30+$0x9B00]  }
0x187: {  	v0 =	vadd.f32 v2, v0  }
0x188: {  	v2 =	vld [tilespmem:s30+$0x9C00]  }
0x189: {  	v0 =	vadd.f32 v3, v0  }
0x18a: {  	v3 =	vld [tilespmem:s30+$0x9D00]  }
0x18b: {  	v0 =	vadd.f32 v1, v0  }
0x18c: {  	v1 =	vld [tilespmem:s30+$0x9E00]  }
0x18d: {  	v0 =	vadd.f32 v2, v0  }
0x18e: {  	v2 =	vld [tilespmem:s30+$0x9F00]  }
0x18f: {  	v0 =	vadd.f32 v3, v0  }
0x190: {  	v3 =	vld [tilespmem:s30+$0xA000]  }
0x191: {  	v0 =	vadd.f32 v1, v0  }
0x192: {  	v1 =	vld [tilespmem:s30+$0xA100]  }
0x193: {  	v0 =	vadd.f32 v2, v0  }
0x194: {  	v2 =	vld [tilespmem:s30+$0xA200]  }
0x195: {  	v0 =	vadd.f32 v3, v0  }
0x196: {  	v3 =	vld [tilespmem:s30+$0xA300]  }
0x197: {  	v0 =	vadd.f32 v1, v0  }
0x198: {  	v1 =	vld [tilespmem:s30+$0xA400]  }
0x199: {  	v0 =	vadd.f32 v2, v0  }
0x19a: {  	v2 =	vld [tilespmem:s30+$0xA500]  }
0x19b: {  	v0 =	vadd.f32 v3, v0  }
0x19c: {  	v3 =	vld [tilespmem:s30+$0xA600]  }
0x19d: {  	v0 =	vadd.f32 v1, v0;
	_ =	sdelay $0x1  }
0x19e: {  	v0 =	vadd.f32 v2, v0;
	_ =	sdelay $0x1  }
0x19f: {  	v0 =	vadd.f32 v3, v0  }
0x1a0: {  	s31 =	simm.s32 $0x10;
	s15 =	simm.s32 $0x9200  }
0x1a1: {  	s16 =	sand.u32 $0xF0, s31;
	[tilespmem:s15+$0x0] =	vst v0  }
0x1a2: {  	s18 =	simm.s32 $0x20;
	s17 =	simm.s32 $0x9710;
	v0 =	vld [tilespmem:s16+$0x9800]  }
.LBB2_14:
0x1a3: {  	p0 =	sne.s32 s18, $0xF0;
	v1 =	vld [tilespmem:s17+$0x0];
	_ =	sdelay $0x1  }
0x1a4: {  	v2 =	vld [tilespmem:s16+$0x9900];
	_ =	sdelay $0x1  }
0x1a5: {  	v3 =	vld [tilespmem:s16+$0x9A00]  }
0x1a6: {  	v0 =	vadd.f32 v0, v1  }
0x1a7: {  	v1 =	vld [tilespmem:s16+$0x9B00]  }
0x1a8: {  	v0 =	vadd.f32 v2, v0  }
0x1a9: {  	v2 =	vld [tilespmem:s16+$0x9C00]  }
0x1aa: {  	v0 =	vadd.f32 v3, v0  }
0x1ab: {  	v3 =	vld [tilespmem:s16+$0x9D00]  }
0x1ac: {  	v0 =	vadd.f32 v1, v0  }
0x1ad: {  	v1 =	vld [tilespmem:s16+$0x9E00]  }
0x1ae: {  	v0 =	vadd.f32 v2, v0  }
0x1af: {  	v2 =	vld [tilespmem:s16+$0x9F00]  }
0x1b0: {  	v0 =	vadd.f32 v3, v0  }
0x1b1: {  	v3 =	vld [tilespmem:s16+$0xA000]  }
0x1b2: {  	v0 =	vadd.f32 v1, v0  }
0x1b3: {  	v1 =	vld [tilespmem:s16+$0xA100]  }
0x1b4: {  	v0 =	vadd.f32 v2, v0  }
0x1b5: {  	v2 =	vld [tilespmem:s16+$0xA200]  }
0x1b6: {  	v0 =	vadd.f32 v3, v0  }
0x1b7: {  	v3 =	vld [tilespmem:s16+$0xA300]  }
0x1b8: {  	v0 =	vadd.f32 v1, v0  }
0x1b9: {  	v1 =	vld [tilespmem:s16+$0xA400]  }
0x1ba: {  	v0 =	vadd.f32 v2, v0  }
0x1bb: {  	v2 =	vld [tilespmem:s16+$0xA500]  }
0x1bc: {  	v0 =	vadd.f32 v3, v0  }
0x1bd: {  	v3 =	vld [tilespmem:s16+$0xA600]  }
0x1be: {  	v0 =	vadd.f32 v1, v0;
	_ =	sdelay $0x1  }
0x1bf: {  	v0 =	vadd.f32 v2, v0  }
.Ltmp7:
0x1c0: {  	(pc) =	sbr.rel @p0 .LBB2_14-.Ltmp7, $4  }
0x1c1: {  	v0 =	vadd.f32 v3, v0  }
0x1c2: {  	s15 =	sadd.s32 $0x10, s15  }
0x1c3: {  	s16 =	sand.u32 $0xF0, s18;
	[tilespmem:s15+$0x0] =	vst v0  }
0x1c4: {  	s17 =	sadd.s32 $0x10, s17;
	s18 =	sadd.s32 $0x10, s18;
	v0 =	vld [tilespmem:s16+$0x9800]  }
0x1c5: {  	v1 =	vld [tilespmem:s17+$0x0];
	_ =	sdelay $0x1  }
0x1c6: {  	v2 =	vld [tilespmem:s16+$0x9900];
	_ =	sdelay $0x1  }
0x1c7: {  	v3 =	vld [tilespmem:s16+$0x9A00]  }
0x1c8: {  	v0 =	vadd.f32 v0, v1  }
0x1c9: {  	v1 =	vld [tilespmem:s16+$0x9B00]  }
0x1ca: {  	v0 =	vadd.f32 v2, v0  }
0x1cb: {  	v2 =	vld [tilespmem:s16+$0x9C00]  }
0x1cc: {  	v0 =	vadd.f32 v3, v0  }
0x1cd: {  	v3 =	vld [tilespmem:s16+$0x9D00]  }
0x1ce: {  	v0 =	vadd.f32 v1, v0  }
0x1cf: {  	v1 =	vld [tilespmem:s16+$0x9E00]  }
0x1d0: {  	v0 =	vadd.f32 v2, v0  }
0x1d1: {  	v2 =	vld [tilespmem:s16+$0x9F00]  }
0x1d2: {  	v0 =	vadd.f32 v3, v0  }
0x1d3: {  	v3 =	vld [tilespmem:s16+$0xA000]  }
0x1d4: {  	v0 =	vadd.f32 v1, v0  }
0x1d5: {  	v1 =	vld [tilespmem:s16+$0xA100]  }
0x1d6: {  	v0 =	vadd.f32 v2, v0  }
0x1d7: {  	v2 =	vld [tilespmem:s16+$0xA200]  }
0x1d8: {  	v0 =	vadd.f32 v3, v0  }
0x1d9: {  	v3 =	vld [tilespmem:s16+$0xA300]  }
0x1da: {  	v0 =	vadd.f32 v1, v0  }
0x1db: {  	v1 =	vld [tilespmem:s16+$0xA400]  }
0x1dc: {  	v0 =	vadd.f32 v2, v0  }
0x1dd: {  	v2 =	vld [tilespmem:s16+$0xA500]  }
0x1de: {  	v0 =	vadd.f32 v3, v0  }
0x1df: {  	v3 =	vld [tilespmem:s16+$0xA600]  }
0x1e0: {  	v0 =	vadd.f32 v1, v0;
	_ =	sdelay $0x1  }
0x1e1: {  	v1 =	vadd.f32 v2, v0  }
0x1e2: {  	v0 =	vlaneseq.u32  }
0x1e3: {  	v2 =	vadd.f32 v3, v1;
	v1 =	vmul.u32 $0x100, v0  }
0x1e4: {  	s15 =	sadd.s32 $0x10, s15  }
0x1e5: {  	s17 =	simm.s32 $0x0;
	s16 =	simm.s32 $0x9100;
	[tilespmem:s15+$0x0] =	vst v2;
	s15 =	simm.s32 $0x0;
	v2 =	vor.u32 $0x1000, v1  }
.LBB2_16:
0x1e6: {  	s18 =	sshra.s32 s17, $0x2  }
0x1e7: {  	v3 =	vld [tilespmem:s18+$0x0]  }
0x1e8: {  	v4 =	vld [tilespmem:s18+$0xC40];
	_ =	sdelay $0x3  }
0x1e9: {  	v5 =	vadd.s32 v1, v3  }
0x1ea: {  	v6 =	vadd.s32 v2, v4  }
0x1eb: {  	v7 =	vld [tilespmem:s18+$0x1880]  }
0x1ec: {  	v8 =	vld [tilespmem:s18+$0x24C0]  }
0x1ed: {  	s18 =	simm.s32 $0x7100;
	v3 =	vld.idx.msk [tilespmem:v3+s16+$0x0], $0xffff  }
0x1ee: {  	v9 =	vld.idx.msk [tilespmem:v5+s18+$0x0], $0xffff  }
0x1ef: {  	v10 =	vld.idx.msk [tilespmem:v6+s18+$0x0], $0xffff  }
0x1f0: {  	v4 =	vld.idx.msk [tilespmem:v4+s16+$0x0], $0xffff;
	_ =	sdelay $0x1  }
0x1f1: {  	v11 =	vor.u32 s14, v0;
	s19 =	sadd.s32 $0xC40, s14;
	p0 =	sne.s32 s17, $0x30C0  }
.Ltmp8:
0x1f2: {  	v12 =	vor.u32 s19, v0;
	vm0 =	vlt.s32 v9, v11;
	(pc) =	sbr.rel @p0 .LBB2_16-.Ltmp8, $4  }
0x1f3: {  	vm1 =	veq.f32 v7, v3;
	vm14 =	vlt.s32 v10, v12;
	v3 =	vsel vm0, v9, v11  }
0x1f4: {  	vm15 =	veq.f32 v8, v4;
	v63 =	vsel vm14, v10, v12;
	v3 =	vsel vm1, v3, v9  }
0x1f5: {  	v4 =	vsel vm15, v63, v10;
	[tilespmem:v5+s18+$0x0] =	vst.idx.msk $0xffff, v3  }
0x1f6: {  	s14 =	sadd.s32 $0x10, s14;
	s17 =	sadd.s32 $0x40, s17;
	[tilespmem:v6+s18+$0x0] =	vst.idx.msk $0xffff, v4  }
0x1f7: {  	s14 =	sand.u32 $0xF0, s15;
	v1 =	vld [tilespmem:s18+$0x0]  }
0x1f8: {  	v0 =	vld [tilespmem:s14+$0x7200];
	_ =	sdelay $0x1  }
0x1f9: {  	v2 =	vld [tilespmem:s14+$0x7300];
	_ =	sdelay $0x1  }
0x1fa: {  	v3 =	vld [tilespmem:s14+$0x7400]  }
0x1fb: {  	vm0 =	vlt.s32 v1, v0  }
0x1fc: {  	v0 =	vsel vm0, v1, v0;
	v1 =	vld [tilespmem:s14+$0x7500]  }
0x1fd: {  	vm0 =	vlt.s32 v0, v2  }
0x1fe: {  	v0 =	vsel vm0, v0, v2;
	v2 =	vld [tilespmem:s14+$0x7600]  }
0x1ff: {  	vm0 =	vlt.s32 v0, v3  }
0x200: {  	v0 =	vsel vm0, v0, v3;
	v3 =	vld [tilespmem:s14+$0x7700]  }
0x201: {  	vm0 =	vlt.s32 v0, v1  }
0x202: {  	v0 =	vsel vm0, v0, v1;
	v1 =	vld [tilespmem:s14+$0x7800]  }
0x203: {  	vm0 =	vlt.s32 v0, v2  }
0x204: {  	v0 =	vsel vm0, v0, v2;
	v2 =	vld [tilespmem:s14+$0x7900]  }
0x205: {  	vm0 =	vlt.s32 v0, v3  }
0x206: {  	v0 =	vsel vm0, v0, v3;
	v3 =	vld [tilespmem:s14+$0x7A00]  }
0x207: {  	vm0 =	vlt.s32 v0, v1  }
0x208: {  	v0 =	vsel vm0, v0, v1;
	v1 =	vld [tilespmem:s14+$0x7B00]  }
0x209: {  	vm0 =	vlt.s32 v0, v2  }
0x20a: {  	v0 =	vsel vm0, v0, v2;
	v2 =	vld [tilespmem:s14+$0x7C00]  }
0x20b: {  	vm0 =	vlt.s32 v0, v3  }
0x20c: {  	v0 =	vsel vm0, v0, v3;
	v3 =	vld [tilespmem:s14+$0x7D00]  }
0x20d: {  	vm0 =	vlt.s32 v0, v1  }
0x20e: {  	v0 =	vsel vm0, v0, v1;
	v1 =	vld [tilespmem:s14+$0x7E00]  }
0x20f: {  	vm0 =	vlt.s32 v0, v2  }
0x210: {  	v0 =	vsel vm0, v0, v2;
	v2 =	vld [tilespmem:s14+$0x7F00]  }
0x211: {  	vm0 =	vlt.s32 v0, v3  }
0x212: {  	v0 =	vsel vm0, v0, v3;
	v3 =	vld [tilespmem:s14+$0x8000]  }
0x213: {  	vm0 =	vlt.s32 v0, v1  }
0x214: {  	v0 =	vsel vm0, v0, v1;
	v1 =	vld [tilespmem:s14+$0x8100]  }
0x215: {  	vm0 =	vlt.s32 v0, v2  }
0x216: {  	v0 =	vsel vm0, v0, v2;
	v2 =	vld [tilespmem:s14+$0x8200]  }
0x217: {  	vm0 =	vlt.s32 v0, v3  }
0x218: {  	v0 =	vsel vm0, v0, v3;
	v3 =	vld [tilespmem:s14+$0x8300]  }
0x219: {  	vm0 =	vlt.s32 v0, v1  }
0x21a: {  	v0 =	vsel vm0, v0, v1;
	v1 =	vld [tilespmem:s14+$0x8400]  }
0x21b: {  	vm0 =	vlt.s32 v0, v2  }
0x21c: {  	v0 =	vsel vm0, v0, v2;
	v2 =	vld [tilespmem:s14+$0x8500]  }
0x21d: {  	vm0 =	vlt.s32 v0, v3  }
0x21e: {  	v0 =	vsel vm0, v0, v3;
	v3 =	vld [tilespmem:s14+$0x8600]  }
0x21f: {  	vm0 =	vlt.s32 v0, v1  }
0x220: {  	v0 =	vsel vm0, v0, v1;
	v1 =	vld [tilespmem:s14+$0x8700]  }
0x221: {  	vm0 =	vlt.s32 v0, v2  }
0x222: {  	v0 =	vsel vm0, v0, v2;
	v2 =	vld [tilespmem:s14+$0x8800]  }
0x223: {  	vm0 =	vlt.s32 v0, v3  }
0x224: {  	v0 =	vsel vm0, v0, v3;
	v3 =	vld [tilespmem:s14+$0x8900]  }
0x225: {  	vm0 =	vlt.s32 v0, v1  }
0x226: {  	v0 =	vsel vm0, v0, v1;
	v1 =	vld [tilespmem:s14+$0x8A00]  }
0x227: {  	vm0 =	vlt.s32 v0, v2  }
0x228: {  	v0 =	vsel vm0, v0, v2;
	v2 =	vld [tilespmem:s14+$0x8B00]  }
0x229: {  	vm0 =	vlt.s32 v0, v3  }
0x22a: {  	v0 =	vsel vm0, v0, v3;
	v3 =	vld [tilespmem:s14+$0x8C00]  }
0x22b: {  	vm0 =	vlt.s32 v0, v1  }
0x22c: {  	v0 =	vsel vm0, v0, v1;
	v1 =	vld [tilespmem:s14+$0x8D00]  }
0x22d: {  	vm0 =	vlt.s32 v0, v2  }
0x22e: {  	v0 =	vsel vm0, v0, v2;
	v2 =	vld [tilespmem:s14+$0x8E00]  }
0x22f: {  	vm0 =	vlt.s32 v0, v3  }
0x230: {  	v0 =	vsel vm0, v0, v3;
	v3 =	vld [tilespmem:s14+$0x8F00]  }
0x231: {  	vm0 =	vlt.s32 v0, v1  }
0x232: {  	v0 =	vsel vm0, v0, v1;
	v1 =	vld [tilespmem:s14+$0x9000]  }
0x233: {  	vm0 =	vlt.s32 v0, v2  }
0x234: {  	v0 =	vsel vm0, v0, v2  }
0x235: {  	vm0 =	vlt.s32 v0, v3  }
0x236: {  	v0 =	vsel vm0, v0, v3  }
0x237: {  	vm0 =	vlt.s32 v0, v1  }
0x238: {  	s31 =	simm.s32 $0x10;
	s14 =	simm.s32 $0x9300;
	v0 =	vsel vm0, v0, v1  }
0x239: {  	s15 =	sand.u32 $0xF0, s31;
	[tilespmem:s14+$0x0] =	vst v0  }
0x23a: {  	s17 =	simm.s32 $0x20;
	s16 =	simm.s32 $0x7110;
	v0 =	vld [tilespmem:s15+$0x7200]  }
.LBB2_18:
0x23b: {  	p0 =	sne.s32 s17, $0xF0;
	v1 =	vld [tilespmem:s16+$0x0];
	_ =	sdelay $0x1  }
0x23c: {  	v2 =	vld [tilespmem:s15+$0x7300];
	_ =	sdelay $0x1  }
0x23d: {  	v3 =	vld [tilespmem:s15+$0x7400]  }
0x23e: {  	vm0 =	vlt.s32 v1, v0  }
0x23f: {  	v0 =	vsel vm0, v1, v0;
	v1 =	vld [tilespmem:s15+$0x7500]  }
0x240: {  	vm0 =	vlt.s32 v0, v2  }
0x241: {  	v0 =	vsel vm0, v0, v2;
	v2 =	vld [tilespmem:s15+$0x7600]  }
0x242: {  	vm0 =	vlt.s32 v0, v3  }
0x243: {  	v0 =	vsel vm0, v0, v3;
	v3 =	vld [tilespmem:s15+$0x7700]  }
0x244: {  	vm0 =	vlt.s32 v0, v1  }
0x245: {  	v0 =	vsel vm0, v0, v1;
	v1 =	vld [tilespmem:s15+$0x7800]  }
0x246: {  	vm0 =	vlt.s32 v0, v2  }
0x247: {  	v0 =	vsel vm0, v0, v2;
	v2 =	vld [tilespmem:s15+$0x7900]  }
0x248: {  	vm0 =	vlt.s32 v0, v3  }
0x249: {  	v0 =	vsel vm0, v0, v3;
	v3 =	vld [tilespmem:s15+$0x7A00]  }
0x24a: {  	vm0 =	vlt.s32 v0, v1  }
0x24b: {  	v0 =	vsel vm0, v0, v1;
	v1 =	vld [tilespmem:s15+$0x7B00]  }
0x24c: {  	vm0 =	vlt.s32 v0, v2  }
0x24d: {  	v0 =	vsel vm0, v0, v2;
	v2 =	vld [tilespmem:s15+$0x7C00]  }
0x24e: {  	vm0 =	vlt.s32 v0, v3  }
0x24f: {  	v0 =	vsel vm0, v0, v3;
	v3 =	vld [tilespmem:s15+$0x7D00]  }
0x250: {  	vm0 =	vlt.s32 v0, v1  }
0x251: {  	v0 =	vsel vm0, v0, v1;
	v1 =	vld [tilespmem:s15+$0x7E00]  }
0x252: {  	vm0 =	vlt.s32 v0, v2  }
0x253: {  	v0 =	vsel vm0, v0, v2;
	v2 =	vld [tilespmem:s15+$0x7F00]  }
0x254: {  	vm0 =	vlt.s32 v0, v3  }
0x255: {  	v0 =	vsel vm0, v0, v3;
	v3 =	vld [tilespmem:s15+$0x8000]  }
0x256: {  	vm0 =	vlt.s32 v0, v1  }
0x257: {  	v0 =	vsel vm0, v0, v1;
	v1 =	vld [tilespmem:s15+$0x8100]  }
0x258: {  	vm0 =	vlt.s32 v0, v2  }
0x259: {  	v0 =	vsel vm0, v0, v2;
	v2 =	vld [tilespmem:s15+$0x8200]  }
0x25a: {  	vm0 =	vlt.s32 v0, v3  }
0x25b: {  	v0 =	vsel vm0, v0, v3;
	v3 =	vld [tilespmem:s15+$0x8300]  }
0x25c: {  	vm0 =	vlt.s32 v0, v1  }
0x25d: {  	v0 =	vsel vm0, v0, v1;
	v1 =	vld [tilespmem:s15+$0x8400]  }
0x25e: {  	vm0 =	vlt.s32 v0, v2  }
0x25f: {  	v0 =	vsel vm0, v0, v2;
	v2 =	vld [tilespmem:s15+$0x8500]  }
0x260: {  	vm0 =	vlt.s32 v0, v3  }
0x261: {  	v0 =	vsel vm0, v0, v3;
	v3 =	vld [tilespmem:s15+$0x8600]  }
0x262: {  	vm0 =	vlt.s32 v0, v1  }
0x263: {  	v0 =	vsel vm0, v0, v1;
	v1 =	vld [tilespmem:s15+$0x8700]  }
0x264: {  	vm0 =	vlt.s32 v0, v2  }
0x265: {  	v0 =	vsel vm0, v0, v2;
	v2 =	vld [tilespmem:s15+$0x8800]  }
0x266: {  	vm0 =	vlt.s32 v0, v3  }
0x267: {  	v0 =	vsel vm0, v0, v3;
	v3 =	vld [tilespmem:s15+$0x8900]  }
0x268: {  	vm0 =	vlt.s32 v0, v1  }
0x269: {  	v0 =	vsel vm0, v0, v1;
	v1 =	vld [tilespmem:s15+$0x8A00]  }
0x26a: {  	vm0 =	vlt.s32 v0, v2  }
0x26b: {  	v0 =	vsel vm0, v0, v2;
	v2 =	vld [tilespmem:s15+$0x8B00]  }
0x26c: {  	vm0 =	vlt.s32 v0, v3  }
0x26d: {  	v0 =	vsel vm0, v0, v3;
	v3 =	vld [tilespmem:s15+$0x8C00]  }
0x26e: {  	vm0 =	vlt.s32 v0, v1  }
0x26f: {  	v0 =	vsel vm0, v0, v1;
	v1 =	vld [tilespmem:s15+$0x8D00]  }
0x270: {  	vm0 =	vlt.s32 v0, v2  }
0x271: {  	v0 =	vsel vm0, v0, v2;
	v2 =	vld [tilespmem:s15+$0x8E00]  }
0x272: {  	vm0 =	vlt.s32 v0, v3  }
0x273: {  	v0 =	vsel vm0, v0, v3;
	v3 =	vld [tilespmem:s15+$0x8F00]  }
0x274: {  	vm0 =	vlt.s32 v0, v1  }
0x275: {  	v0 =	vsel vm0, v0, v1;
	v1 =	vld [tilespmem:s15+$0x9000]  }
0x276: {  	vm0 =	vlt.s32 v0, v2  }
0x277: {  	v0 =	vsel vm0, v0, v2  }
0x278: {  	vm0 =	vlt.s32 v0, v3  }
.Ltmp9:
0x279: {  	v0 =	vsel vm0, v0, v3;
	(pc) =	sbr.rel @p0 .LBB2_18-.Ltmp9, $4  }
0x27a: {  	vm0 =	vlt.s32 v0, v1  }
0x27b: {  	s14 =	sadd.s32 $0x10, s14;
	v0 =	vsel vm0, v0, v1  }
0x27c: {  	s15 =	sand.u32 $0xF0, s17;
	[tilespmem:s14+$0x0] =	vst v0  }
0x27d: {  	s16 =	sadd.s32 $0x10, s16;
	s17 =	sadd.s32 $0x10, s17;
	v0 =	vld [tilespmem:s15+$0x7200]  }
0x27e: {  	v1 =	vld [tilespmem:s16+$0x0];
	_ =	sdelay $0x1  }
0x27f: {  	v2 =	vld [tilespmem:s15+$0x7300];
	_ =	sdelay $0x1  }
0x280: {  	v3 =	vld [tilespmem:s15+$0x7400]  }
0x281: {  	vm0 =	vlt.s32 v1, v0  }
0x282: {  	v0 =	vsel vm0, v1, v0;
	v1 =	vld [tilespmem:s15+$0x7500]  }
0x283: {  	vm0 =	vlt.s32 v0, v2  }
0x284: {  	v0 =	vsel vm0, v0, v2;
	v2 =	vld [tilespmem:s15+$0x7600]  }
0x285: {  	vm0 =	vlt.s32 v0, v3  }
0x286: {  	v0 =	vsel vm0, v0, v3;
	v3 =	vld [tilespmem:s15+$0x7700]  }
0x287: {  	vm0 =	vlt.s32 v0, v1  }
0x288: {  	v0 =	vsel vm0, v0, v1;
	v1 =	vld [tilespmem:s15+$0x7800]  }
0x289: {  	vm0 =	vlt.s32 v0, v2  }
0x28a: {  	v0 =	vsel vm0, v0, v2;
	v2 =	vld [tilespmem:s15+$0x7900]  }
0x28b: {  	vm0 =	vlt.s32 v0, v3  }
0x28c: {  	v0 =	vsel vm0, v0, v3;
	v3 =	vld [tilespmem:s15+$0x7A00]  }
0x28d: {  	vm0 =	vlt.s32 v0, v1  }
0x28e: {  	v0 =	vsel vm0, v0, v1;
	v1 =	vld [tilespmem:s15+$0x7B00]  }
0x28f: {  	vm0 =	vlt.s32 v0, v2  }
0x290: {  	v0 =	vsel vm0, v0, v2;
	v2 =	vld [tilespmem:s15+$0x7C00]  }
0x291: {  	vm0 =	vlt.s32 v0, v3  }
0x292: {  	v0 =	vsel vm0, v0, v3;
	v3 =	vld [tilespmem:s15+$0x7D00]  }
0x293: {  	vm0 =	vlt.s32 v0, v1  }
0x294: {  	v0 =	vsel vm0, v0, v1;
	v1 =	vld [tilespmem:s15+$0x7E00]  }
0x295: {  	vm0 =	vlt.s32 v0, v2  }
0x296: {  	v0 =	vsel vm0, v0, v2;
	v2 =	vld [tilespmem:s15+$0x7F00]  }
0x297: {  	vm0 =	vlt.s32 v0, v3  }
0x298: {  	v0 =	vsel vm0, v0, v3;
	v3 =	vld [tilespmem:s15+$0x8000]  }
0x299: {  	vm0 =	vlt.s32 v0, v1  }
0x29a: {  	v0 =	vsel vm0, v0, v1;
	v1 =	vld [tilespmem:s15+$0x8100]  }
0x29b: {  	vm0 =	vlt.s32 v0, v2  }
0x29c: {  	v0 =	vsel vm0, v0, v2;
	v2 =	vld [tilespmem:s15+$0x8200]  }
0x29d: {  	vm0 =	vlt.s32 v0, v3  }
0x29e: {  	v0 =	vsel vm0, v0, v3;
	v3 =	vld [tilespmem:s15+$0x8300]  }
0x29f: {  	vm0 =	vlt.s32 v0, v1  }
0x2a0: {  	v0 =	vsel vm0, v0, v1;
	v1 =	vld [tilespmem:s15+$0x8400]  }
0x2a1: {  	vm0 =	vlt.s32 v0, v2  }
0x2a2: {  	v0 =	vsel vm0, v0, v2;
	v2 =	vld [tilespmem:s15+$0x8500]  }
0x2a3: {  	vm0 =	vlt.s32 v0, v3  }
0x2a4: {  	v0 =	vsel vm0, v0, v3;
	v3 =	vld [tilespmem:s15+$0x8600]  }
0x2a5: {  	vm0 =	vlt.s32 v0, v1  }
0x2a6: {  	v0 =	vsel vm0, v0, v1;
	v1 =	vld [tilespmem:s15+$0x8700]  }
0x2a7: {  	vm0 =	vlt.s32 v0, v2  }
0x2a8: {  	v0 =	vsel vm0, v0, v2;
	v2 =	vld [tilespmem:s15+$0x8800]  }
0x2a9: {  	vm0 =	vlt.s32 v0, v3  }
0x2aa: {  	v0 =	vsel vm0, v0, v3;
	v3 =	vld [tilespmem:s15+$0x8900]  }
0x2ab: {  	vm0 =	vlt.s32 v0, v1  }
0x2ac: {  	v0 =	vsel vm0, v0, v1;
	v1 =	vld [tilespmem:s15+$0x8A00]  }
0x2ad: {  	vm0 =	vlt.s32 v0, v2  }
0x2ae: {  	v0 =	vsel vm0, v0, v2;
	v2 =	vld [tilespmem:s15+$0x8B00]  }
0x2af: {  	vm0 =	vlt.s32 v0, v3  }
0x2b0: {  	v0 =	vsel vm0, v0, v3;
	v3 =	vld [tilespmem:s15+$0x8C00]  }
0x2b1: {  	vm0 =	vlt.s32 v0, v1  }
0x2b2: {  	v0 =	vsel vm0, v0, v1;
	v1 =	vld [tilespmem:s15+$0x8D00]  }
0x2b3: {  	vm0 =	vlt.s32 v0, v2  }
0x2b4: {  	v0 =	vsel vm0, v0, v2;
	v2 =	vld [tilespmem:s15+$0x8E00]  }
0x2b5: {  	vm0 =	vlt.s32 v0, v3  }
0x2b6: {  	v0 =	vsel vm0, v0, v3;
	v3 =	vld [tilespmem:s15+$0x8F00]  }
0x2b7: {  	vm0 =	vlt.s32 v0, v1  }
0x2b8: {  	v0 =	vsel vm0, v0, v1;
	v1 =	vld [tilespmem:s15+$0x9000]  }
0x2b9: {  	vm0 =	vlt.s32 v0, v2  }
0x2ba: {  	v0 =	vsel vm0, v0, v2  }
0x2bb: {  	vm0 =	vlt.s32 v0, v3  }
0x2bc: {  	v0 =	vsel vm0, v0, v3  }
0x2bd: {  	vm0 =	vlt.s32 v0, v1  }
0x2be: {  	s14 =	sadd.s32 $0x10, s14;
	v0 =	vsel vm0, v0, v1  }
0x2bf: {  	s28 =	simm.s32 $0x2;
	[tilespmem:s14+$0x0] =	vst v0;
	s14 =	simm.s32 $0x9300  }
0x2c0: {  	[spmem:s13] =	stream.linear.scatter [tilespmem:s14], [sflag:$0x2], $0x100, $0x38;
	[tilespmem:$0x11C00] =	vst v63  }
0x2c1: {  	_ =	swait.ge [sflag:s28], $0x100  }
0x2c2: {  	[sflag:s28] =	ssyncset.done $0x0  }
0x2c3: {  	[sflag:s28] =	ssyncadd.s32 $0xFFFFFF00  }
0x2c4: {  	s29 =	simm.s32 $0xA700;
	[bflag:$0x0] =	sbarrier.arrive $0xFFFF  }
0x2c5: {  	[tilespmem:s29], [sflag:$0x2] =	stream.linear.gather [spmem:s12], $0x1000, $0x38;
	[tilespmem:$0x11C00] =	vst v63  }
0x2c6: {  	_ =	swait.ge [sflag:s28], $0x1000  }
0x2c7: {  	s30 =	simm.s32 $0x0;
	[sflag:s28] =	ssyncset.done $0x0  }
0x2c8: {  	s12 =	sand.u32 $0xF0, s30;
	[sflag:s28] =	ssyncadd.s32 $0xFFFFF000  }
0x2c9: {  	v0 =	vld [tilespmem:s12+$0xA800]  }
0x2ca: {  	v1 =	vld [tilespmem:s29+$0x0];
	_ =	sdelay $0x1  }
0x2cb: {  	v2 =	vld [tilespmem:s12+$0xA900];
	_ =	sdelay $0x1  }
0x2cc: {  	v3 =	vld [tilespmem:s12+$0xAA00]  }
0x2cd: {  	vm15 =	vlt.s32 v1, v0  }
0x2ce: {  	v0 =	vsel vm15, v1, v0;
	v1 =	vld [tilespmem:s12+$0xAB00]  }
0x2cf: {  	vm0 =	vlt.s32 v0, v2  }
0x2d0: {  	v0 =	vsel vm0, v0, v2;
	v2 =	vld [tilespmem:s12+$0xAC00]  }
0x2d1: {  	vm0 =	vlt.s32 v0, v3  }
0x2d2: {  	v0 =	vsel vm0, v0, v3;
	v3 =	vld [tilespmem:s12+$0xAD00]  }
0x2d3: {  	vm0 =	vlt.s32 v0, v1  }
0x2d4: {  	v0 =	vsel vm0, v0, v1;
	v1 =	vld [tilespmem:s12+$0xAE00]  }
0x2d5: {  	vm0 =	vlt.s32 v0, v2  }
0x2d6: {  	v0 =	vsel vm0, v0, v2;
	v2 =	vld [tilespmem:s12+$0xAF00]  }
0x2d7: {  	vm0 =	vlt.s32 v0, v3  }
0x2d8: {  	v0 =	vsel vm0, v0, v3;
	v3 =	vld [tilespmem:s12+$0xB000]  }
0x2d9: {  	vm0 =	vlt.s32 v0, v1  }
0x2da: {  	v0 =	vsel vm0, v0, v1;
	v1 =	vld [tilespmem:s12+$0xB100]  }
0x2db: {  	vm0 =	vlt.s32 v0, v2  }
0x2dc: {  	v0 =	vsel vm0, v0, v2;
	v2 =	vld [tilespmem:s12+$0xB200]  }
0x2dd: {  	vm0 =	vlt.s32 v0, v3  }
0x2de: {  	v0 =	vsel vm0, v0, v3;
	v3 =	vld [tilespmem:s12+$0xB300]  }
0x2df: {  	vm0 =	vlt.s32 v0, v1  }
0x2e0: {  	v0 =	vsel vm0, v0, v1;
	v1 =	vld [tilespmem:s12+$0xB400]  }
0x2e1: {  	vm0 =	vlt.s32 v0, v2  }
0x2e2: {  	v0 =	vsel vm0, v0, v2;
	v2 =	vld [tilespmem:s12+$0xB500]  }
0x2e3: {  	vm0 =	vlt.s32 v0, v3  }
0x2e4: {  	v0 =	vsel vm0, v0, v3;
	v3 =	vld [tilespmem:s12+$0xB600]  }
0x2e5: {  	vm0 =	vlt.s32 v0, v1  }
0x2e6: {  	v0 =	vsel vm0, v0, v1  }
0x2e7: {  	vm0 =	vlt.s32 v0, v2  }
0x2e8: {  	v0 =	vsel vm0, v0, v2  }
0x2e9: {  	vm0 =	vlt.s32 v0, v3  }
0x2ea: {  	v0 =	vsel vm0, v0, v3  }
0x2eb: {  	vm0 =	vlt.s32 v0, $0x1869F  }
0x2ec: {  	s31 =	simm.s32 $0x10;
	s12 =	simm.s32 $0x9400;
	[tilespmem:s14+$0x0] =	vst v0;
	v0 =	vnsel vm0, $0x1869F, v0  }
0x2ed: {  	s13 =	sand.u32 $0xF0, s31;
	[tilespmem:s12+$0x0] =	vst v0  }
0x2ee: {  	s16 =	simm.s32 $0x20;
	s15 =	simm.s32 $0xA710;
	v0 =	vld [tilespmem:s13+$0xA800]  }
.LBB2_20:
0x2ef: {  	p0 =	sne.s32 s16, $0xF0;
	v1 =	vld [tilespmem:s15+$0x0];
	_ =	sdelay $0x1  }
0x2f0: {  	v2 =	vld [tilespmem:s13+$0xA900];
	_ =	sdelay $0x1  }
0x2f1: {  	v3 =	vld [tilespmem:s13+$0xAA00]  }
0x2f2: {  	vm0 =	vlt.s32 v1, v0  }
0x2f3: {  	v0 =	vsel vm0, v1, v0;
	v1 =	vld [tilespmem:s13+$0xAB00]  }
0x2f4: {  	vm0 =	vlt.s32 v0, v2  }
0x2f5: {  	v0 =	vsel vm0, v0, v2;
	v2 =	vld [tilespmem:s13+$0xAC00]  }
0x2f6: {  	vm0 =	vlt.s32 v0, v3  }
0x2f7: {  	v0 =	vsel vm0, v0, v3;
	v3 =	vld [tilespmem:s13+$0xAD00]  }
0x2f8: {  	vm0 =	vlt.s32 v0, v1  }
0x2f9: {  	v0 =	vsel vm0, v0, v1;
	v1 =	vld [tilespmem:s13+$0xAE00]  }
0x2fa: {  	vm0 =	vlt.s32 v0, v2  }
0x2fb: {  	v0 =	vsel vm0, v0, v2;
	v2 =	vld [tilespmem:s13+$0xAF00]  }
0x2fc: {  	vm0 =	vlt.s32 v0, v3  }
0x2fd: {  	v0 =	vsel vm0, v0, v3;
	v3 =	vld [tilespmem:s13+$0xB000]  }
0x2fe: {  	vm0 =	vlt.s32 v0, v1  }
0x2ff: {  	v0 =	vsel vm0, v0, v1;
	v1 =	vld [tilespmem:s13+$0xB100]  }
0x300: {  	vm0 =	vlt.s32 v0, v2  }
0x301: {  	v0 =	vsel vm0, v0, v2;
	v2 =	vld [tilespmem:s13+$0xB200]  }
0x302: {  	vm0 =	vlt.s32 v0, v3  }
0x303: {  	v0 =	vsel vm0, v0, v3;
	v3 =	vld [tilespmem:s13+$0xB300]  }
0x304: {  	vm0 =	vlt.s32 v0, v1  }
0x305: {  	v0 =	vsel vm0, v0, v1;
	v1 =	vld [tilespmem:s13+$0xB400]  }
0x306: {  	vm0 =	vlt.s32 v0, v2  }
0x307: {  	v0 =	vsel vm0, v0, v2;
	v2 =	vld [tilespmem:s13+$0xB500]  }
0x308: {  	vm0 =	vlt.s32 v0, v3  }
0x309: {  	v0 =	vsel vm0, v0, v3;
	v3 =	vld [tilespmem:s13+$0xB600]  }
0x30a: {  	vm0 =	vlt.s32 v0, v1  }
0x30b: {  	v0 =	vsel vm0, v0, v1  }
0x30c: {  	vm0 =	vlt.s32 v0, v2  }
0x30d: {  	v0 =	vsel vm0, v0, v2  }
0x30e: {  	vm0 =	vlt.s32 v0, v3  }
.Ltmp10:
0x30f: {  	s14 =	sadd.s32 $0x10, s14;
	v0 =	vsel vm0, v0, v3;
	(pc) =	sbr.rel @p0 .LBB2_20-.Ltmp10, $4  }
0x310: {  	[tilespmem:s14+$0x0] =	vst v0;
	vm0 =	vlt.s32 v0, $0x1869F  }
0x311: {  	s12 =	sadd.s32 $0x10, s12;
	v0 =	vnsel vm0, $0x1869F, v0  }
0x312: {  	s13 =	sand.u32 $0xF0, s16;
	[tilespmem:s12+$0x0] =	vst v0  }
0x313: {  	s15 =	sadd.s32 $0x10, s15;
	s16 =	sadd.s32 $0x10, s16;
	v0 =	vld [tilespmem:s13+$0xA800]  }
0x314: {  	v1 =	vld [tilespmem:s15+$0x0];
	_ =	sdelay $0x1  }
0x315: {  	v2 =	vld [tilespmem:s13+$0xA900];
	_ =	sdelay $0x1  }
0x316: {  	v3 =	vld [tilespmem:s13+$0xAA00]  }
0x317: {  	vm0 =	vlt.s32 v1, v0  }
0x318: {  	v0 =	vsel vm0, v1, v0;
	v1 =	vld [tilespmem:s13+$0xAB00]  }
0x319: {  	vm0 =	vlt.s32 v0, v2  }
0x31a: {  	v0 =	vsel vm0, v0, v2;
	v2 =	vld [tilespmem:s13+$0xAC00]  }
0x31b: {  	vm0 =	vlt.s32 v0, v3  }
0x31c: {  	v0 =	vsel vm0, v0, v3;
	v3 =	vld [tilespmem:s13+$0xAD00]  }
0x31d: {  	vm0 =	vlt.s32 v0, v1  }
0x31e: {  	v0 =	vsel vm0, v0, v1;
	v1 =	vld [tilespmem:s13+$0xAE00]  }
0x31f: {  	vm0 =	vlt.s32 v0, v2  }
0x320: {  	v0 =	vsel vm0, v0, v2;
	v2 =	vld [tilespmem:s13+$0xAF00]  }
0x321: {  	vm0 =	vlt.s32 v0, v3  }
0x322: {  	v0 =	vsel vm0, v0, v3;
	v3 =	vld [tilespmem:s13+$0xB000]  }
0x323: {  	vm0 =	vlt.s32 v0, v1  }
0x324: {  	v0 =	vsel vm0, v0, v1;
	v1 =	vld [tilespmem:s13+$0xB100]  }
0x325: {  	vm0 =	vlt.s32 v0, v2  }
0x326: {  	v0 =	vsel vm0, v0, v2;
	v2 =	vld [tilespmem:s13+$0xB200]  }
0x327: {  	vm0 =	vlt.s32 v0, v3  }
0x328: {  	v0 =	vsel vm0, v0, v3;
	v3 =	vld [tilespmem:s13+$0xB300]  }
0x329: {  	vm0 =	vlt.s32 v0, v1  }
0x32a: {  	v0 =	vsel vm0, v0, v1;
	v1 =	vld [tilespmem:s13+$0xB400]  }
0x32b: {  	vm0 =	vlt.s32 v0, v2  }
0x32c: {  	v0 =	vsel vm0, v0, v2;
	v2 =	vld [tilespmem:s13+$0xB500]  }
0x32d: {  	vm0 =	vlt.s32 v0, v3  }
0x32e: {  	v0 =	vsel vm0, v0, v3;
	v3 =	vld [tilespmem:s13+$0xB600]  }
0x32f: {  	vm0 =	vlt.s32 v0, v1  }
0x330: {  	v0 =	vsel vm0, v0, v1  }
0x331: {  	vm0 =	vlt.s32 v0, v2  }
0x332: {  	v0 =	vsel vm0, v0, v2  }
0x333: {  	vm0 =	vlt.s32 v0, v3  }
0x334: {  	v0 =	vsel vm0, v0, v3  }
0x335: {  	s28 =	sadd.s32 $0x10, s14;
	vm0 =	vlt.s32 v0, $0x1869F  }
0x336: {  	s12 =	sadd.s32 $0x10, s12;
	s29 =	simm.s32 $0x100;
	[tilespmem:s28+$0x0] =	vst v0;
	v0 =	vnsel vm0, $0x1869F, v0  }
0x337: {  	s30 =	simm.s32 $0x9400;
	s31 =	simm.s32 $0x1;
	[tilespmem:s12+$0x0] =	vst v0;
	s12 =	simm.s32 $0x9500  }
0x338: {  	[tilespmem:s12], [sflag:$0x1] =	stream.indirect.gather [hbm4b:s11+s29], $0x1, s30, s29, $0xb8;
	[tilespmem:$0x11C00] =	vst v63  }
0x339: {  	_ =	swait.ge [sflag:s31], $0x100  }
0x33a: {  	[sflag:s31] =	ssyncset.done $0x0  }
0x33b: {  	s11 =	simm.s32 $0x9600;
	[sflag:s31] =	ssyncadd.s32 $0xFFFFFF00  }
0x33c: {  	[tilespmem:s11], [sflag:$0x1] =	stream.indirect.gather [hbm4b:s10+s29], $0x1, s30, s29, $0xb8;
	[tilespmem:$0x11C00] =	vst v63  }
0x33d: {  	_ =	swait.ge [sflag:s31], $0x100  }
0x33e: {  	[sflag:s31] =	ssyncset.done $0x0  }
0x33f: {  	s14 =	simm.s32 $0x0;
	[sflag:s31] =	ssyncadd.s32 $0xFFFFFF00  }
0x340: {  	v1 =	vld [tilespmem:s14+$0x0];
	_ =	sdelay $0x5  }
0x341: {  	v0 =	vld [tilespmem:s14+$0xC40];
	_ =	sdelay $0x1  }
0x342: {  	v2 =	vld.idx.msk [tilespmem:v1+s12+$0x0], $0xffff;
	_ =	sdelay $0x4  }
0x343: {  	[tilespmem:s14+$0xB700] =	vst v2  }
0x344: {  	v2 =	vld.idx.msk [tilespmem:v0+s12+$0x0], $0xffff;
	_ =	sdelay $0x4  }
0x345: {  	[tilespmem:s14+$0xC340] =	vst v2  }
0x346: {  	v2 =	vld.idx.msk [tilespmem:v1+s11+$0x0], $0xffff;
	_ =	sdelay $0x4  }
0x347: {  	[tilespmem:s14+$0xCF80] =	vst v2  }
0x348: {  	v2 =	vld.idx.msk [tilespmem:v0+s11+$0x0], $0xffff;
	_ =	sdelay $0x4  }
0x349: {  	s10 =	simm.s32 $0x9100;
	[tilespmem:s14+$0xDBC0] =	vst v2  }
0x34a: {  	v2 =	vld.idx.msk [tilespmem:v1+s10+$0x0], $0xffff;
	_ =	sdelay $0x4  }
0x34b: {  	[tilespmem:s14+$0xE800] =	vst v2  }
0x34c: {  	v2 =	vld.idx.msk [tilespmem:v0+s10+$0x0], $0xffff;
	_ =	sdelay $0x4  }
0x34d: {  	s13 =	simm.s32 $0x9200;
	[tilespmem:s14+$0xF440] =	vst v2  }
0x34e: {  	v1 =	vld.idx.msk [tilespmem:v1+s13+$0x0], $0xffff;
	_ =	sdelay $0x3  }
0x34f: {  	s16 =	simm.s32 $0x10;
	s15 =	simm.s32 $0x80  }
.LBB2_22:
0x350: {  	p0 =	sne.s32 s15, $0x30C0;
	v2 =	vld [tilespmem:s16+$0x0];
	[tilespmem:s14+$0x10080] =	vst v1  }
0x351: {  	v1 =	vld.idx.msk [tilespmem:v0+s13+$0x0], $0xffff;
	_ =	sdelay $0x5  }
0x352: {  	v0 =	vld [tilespmem:s16+$0xC40];
	[tilespmem:s14+$0x10CC0] =	vst v1;
	s14 =	smov.u32 s16  }
0x353: {  	v1 =	vld.idx.msk [tilespmem:v2+s12+$0x0], $0xffff;
	_ =	sdelay $0x5  }
0x354: {  	[tilespmem:s14+$0xB700] =	vst v1  }
0x355: {  	v1 =	vld.idx.msk [tilespmem:v0+s12+$0x0], $0xffff;
	_ =	sdelay $0x5  }
0x356: {  	[tilespmem:s14+$0xC340] =	vst v1  }
0x357: {  	v1 =	vld.idx.msk [tilespmem:v2+s11+$0x0], $0xffff;
	_ =	sdelay $0x5  }
0x358: {  	[tilespmem:s14+$0xCF80] =	vst v1  }
0x359: {  	v1 =	vld.idx.msk [tilespmem:v0+s11+$0x0], $0xffff;
	_ =	sdelay $0x5  }
0x35a: {  	[tilespmem:s14+$0xDBC0] =	vst v1  }
0x35b: {  	v1 =	vld.idx.msk [tilespmem:v2+s10+$0x0], $0xffff;
	_ =	sdelay $0x5  }
0x35c: {  	[tilespmem:s14+$0xE800] =	vst v1  }
0x35d: {  	v1 =	vld.idx.msk [tilespmem:v0+s10+$0x0], $0xffff;
	_ =	sdelay $0x5  }
0x35e: {  	[tilespmem:s14+$0xF440] =	vst v1  }
0x35f: {  	v1 =	vld.idx.msk [tilespmem:v2+s13+$0x0], $0xffff  }
.Ltmp11:
0x360: {  	(pc) =	sbr.rel @p0 .LBB2_22-.Ltmp11, $2  }
0x361: {  	_ =	sdelay $0x2  }
0x362: {  	s16 =	sshra.s32 s15, $0x2;
	s15 =	sadd.s32 $0x40, s15  }
0x363: {  	_ =	sdelay $0x1  }
0x364: {  	v2 =	vld [tilespmem:s16+$0x0]  }
0x365: {  	[tilespmem:s14+$0x10080] =	vst v1  }
0x366: {  	v0 =	vld.idx.msk [tilespmem:v0+s13+$0x0], $0xffff;
	_ =	sdelay $0x3  }
0x367: {  	v1 =	vld [tilespmem:s16+$0xC40]  }
0x368: {  	[tilespmem:s14+$0x10CC0] =	vst v0  }
0x369: {  	v0 =	vld.idx.msk [tilespmem:v2+s12+$0x0], $0xffff;
	_ =	sdelay $0x4  }
0x36a: {  	[tilespmem:s16+$0xB700] =	vst v0  }
0x36b: {  	v0 =	vld.idx.msk [tilespmem:v1+s12+$0x0], $0xffff;
	_ =	sdelay $0x4  }
0x36c: {  	[tilespmem:s16+$0xC340] =	vst v0  }
0x36d: {  	v0 =	vld.idx.msk [tilespmem:v2+s11+$0x0], $0xffff;
	_ =	sdelay $0x4  }
0x36e: {  	[tilespmem:s16+$0xCF80] =	vst v0  }
0x36f: {  	v0 =	vld.idx.msk [tilespmem:v1+s11+$0x0], $0xffff;
	_ =	sdelay $0x4  }
0x370: {  	[tilespmem:s16+$0xDBC0] =	vst v0  }
0x371: {  	v0 =	vld.idx.msk [tilespmem:v2+s10+$0x0], $0xffff;
	_ =	sdelay $0x4  }
0x372: {  	[tilespmem:s16+$0xE800] =	vst v0  }
0x373: {  	v0 =	vld.idx.msk [tilespmem:v1+s10+$0x0], $0xffff;
	_ =	sdelay $0x4  }
0x374: {  	[tilespmem:s16+$0xF440] =	vst v0  }
0x375: {  	v0 =	vld.idx.msk [tilespmem:v2+s13+$0x0], $0xffff;
	_ =	sdelay $0x4  }
0x376: {  	[tilespmem:s16+$0x10080] =	vst v0  }
0x377: {  	v0 =	vld.idx.msk [tilespmem:v1+s13+$0x0], $0xffff;
	_ =	sdelay $0x4  }
0x378: {  	s25 =	simm.s32 $0x0;
	s26 =	simm.s32 $0xB700;
	s28 =	simm.s32 $0x2;
	[tilespmem:s16+$0x10CC0] =	vst v0  }
0x379: {  	[hbm4b:s9+s25] =	stream.linear.scatter [tilespmem:s26], [sflag:$0x2], $0x1880, $0x38;
	[tilespmem:$0x11C00] =	vst v63  }
0x37a: {  	_ =	swait.ge [sflag:s28], $0x1880  }
0x37b: {  	[sflag:s28] =	ssyncset.done $0x0  }
0x37c: {  	s29 =	simm.s32 $0xCF80;
	[sflag:s28] =	ssyncadd.s32 $0xFFFFE780  }
0x37d: {  	[hbm4b:s8+s25] =	stream.linear.scatter [tilespmem:s29], [sflag:$0x2], $0x1880, $0x38;
	[tilespmem:$0x11C00] =	vst v63  }
0x37e: {  	_ =	swait.ge [sflag:s28], $0x1880  }
0x37f: {  	[sflag:s28] =	ssyncset.done $0x0  }
0x380: {  	s30 =	simm.s32 $0xE800;
	[sflag:s28] =	ssyncadd.s32 $0xFFFFE780  }
0x381: {  	[hbm4b:s7+s25] =	stream.linear.scatter [tilespmem:s30], [sflag:$0x2], $0x1880, $0x38;
	[tilespmem:$0x11C00] =	vst v63  }
0x382: {  	_ =	swait.ge [sflag:s28], $0x1880  }
0x383: {  	[sflag:s28] =	ssyncset.done $0x0  }
0x384: {  	s31 =	simm.s32 $0x10080;
	[sflag:s28] =	ssyncadd.s32 $0xFFFFE780  }
0x385: {  	[hbm4b:s6+s25] =	stream.linear.scatter [tilespmem:s31], [sflag:$0x2], $0x1880, $0x38;
	[tilespmem:$0x11C00] =	vst v63  }
0x386: {  	_ =	swait.ge [sflag:s28], $0x1880  }
0x387: {  	[sflag:s28] =	ssyncset.done $0x0  }
0x388: {  	p0 =	sne.s32 s1, $0x0;
	[sflag:s28] =	ssyncadd.s32 $0xFFFFE780  }
0x389: {  	_ =	sfence.sel @p0 $0x180000  }
0x38a: {  	[bflag:$0x0] =	sbarrier.arrive @p0 $0xFFFF  }
0x38b: {  	_ =	strace @p0 $0x90000047  }
0x38c: {  	s1 =	simm.s32 @!p0 $0x0;
	s6 =	simm.s32 @!p0 $0x9100;
	[bflag:$0x2] =	sbarrier.arrive @p0 $0xFFFF  }
0x38d: {  	[hbm4b:s5+s1] =	stream.linear.scatter @!p0 [tilespmem:s6], [sflag:$0x2], $0x100, $0x38;
	[tilespmem:$0x11C00] =	vst v63  }
0x38e: {  	s5 =	simm.s32 @!p0 $0x2  }
0x38f: {  	_ =	swait.ge @!p0 [sflag:s5], $0x100  }
0x390: {  	[sflag:s5] =	ssyncset.done @!p0 $0x0  }
0x391: {  	s6 =	simm.s32 @!p0 $0x9200;
	[sflag:s5] =	ssyncadd.s32 @!p0 $0xFFFFFF00  }
0x392: {  	[hbm4b:s4+s1] =	stream.linear.scatter @!p0 [tilespmem:s6], [sflag:$0x2], $0x100, $0x38;
	[tilespmem:$0x11C00] =	vst v63  }
0x393: {  	_ =	swait.ge @!p0 [sflag:s5], $0x100  }
0x394: {  	[sflag:s5] =	ssyncset.done @!p0 $0x0  }
0x395: {  	s4 =	simm.s32 @!p0 $0x9500;
	[sflag:s5] =	ssyncadd.s32 @!p0 $0xFFFFFF00  }
0x396: {  	[hbm4b:s3+s1] =	stream.linear.scatter @!p0 [tilespmem:s4], [sflag:$0x2], $0x100, $0x38;
	[tilespmem:$0x11C00] =	vst v63  }
0x397: {  	_ =	swait.ge @!p0 [sflag:s5], $0x100  }
0x398: {  	[sflag:s5] =	ssyncset.done @!p0 $0x0  }
0x399: {  	s3 =	simm.s32 @!p0 $0x9600;
	[sflag:s5] =	ssyncadd.s32 @!p0 $0xFFFFFF00  }
0x39a: {  	[hbm4b:s2+s1] =	stream.linear.scatter @!p0 [tilespmem:s3], [sflag:$0x2], $0x100, $0x38;
	[tilespmem:$0x11C00] =	vst v63  }
0x39b: {  	_ =	swait.ge @!p0 [sflag:s5], $0x100  }
0x39c: {  	[sflag:s5] =	ssyncset.done @!p0 $0x0  }
0x39d: {  	[sflag:s5] =	ssyncadd.s32 @!p0 $0xFFFFFF00  }
0x39e: {  	_ =	sfence.sel @!p0 $0x180000  }
0x39f: {  	[bflag:$0x0] =	sbarrier.arrive @!p0 $0xFFFF  }
0x3a0: {  	_ =	strace @!p0 $0x90000047  }
0x3a1: {  	s0 =	sadd.s32 @!p0 $0x100000, s0;
	[bflag:$0x2] =	sbarrier.arrive @!p0 $0xFFFF  }
0x3a2: {  	[sflag:s0] =	ssyncadd.tile.s32 @!p0 $0x1;
	_ =	shalt  }
.Lfunc_end2:
_tile_overlayer_lowered:
.L_overlay_start_2:
0x3a3: {  	(tag) =	ssettag $0x2  }
0x3a4: {  	s0 =	rddreg [dreg:$0x0];
	s2 =	stileid.u32  }
0x3a5: {  	s1 =	rddreg [dreg:$0x1];
	p0 =	sne.s32 s2, $0x0  }
0x3a6: {  	s3 =	rddreg [dreg:$0x2];
	[bflag:$0x3] =	sbarrier.arrive $0xFFFF;
	s2 =	simm.s32 @!p0 $0x1C02  }
0x3a7: {  	[timem:s3], [sflag:s2] =	dma.local @!p0 [hbm:s0], s1  }
0x3a8: {  	s0 =	simm.s32 @!p0 $0x2  }
0x3a9: {  	_ =	swait.ge @!p0 [sflag:s0], s1  }
0x3aa: {  	s1 =	ssub.s32 @!p0 $0x0, s1;
	[sflag:s0] =	ssyncset.done @!p0 $0x0  }
0x3ab: {  	[sflag:s0] =	ssyncadd.s32 @!p0 s1  }
0x3ac: {  	[bflag:$0x3] =	sbarrier.arrive $0xFFFF  }
0x3ad: {  	_ =	shalt  }

</sc_bundles>
